<compile_context>
chip_gen: v7x
topology: tpu7x:2x2x1
jax: 0.10.2.dev20260603
libtpu: 0.0.44.dev20260713+nightly
codegen_flags: <defaults>
</compile_context>

<pallas_src>
import functools

import jax
import jax.numpy as jnp
from jax import lax
from jax.experimental import pallas as pl
from jax.experimental.pallas import tpu as pltpu
from jax.experimental.pallas import tpu_sc as plsc

_N = 10000
_E = 320000
_HC = 128
_H = 8
_G = 64
_NC = 2
_NS = 16
_NW = _NC * _NS
_EP = _E // _NW
_CB = 125
_SB = 1000
_NP = 10240
_RP = _NP // _NS
_BN = 2000
_NB = _N // _BN

_f32 = jnp.float32



_CR = _SB // _CB
_ER = _EP // _CB


def _sc_edge_body(h_hbm, als_hbm, ald_hbm, src_hbm, dst_hbm, ea_hbm, we_hbm,
                  zout_hbm, zden_hbm, acc_out, den_out,
                  src_m, dst_m, ea_v, asd_s, asd_d, rows,
                  den_st, we_v, out_s, den_s):
    c = lax.axis_index("c")
    s = lax.axis_index("s")
    wid = s * _NC + c
    r0 = s * _RP
    pltpu.sync_copy(zout_hbm.at[pl.ds(r0, _RP)], out_s.at[pl.ds(r0, _RP)])
    pltpu.sync_copy(zden_hbm.at[pl.ds(r0, _RP)], den_s.at[pl.ds(r0, _RP)])
    pltpu.sync_copy(we_hbm, we_v)
    plsc.subcore_barrier()

    wvec = we_v[...]
    lane = lax.broadcasted_iota(jnp.int32, (16,), 0)
    m_lo = lane < 8
    oh8 = (lane == 8).astype(_f32)
    oh9 = (lane == 9).astype(_f32)
    ohf = [(lane == hh).astype(_f32) for hh in range(_H)]
    base = wid * _ER

    def outer(osc, carry):
        rbase = base + osc * _CR
        pltpu.sync_copy(src_hbm.at[pl.ds(rbase, _CR)], src_m)
        pltpu.sync_copy(dst_hbm.at[pl.ds(rbase, _CR)], dst_m)
        pltpu.sync_copy(ea_hbm.at[pl.ds(rbase * _CB, _SB)],
                        ea_v.at[pl.ds(0, _SB)])

        def inner(ci, carry2):
            coff = ci * _CB
            sv = src_m.at[ci]
            dv = dst_m.at[ci]
            pltpu.sync_copy(als_hbm.at[sv], asd_s)
            pltpu.sync_copy(ald_hbm.at[dv], asd_d)
            pltpu.sync_copy(h_hbm.at[sv], rows)

            def ebody(e, carry3):
                eav = plsc.load_gather(
                    ea_v, [jnp.full((16,), coff + e, jnp.int32)])
                al = asd_s[e, :] + asd_d[e, :] + eav * wvec
                al = jnp.where(al > 0, al, 0.2 * al)
                al = jnp.minimum(al, 60.0)
                ex = jnp.exp(al)
                den_st[e, :] = jnp.where(m_lo, ex, eav * oh8 + oh9)
                for hh in range(8):
                    sl = pl.ds(hh * 16, 16)
                    rows[e, sl] = rows[e, sl] * ex[hh]
                return carry3

            lax.fori_loop(0, _CB, ebody, 0)
            pltpu.sync_copy(den_st, den_s.at[dv], add=True)
            pltpu.sync_copy(rows, out_s.at[dv], add=True)
            return carry2

        lax.fori_loop(0, _CR, inner, 0)
        return carry

    lax.fori_loop(0, _EP // _SB, outer, 0)
    plsc.subcore_barrier()
    pltpu.sync_copy(out_s.at[pl.ds(r0, _RP)], acc_out.at[c, pl.ds(r0, _RP)])
    pltpu.sync_copy(den_s.at[pl.ds(r0, _RP)], den_out.at[c, pl.ds(r0, _RP)])


@functools.lru_cache(maxsize=1)
def _sc_edge_pass_build():
  return pl.kernel(
    _sc_edge_body,
    out_type=(jax.ShapeDtypeStruct((_NC, _NP, _HC), _f32),
              jax.ShapeDtypeStruct((_NC, _NP, 16), _f32)),
    mesh=plsc.VectorSubcoreMesh(core_axis_name="c", subcore_axis_name="s",
                                num_cores=_NC, num_subcores=_NS),
    compiler_params=pltpu.CompilerParams(use_tc_tiling_on_sc=False,
                                         needs_layout_passes=False),
    scratch_types=[
        pltpu.VMEM((_CR, _CB), jnp.int32),
        pltpu.VMEM((_CR, _CB), jnp.int32),
        pltpu.VMEM((_SB + 16,), _f32),
        pltpu.VMEM((_CB, 16), _f32),
        pltpu.VMEM((_CB, 16), _f32),
        pltpu.VMEM((_CB, _HC), _f32),
        pltpu.VMEM((_CB, 16), _f32),
        pltpu.VMEM((16,), _f32),
        pltpu.VMEM_SHARED((_NP, _HC), _f32),
        pltpu.VMEM_SHARED((_NP, 16), _f32),
    ],
  )


def _sc_edge_pass(*args):
    return _sc_edge_pass_build()(*args)



def _head_body(x_ref, w_ref, as_ref, ad_ref, h_ref, als_ref, ald_ref):
    h = jnp.dot(x_ref[...], w_ref[...], preferred_element_type=_f32)
    h_ref[...] = h
    als_ref[...] = jnp.dot(h, as_ref[...], preferred_element_type=_f32)
    ald_ref[...] = jnp.dot(h, ad_ref[...], preferred_element_type=_f32)


def _head_call(x, W, AmS, AmD, interpret=False):
    return pl.pallas_call(
        _head_body,
        grid=(_NB,),
        in_specs=[
            pl.BlockSpec((_BN, _HC), lambda i: (i, 0)),
            pl.BlockSpec((_HC, _HC), lambda i: (0, 0)),
            pl.BlockSpec((_HC, 16), lambda i: (0, 0)),
            pl.BlockSpec((_HC, 16), lambda i: (0, 0)),
        ],
        out_specs=[
            pl.BlockSpec((_BN, _HC), lambda i: (i, 0)),
            pl.BlockSpec((_BN, 16), lambda i: (i, 0)),
            pl.BlockSpec((_BN, 16), lambda i: (i, 0)),
        ],
        out_shape=[
            jax.ShapeDtypeStruct((_N, _HC), _f32),
            jax.ShapeDtypeStruct((_N, 16), _f32),
            jax.ShapeDtypeStruct((_N, 16), _f32),
        ],
        interpret=interpret,
    )(x, W, AmS, AmD)


def _bound1_body(acc_ref, den_ref, b_ref, w_ref, as_ref, ad_ref, r_ref,
                 h_ref, als_ref, ald_ref, loop_ref):
    dsum = den_ref[0] + den_ref[1]
    out_tot = acc_ref[0] + acc_ref[1]
    inv = 1.0 / (dsum + 1e-16)
    inv128 = jnp.dot(inv, r_ref[...], preferred_element_type=_f32)
    x2 = jnp.maximum(out_tot * inv128 + b_ref[...], 0.0)
    h2 = jnp.dot(x2, w_ref[...], preferred_element_type=_f32)
    h_ref[...] = h2
    als_ref[...] = jnp.dot(h2, as_ref[...], preferred_element_type=_f32)
    ald_ref[...] = jnp.dot(h2, ad_ref[...], preferred_element_type=_f32)
    la = dsum[:, 8:9] / jnp.maximum(dsum[:, 9:10], 1.0)
    lane = lax.broadcasted_iota(jnp.int32, (_BN, 16), 1)
    loop_ref[...] = jnp.where(lane < 8, jnp.broadcast_to(la, (_BN, 16)), 0.0)


def _bound1_call(acc, den, b_row, Wn, AmSn, AmDn, R, interpret=False):
    return pl.pallas_call(
        _bound1_body,
        grid=(_NB,),
        in_specs=[
            pl.BlockSpec((_NC, _BN, _HC), lambda i: (0, i, 0)),
            pl.BlockSpec((_NC, _BN, 16), lambda i: (0, i, 0)),
            pl.BlockSpec((1, _HC), lambda i: (0, 0)),
            pl.BlockSpec((_HC, _HC), lambda i: (0, 0)),
            pl.BlockSpec((_HC, 16), lambda i: (0, 0)),
            pl.BlockSpec((_HC, 16), lambda i: (0, 0)),
            pl.BlockSpec((16, _HC), lambda i: (0, 0)),
        ],
        out_specs=[
            pl.BlockSpec((_BN, _HC), lambda i: (i, 0)),
            pl.BlockSpec((_BN, 16), lambda i: (i, 0)),
            pl.BlockSpec((_BN, 16), lambda i: (i, 0)),
            pl.BlockSpec((_BN, 16), lambda i: (i, 0)),
        ],
        out_shape=[
            jax.ShapeDtypeStruct((_N, _HC), _f32),
            jax.ShapeDtypeStruct((_N, 16), _f32),
            jax.ShapeDtypeStruct((_N, 16), _f32),
            jax.ShapeDtypeStruct((_N, 16), _f32),
        ],
        interpret=interpret,
    )(acc, den, b_row, Wn, AmSn, AmDn, R)


def _selfloop_combine(acc_ref, den_ref, h_ref, als_ref, ald_ref, loop_ref,
                      we_ref, b_ref, r_ref):
    alq = als_ref[...] + ald_ref[...] + loop_ref[...] * we_ref[...]
    alq = jnp.where(alq > 0, alq, 0.2 * alq)
    alq = jnp.minimum(alq, 60.0)
    exl = jnp.exp(alq)
    lane = lax.broadcasted_iota(jnp.int32, (_BN, 16), 1)
    exl = jnp.where(lane < 8, exl, 0.0)
    dsum = den_ref[0] + den_ref[1] + exl
    exl128 = jnp.dot(exl, r_ref[...], preferred_element_type=_f32)
    out_tot = acc_ref[0] + acc_ref[1] + h_ref[...] * exl128
    inv = 1.0 / (dsum + 1e-16)
    inv128 = jnp.dot(inv, r_ref[...], preferred_element_type=_f32)
    return jnp.maximum(out_tot * inv128 + b_ref[...], 0.0)


def _bound2_body(acc_ref, den_ref, h_ref, als_ref, ald_ref, loop_ref, we_ref,
                 b_ref, r_ref, w_ref, as_ref, ad_ref,
                 hn_ref, alsn_ref, aldn_ref):
    xn = _selfloop_combine(acc_ref, den_ref, h_ref, als_ref, ald_ref,
                           loop_ref, we_ref, b_ref, r_ref)
    hn = jnp.dot(xn, w_ref[...], preferred_element_type=_f32)
    hn_ref[...] = hn
    alsn_ref[...] = jnp.dot(hn, as_ref[...], preferred_element_type=_f32)
    aldn_ref[...] = jnp.dot(hn, ad_ref[...], preferred_element_type=_f32)


def _bound2_call(acc, den, h, als, ald, loop16, we_row, b_row, R,
                 Wn, AmSn, AmDn, interpret=False):
    return pl.pallas_call(
        _bound2_body,
        grid=(_NB,),
        in_specs=[
            pl.BlockSpec((_NC, _BN, _HC), lambda i: (0, i, 0)),
            pl.BlockSpec((_NC, _BN, 16), lambda i: (0, i, 0)),
            pl.BlockSpec((_BN, _HC), lambda i: (i, 0)),
            pl.BlockSpec((_BN, 16), lambda i: (i, 0)),
            pl.BlockSpec((_BN, 16), lambda i: (i, 0)),
            pl.BlockSpec((_BN, 16), lambda i: (i, 0)),
            pl.BlockSpec((1, 16), lambda i: (0, 0)),
            pl.BlockSpec((1, _HC), lambda i: (0, 0)),
            pl.BlockSpec((16, _HC), lambda i: (0, 0)),
            pl.BlockSpec((_HC, _HC), lambda i: (0, 0)),
            pl.BlockSpec((_HC, 16), lambda i: (0, 0)),
            pl.BlockSpec((_HC, 16), lambda i: (0, 0)),
        ],
        out_specs=[
            pl.BlockSpec((_BN, _HC), lambda i: (i, 0)),
            pl.BlockSpec((_BN, 16), lambda i: (i, 0)),
            pl.BlockSpec((_BN, 16), lambda i: (i, 0)),
        ],
        out_shape=[
            jax.ShapeDtypeStruct((_N, _HC), _f32),
            jax.ShapeDtypeStruct((_N, 16), _f32),
            jax.ShapeDtypeStruct((_N, 16), _f32),
        ],
        interpret=interpret,
    )(acc, den, h, als, ald, loop16, we_row, b_row, R, Wn, AmSn, AmDn)


def _final_body(acc_ref, den_ref, h_ref, als_ref, ald_ref, loop_ref, we_ref,
                b_ref, r_ref, bat_ref, f1w_ref, f1b_ref, f2w_ref, f2b_ref,
                gsum_ref, gcnt_ref, out_ref):
    x4 = _selfloop_combine(acc_ref, den_ref, h_ref, als_ref, ald_ref,
                           loop_ref, we_ref, b_ref, r_ref)
    bat = bat_ref[0]
    gi = lax.broadcasted_iota(jnp.int32, (_G, _BN), 0)
    oh = (gi == jnp.broadcast_to(bat, (_G, _BN))).astype(_f32)
    gs = jnp.dot(oh, x4, preferred_element_type=_f32)
    gc = jnp.dot(oh, jnp.ones((_BN, _HC), _f32), preferred_element_type=_f32)
    i = pl.program_id(0)

    @pl.when(i == 0)
    def _():
        gsum_ref[...] = gs
        gcnt_ref[...] = gc

    @pl.when(i > 0)
    def _():
        gsum_ref[...] = gsum_ref[...] + gs
        gcnt_ref[...] = gcnt_ref[...] + gc

    g = gsum_ref[...] / jnp.maximum(gcnt_ref[...], 1.0)
    hid = jnp.maximum(
        jnp.dot(g, f1w_ref[...], preferred_element_type=_f32) + f1b_ref[...], 0.0)
    out_ref[...] = jnp.dot(hid, f2w_ref[...],
                           preferred_element_type=_f32) + f2b_ref[...]


def _final_call(acc, den, h, als, ald, loop16, we_row, b_row, R, batch3d,
                f1w, f1b_row, f2w, f2b_row, interpret=False):
    ne = f2w.shape[1]
    outs = pl.pallas_call(
        _final_body,
        grid=(_NB,),
        in_specs=[
            pl.BlockSpec((_NC, _BN, _HC), lambda i: (0, i, 0)),
            pl.BlockSpec((_NC, _BN, 16), lambda i: (0, i, 0)),
            pl.BlockSpec((_BN, _HC), lambda i: (i, 0)),
            pl.BlockSpec((_BN, 16), lambda i: (i, 0)),
            pl.BlockSpec((_BN, 16), lambda i: (i, 0)),
            pl.BlockSpec((_BN, 16), lambda i: (i, 0)),
            pl.BlockSpec((1, 16), lambda i: (0, 0)),
            pl.BlockSpec((1, _HC), lambda i: (0, 0)),
            pl.BlockSpec((16, _HC), lambda i: (0, 0)),
            pl.BlockSpec((1, 1, _BN), lambda i: (i, 0, 0)),
            pl.BlockSpec((_HC, 64), lambda i: (0, 0)),
            pl.BlockSpec((1, 64), lambda i: (0, 0)),
            pl.BlockSpec((64, ne), lambda i: (0, 0)),
            pl.BlockSpec((1, ne), lambda i: (0, 0)),
        ],
        out_specs=[
            pl.BlockSpec((_G, _HC), lambda i: (0, 0)),
            pl.BlockSpec((_G, _HC), lambda i: (0, 0)),
            pl.BlockSpec((_G, ne), lambda i: (0, 0)),
        ],
        out_shape=[
            jax.ShapeDtypeStruct((_G, _HC), _f32),
            jax.ShapeDtypeStruct((_G, _HC), _f32),
            jax.ShapeDtypeStruct((_G, ne), _f32),
        ],
        interpret=interpret,
    )(acc, den, h, als, ald, loop16, we_row, b_row, R, batch3d,
      f1w, f1b_row, f2w, f2b_row)
    return outs[2]



def _att_mats(a_src, a_dst):
    eye = jnp.eye(_H, dtype=_f32)
    ams = (a_src[0][:, :, None] * eye[:, None, :]).reshape(_HC, _H)
    amd = (a_dst[0][:, :, None] * eye[:, None, :]).reshape(_HC, _H)
    pad = jnp.zeros((_HC, 16 - _H), _f32)
    return (jnp.concatenate([ams, pad], axis=1),
            jnp.concatenate([amd, pad], axis=1))


def _we_vecs(We, a_e):
    we = (We[0].reshape(_H, 16) * a_e[0]).sum(-1)
    we16 = jnp.concatenate([we, jnp.zeros((8,), _f32)])
    return we16, we16[None, :]


def kernel(x, edge_index, edge_attr, batch, W1, a_src1, a_dst1, We1, a_e1, b1,
           W2, a_src2, a_dst2, We2, a_e2, b2, W3, a_src3, a_dst3, We3, a_e3,
           b3, fc1_w, fc1_b, fc2_w, fc2_b):
    src2 = edge_index[0].astype(jnp.int32).reshape(_E // _CB, _CB)
    dst2 = edge_index[1].astype(jnp.int32).reshape(_E // _CB, _CB)
    ea = edge_attr[:, 0]
    AmS1, AmD1 = _att_mats(a_src1, a_dst1)
    AmS2, AmD2 = _att_mats(a_src2, a_dst2)
    AmS3, AmD3 = _att_mats(a_src3, a_dst3)
    we1, _ = _we_vecs(We1, a_e1)
    we2, we2_row = _we_vecs(We2, a_e2)
    we3, we3_row = _we_vecs(We3, a_e3)
    R = jnp.concatenate(
        [jnp.repeat(jnp.eye(_H, dtype=_f32), 16, axis=1),
         jnp.zeros((16 - _H, _HC), _f32)], axis=0)
    zout = jnp.zeros((_NP, _HC), _f32)
    zden = jnp.zeros((_NP, 16), _f32)
    batch3d = batch.astype(jnp.int32).reshape(_NB, 1, _BN)

    h1, als1, ald1 = _head_call(x, W1, AmS1, AmD1)
    acc1, den1 = _sc_edge_pass(h1, als1, ald1, src2, dst2, ea, we1, zout, zden)
    h2, als2, ald2, loop16 = _bound1_call(acc1, den1, b1[None, :], W2, AmS2,
                                          AmD2, R)
    acc2, den2 = _sc_edge_pass(h2, als2, ald2, src2, dst2, ea, we2, zout, zden)
    h3, als3, ald3 = _bound2_call(acc2, den2, h2, als2, ald2, loop16, we2_row,
                                  b2[None, :], R, W3, AmS3, AmD3)
    acc3, den3 = _sc_edge_pass(h3, als3, ald3, src2, dst2, ea, we3, zout, zden)
    return _final_call(acc3, den3, h3, als3, ald3, loop16, we3_row,
                       b3[None, :], R, batch3d, fc1_w, fc1_b[None, :],
                       fc2_w, fc2_b[None, :])

# --- scband reference (transcript-rebuilt; emitter-appended) ---
"""Pipeline reference for scband-expert-gate-net-20126216749450 (READ-ONLY COPY).

The authoritative reference and input builder live on the scoring server;
editing this copy changes nothing except your own understanding.
"""

import jax, jax.numpy as jnp
import numpy as np

N = 10000
E = 320000
IN = 128
H = 8
C = 16
HC = H * C
G = 64
NE = 8

def _gat(x, src, dst, edge_attr, W, a_src, a_dst, We, a_e, b, add_self_loops):
    n = x.shape[0]
    if add_self_loops:
        cnt = jax.ops.segment_sum(jnp.ones((edge_attr.shape[0],), jnp.float32), dst, num_segments=n)
        loop_attr = jax.ops.segment_sum(edge_attr, dst, num_segments=n) / jnp.maximum(cnt, 1.0)[:, None]
        ar = jnp.arange(n, dtype=src.dtype)
        src = jnp.concatenate([src, ar])
        dst = jnp.concatenate([dst, ar])
        edge_attr = jnp.concatenate([edge_attr, loop_attr], axis=0)
    h = (x @ W).reshape(n, H, C)
    als = (h * a_src).sum(-1)
    ald = (h * a_dst).sum(-1)
    ef = (edge_attr @ We).reshape(-1, H, C)
    ale = (ef * a_e).sum(-1)
    alpha = als[src] + ald[dst] + ale
    alpha = jnp.where(alpha > 0, alpha, 0.2 * alpha)
    amax = jax.ops.segment_max(alpha, dst, num_segments=n)
    amax = jax.lax.stop_gradient(jnp.where(jnp.isfinite(amax), amax, 0.0))
    ex = jnp.exp(alpha - amax[dst])
    den = jax.ops.segment_sum(ex, dst, num_segments=n)
    att = ex / (den[dst] + 1e-16)
    out = jax.ops.segment_sum(h[src] * att[..., None], dst, num_segments=n)
    return out.reshape(n, HC) + b

def setup_inputs(seed: int = 0):
    key = jax.random.key(seed)
    ks = jax.random.split(key, 28)
    inp = {}
    inp['x'] = jax.random.normal(ks[0], (N, IN), dtype=jnp.float32)
    inp['edge_index'] = jax.random.randint(ks[1], (2, E), 0, N)
    inp['edge_attr'] = jax.random.normal(ks[2], (E, 1), dtype=jnp.float32)
    inp['batch'] = jnp.sort(jax.random.randint(ks[3], (N,), 0, G))
    dims = [IN, HC, HC]
    i = 4
    for l in range(3):
        d = dims[l]
        inp['W%d' % (l + 1)] = jax.random.normal(ks[i], (d, HC), dtype=jnp.float32) / np.sqrt(d); i += 1
        inp['a_src%d' % (l + 1)] = jax.random.normal(ks[i], (1, H, C), dtype=jnp.float32) * 0.1; i += 1
        inp['a_dst%d' % (l + 1)] = jax.random.normal(ks[i], (1, H, C), dtype=jnp.float32) * 0.1; i += 1
        inp['We%d' % (l + 1)] = jax.random.normal(ks[i], (1, HC), dtype=jnp.float32); i += 1
        inp['a_e%d' % (l + 1)] = jax.random.normal(ks[i], (1, H, C), dtype=jnp.float32) * 0.1; i += 1
        inp['b%d' % (l + 1)] = jax.random.normal(ks[i], (HC,), dtype=jnp.float32) * 0.01; i += 1
    inp['fc1_w'] = jax.random.normal(ks[i], (HC, HC // 2), dtype=jnp.float32) / np.sqrt(HC); i += 1
    inp['fc1_b'] = jnp.zeros((HC // 2,), dtype=jnp.float32)
    inp['fc2_w'] = jax.random.normal(ks[i], (HC // 2, NE), dtype=jnp.float32) / np.sqrt(HC // 2); i += 1
    inp['fc2_b'] = jnp.zeros((NE,), dtype=jnp.float32)
    return inp

def reference(x, edge_index, edge_attr, batch, W1, a_src1, a_dst1, We1, a_e1, b1, W2, a_src2, a_dst2, We2, a_e2, b2, W3, a_src3, a_dst3, We3, a_e3, b3, fc1_w, fc1_b, fc2_w, fc2_b):
    src, dst = edge_index[0], edge_index[1]
    h = jax.nn.relu(_gat(x, src, dst, edge_attr, W1, a_src1, a_dst1, We1, a_e1, b1, False))
    h = jax.nn.relu(_gat(h, src, dst, edge_attr, W2, a_src2, a_dst2, We2, a_e2, b2, True))
    h = jax.nn.relu(_gat(h, src, dst, edge_attr, W3, a_src3, a_dst3, We3, a_e3, b3, True))
    cnt = jax.ops.segment_sum(jnp.ones((h.shape[0],), jnp.float32), batch, num_segments=G)
    gsum = jax.ops.segment_sum(h, batch, num_segments=G)
    g = gsum / jnp.maximum(cnt, 1.0)[:, None]
    hid = jax.nn.relu(g @ fc1_w + fc1_b)
    return hid @ fc2_w + fc2_b

if __name__ == "__main__":
    import jax
    _d = setup_inputs()
    print(jax.jit(kernel)(*tuple(_d.values())))

</pallas_src>

<mosaic_0001>
#map = affine_map<(d0, d1) -> (0, 0)>
#map1 = affine_map<(d0, d1) -> (0)>
#map2 = affine_map<(d0, d1) -> (0, 0, 0)>
module attributes {stable_mosaic.version = 14 : i64} {
  func.func @_sc_edge_body(%arg0: i32, %arg1: i32, %arg2: memref<10000x128xf32, #tpu.memory_space<hbm>>, %arg3: memref<10000x16xf32, #tpu.memory_space<hbm>>, %arg4: memref<10000x16xf32, #tpu.memory_space<hbm>>, %arg5: memref<2560x125xi32, #tpu.memory_space<hbm>>, %arg6: memref<2560x125xi32, #tpu.memory_space<hbm>>, %arg7: memref<320000xf32, #tpu.memory_space<hbm>>, %arg8: memref<16xf32, #tpu.memory_space<hbm>>, %arg9: memref<10240x128xf32, #tpu.memory_space<hbm>>, %arg10: memref<10240x16xf32, #tpu.memory_space<hbm>>, %arg11: memref<2x10240x128xf32, #tpu.memory_space<hbm>>, %arg12: memref<2x10240x16xf32, #tpu.memory_space<hbm>>, %arg13: memref<8x125xi32, #tpu.memory_space<vmem>>, %arg14: memref<8x125xi32, #tpu.memory_space<vmem>>, %arg15: memref<1016xf32, #tpu.memory_space<vmem>>, %arg16: memref<125x16xf32, #tpu.memory_space<vmem>>, %arg17: memref<125x16xf32, #tpu.memory_space<vmem>>, %arg18: memref<125x128xf32, #tpu.memory_space<vmem>>, %arg19: memref<125x16xf32, #tpu.memory_space<vmem>>, %arg20: memref<16xf32, #tpu.memory_space<vmem>>, %arg21: memref<10240x128xf32, #tpu.memory_space<vmem_shared>>, %arg22: memref<10240x16xf32, #tpu.memory_space<vmem_shared>>) attributes {dimension_semantics = [#tpu.dimension_semantics<core_parallel>, #tpu.dimension_semantics<subcore_parallel>], iteration_bounds = array<i64: 2, 16>, scalar_prefetch = 0 : i64, scratch_operands = 10 : i64, tpu.core_type = #tpu.core_type<sc_vector_subcore>, window_params = [{transform_indices = #map}, {transform_indices = #map}, {transform_indices = #map}, {transform_indices = #map}, {transform_indices = #map}, {transform_indices = #map1}, {transform_indices = #map1}, {transform_indices = #map}, {transform_indices = #map}, {transform_indices = #map2}, {transform_indices = #map2}]} {
    %mul3A = arith.constant 2 : i32
    %mul3A_0 = arith.muli %arg1, %mul3A : i32
    %add3A = arith.addi %mul3A_0, %arg0 : i32
    %mul3A_1 = arith.constant 640 : i32
    %mul3A_2 = arith.muli %arg1, %mul3A_1 : i32
    "tpu.region"() ({
      %run_scoped3A = tpu.sem_alloc : memref<!tpu.dma_semaphore, #tpu.memory_space<semaphore_mem>>
      %dma_start3A = arith.constant 0 : i32
      %dma_start3A_62 = tpu.memref_slice %arg21[%mul3A_2, %dma_start3A] : memref<10240x128xf32, #tpu.memory_space<vmem_shared>> -> memref<640x128xf32, #tpu.memory_space<vmem_shared>>
      %dma_start3A_63 = arith.constant 0 : i32
      %dma_start3A_64 = tpu.memref_slice %arg9[%mul3A_2, %dma_start3A_63] : memref<10240x128xf32, #tpu.memory_space<hbm>> -> memref<640x128xf32, #tpu.memory_space<hbm>>
      tpu.enqueue_dma source(%dma_start3A_64 : memref<640x128xf32, #tpu.memory_space<hbm>>) target(%dma_start3A_62 : memref<640x128xf32, #tpu.memory_space<vmem_shared>>) target_semaphore(%run_scoped3A : memref<!tpu.dma_semaphore, #tpu.memory_space<semaphore_mem>>)
      %dma_wait3A = arith.constant 0 : i32
      %dma_wait3A_65 = tpu.memref_slice %arg21[%mul3A_2, %dma_wait3A] : memref<10240x128xf32, #tpu.memory_space<vmem_shared>> -> memref<640x128xf32, #tpu.memory_space<vmem_shared>>
      %dma_wait3A_66 = arith.constant 0 : i32
      %dma_wait3A_67 = tpu.memref_slice %arg9[%mul3A_2, %dma_wait3A_66] : memref<10240x128xf32, #tpu.memory_space<hbm>> -> memref<640x128xf32, #tpu.memory_space<hbm>>
      tpu.wait_dma2 semaphore(%run_scoped3A : memref<!tpu.dma_semaphore, #tpu.memory_space<semaphore_mem>>) src(%dma_wait3A_67 : memref<640x128xf32, #tpu.memory_space<hbm>>) dst(%dma_wait3A_65 : memref<640x128xf32, #tpu.memory_space<vmem_shared>>)
      tpu.yield
    }) : () -> ()
    "tpu.region"() ({
      %run_scoped3A = tpu.sem_alloc : memref<!tpu.dma_semaphore, #tpu.memory_space<semaphore_mem>>
      %dma_start3A = arith.constant 0 : i32
      %dma_start3A_62 = tpu.memref_slice %arg22[%mul3A_2, %dma_start3A] : memref<10240x16xf32, #tpu.memory_space<vmem_shared>> -> memref<640x16xf32, #tpu.memory_space<vmem_shared>>
      %dma_start3A_63 = arith.constant 0 : i32
      %dma_start3A_64 = tpu.memref_slice %arg10[%mul3A_2, %dma_start3A_63] : memref<10240x16xf32, #tpu.memory_space<hbm>> -> memref<640x16xf32, #tpu.memory_space<hbm>>
      tpu.enqueue_dma source(%dma_start3A_64 : memref<640x16xf32, #tpu.memory_space<hbm>>) target(%dma_start3A_62 : memref<640x16xf32, #tpu.memory_space<vmem_shared>>) target_semaphore(%run_scoped3A : memref<!tpu.dma_semaphore, #tpu.memory_space<semaphore_mem>>)
      %dma_wait3A = arith.constant 0 : i32
      %dma_wait3A_65 = tpu.memref_slice %arg22[%mul3A_2, %dma_wait3A] : memref<10240x16xf32, #tpu.memory_space<vmem_shared>> -> memref<640x16xf32, #tpu.memory_space<vmem_shared>>
      %dma_wait3A_66 = arith.constant 0 : i32
      %dma_wait3A_67 = tpu.memref_slice %arg10[%mul3A_2, %dma_wait3A_66] : memref<10240x16xf32, #tpu.memory_space<hbm>> -> memref<640x16xf32, #tpu.memory_space<hbm>>
      tpu.wait_dma2 semaphore(%run_scoped3A : memref<!tpu.dma_semaphore, #tpu.memory_space<semaphore_mem>>) src(%dma_wait3A_67 : memref<640x16xf32, #tpu.memory_space<hbm>>) dst(%dma_wait3A_65 : memref<640x16xf32, #tpu.memory_space<vmem_shared>>)
      tpu.yield
    }) : () -> ()
    "tpu.region"() ({
      %run_scoped3A = tpu.sem_alloc : memref<!tpu.dma_semaphore, #tpu.memory_space<semaphore_mem>>
      tpu.enqueue_dma source(%arg8 : memref<16xf32, #tpu.memory_space<hbm>>) target(%arg20 : memref<16xf32, #tpu.memory_space<vmem>>) target_semaphore(%run_scoped3A : memref<!tpu.dma_semaphore, #tpu.memory_space<semaphore_mem>>)
      tpu.wait_dma2 semaphore(%run_scoped3A : memref<!tpu.dma_semaphore, #tpu.memory_space<semaphore_mem>>) src(%arg8 : memref<16xf32, #tpu.memory_space<hbm>>) dst(%arg20 : memref<16xf32, #tpu.memory_space<vmem>>)
      tpu.yield
    }) : () -> ()
    %barrier3A = arith.constant 0 : index
    tpu.barrier barrier_id(%barrier3A)
    %get3A = arith.constant 0 : index
    %get3A_3 = tpu.vector_load %arg20[%get3A] {strides = array<i32>} : memref<16xf32, #tpu.memory_space<vmem>>, vector<16xf32>,
    %iota3A = tpu.iota {dimensions = array<i32: 0>} : vector<16xi32>
    %lt3A = arith.constant 8 : i32
    %lt3A_4 = vector.broadcast %lt3A : i32 to vector<16xi32>
    %lt3A_5 = arith.cmpi slt, %iota3A, %lt3A_4 : vector<16xi32>
    %eq3A = arith.constant 8 : i32
    %eq3A_6 = vector.broadcast %eq3A : i32 to vector<16xi32>
    %eq3A_7 = arith.cmpi eq, %iota3A, %eq3A_6 : vector<16xi32>
    %convert_element_type3A = arith.extui %eq3A_7 : vector<16xi1> to vector<16xi32>
    %convert_element_type3A_8 = arith.sitofp %convert_element_type3A : vector<16xi32> to vector<16xf32>
    %eq3A_9 = arith.constant 9 : i32
    %eq3A_10 = vector.broadcast %eq3A_9 : i32 to vector<16xi32>
    %eq3A_11 = arith.cmpi eq, %iota3A, %eq3A_10 : vector<16xi32>
    %convert_element_type3A_12 = arith.extui %eq3A_11 : vector<16xi1> to vector<16xi32>
    %convert_element_type3A_13 = arith.sitofp %convert_element_type3A_12 : vector<16xi32> to vector<16xf32>
    %eq3A_14 = arith.constant 0 : i32
    %eq3A_15 = vector.broadcast %eq3A_14 : i32 to vector<16xi32>
    %eq3A_16 = arith.cmpi eq, %iota3A, %eq3A_15 : vector<16xi32>
    %convert_element_type3A_17 = arith.extui %eq3A_16 : vector<16xi1> to vector<16xi32>
    %convert_element_type3A_18 = arith.sitofp %convert_element_type3A_17 : vector<16xi32> to vector<16xf32>
    %eq3A_19 = arith.constant 1 : i32
    %eq3A_20 = vector.broadcast %eq3A_19 : i32 to vector<16xi32>
    %eq3A_21 = arith.cmpi eq, %iota3A, %eq3A_20 : vector<16xi32>
    %convert_element_type3A_22 = arith.extui %eq3A_21 : vector<16xi1> to vector<16xi32>
    %convert_element_type3A_23 = arith.sitofp %convert_element_type3A_22 : vector<16xi32> to vector<16xf32>
    %eq3A_24 = arith.constant 2 : i32
    %eq3A_25 = vector.broadcast %eq3A_24 : i32 to vector<16xi32>
    %eq3A_26 = arith.cmpi eq, %iota3A, %eq3A_25 : vector<16xi32>
    %convert_element_type3A_27 = arith.extui %eq3A_26 : vector<16xi1> to vector<16xi32>
    %convert_element_type3A_28 = arith.sitofp %convert_element_type3A_27 : vector<16xi32> to vector<16xf32>
    %eq3A_29 = arith.constant 3 : i32
    %eq3A_30 = vector.broadcast %eq3A_29 : i32 to vector<16xi32>
    %eq3A_31 = arith.cmpi eq, %iota3A, %eq3A_30 : vector<16xi32>
    %convert_element_type3A_32 = arith.extui %eq3A_31 : vector<16xi1> to vector<16xi32>
    %convert_element_type3A_33 = arith.sitofp %convert_element_type3A_32 : vector<16xi32> to vector<16xf32>
    %eq3A_34 = arith.constant 4 : i32
    %eq3A_35 = vector.broadcast %eq3A_34 : i32 to vector<16xi32>
    %eq3A_36 = arith.cmpi eq, %iota3A, %eq3A_35 : vector<16xi32>
    %convert_element_type3A_37 = arith.extui %eq3A_36 : vector<16xi1> to vector<16xi32>
    %convert_element_type3A_38 = arith.sitofp %convert_element_type3A_37 : vector<16xi32> to vector<16xf32>
    %eq3A_39 = arith.constant 5 : i32
    %eq3A_40 = vector.broadcast %eq3A_39 : i32 to vector<16xi32>
    %eq3A_41 = arith.cmpi eq, %iota3A, %eq3A_40 : vector<16xi32>
    %convert_element_type3A_42 = arith.extui %eq3A_41 : vector<16xi1> to vector<16xi32>
    %convert_element_type3A_43 = arith.sitofp %convert_element_type3A_42 : vector<16xi32> to vector<16xf32>
    %eq3A_44 = arith.constant 6 : i32
    %eq3A_45 = vector.broadcast %eq3A_44 : i32 to vector<16xi32>
    %eq3A_46 = arith.cmpi eq, %iota3A, %eq3A_45 : vector<16xi32>
    %convert_element_type3A_47 = arith.extui %eq3A_46 : vector<16xi1> to vector<16xi32>
    %convert_element_type3A_48 = arith.sitofp %convert_element_type3A_47 : vector<16xi32> to vector<16xf32>
    %eq3A_49 = arith.constant 7 : i32
    %eq3A_50 = vector.broadcast %eq3A_49 : i32 to vector<16xi32>
    %eq3A_51 = arith.cmpi eq, %iota3A, %eq3A_50 : vector<16xi32>
    %convert_element_type3A_52 = arith.extui %eq3A_51 : vector<16xi1> to vector<16xi32>
    %convert_element_type3A_53 = arith.sitofp %convert_element_type3A_52 : vector<16xi32> to vector<16xf32>
    %mul3A_54 = arith.constant 80 : i32
    %mul3A_55 = arith.muli %add3A, %mul3A_54 : i32
    %scan3A = arith.constant 0 : i32
    %scan3A_56 = arith.constant 0 : i32
    %scan3A_57 = arith.constant 10 : i32
    %scan3A_58 = arith.addi %scan3A_56, %scan3A_57 : i32
    %scan3A_59 = arith.constant 1 : i32
    scf.for %scan3A_62 = %scan3A_56 to %scan3A_58 step %scan3A_59  : i32 {
      %mul3A_63 = arith.constant 8 : i32
      %mul3A_64 = arith.muli %scan3A_62, %mul3A_63 : i32
      %add3A_65 = arith.addi %mul3A_55, %mul3A_64 : i32
      "tpu.region"() ({
        %run_scoped3A = tpu.sem_alloc : memref<!tpu.dma_semaphore, #tpu.memory_space<semaphore_mem>>
        %dma_start3A = arith.constant 0 : i32
        %dma_start3A_74 = tpu.memref_slice %arg5[%add3A_65, %dma_start3A] : memref<2560x125xi32, #tpu.memory_space<hbm>> -> memref<8x125xi32, #tpu.memory_space<hbm>>
        %dma_start3A_75 = arith.constant 0 : i32
        %dma_start3A_76 = tpu.memref_slice %arg5[%add3A_65, %dma_start3A_75] : memref<2560x125xi32, #tpu.memory_space<hbm>> -> memref<8x125xi32, #tpu.memory_space<hbm>>
        tpu.enqueue_dma source(%dma_start3A_76 : memref<8x125xi32, #tpu.memory_space<hbm>>) target(%arg13 : memref<8x125xi32, #tpu.memory_space<vmem>>) target_semaphore(%run_scoped3A : memref<!tpu.dma_semaphore, #tpu.memory_space<semaphore_mem>>)
        %dma_wait3A = arith.constant 0 : i32
        %dma_wait3A_77 = tpu.memref_slice %arg5[%add3A_65, %dma_wait3A] : memref<2560x125xi32, #tpu.memory_space<hbm>> -> memref<8x125xi32, #tpu.memory_space<hbm>>
        %dma_wait3A_78 = arith.constant 0 : i32
        %dma_wait3A_79 = tpu.memref_slice %arg5[%add3A_65, %dma_wait3A_78] : memref<2560x125xi32, #tpu.memory_space<hbm>> -> memref<8x125xi32, #tpu.memory_space<hbm>>
        tpu.wait_dma2 semaphore(%run_scoped3A : memref<!tpu.dma_semaphore, #tpu.memory_space<semaphore_mem>>) src(%dma_wait3A_79 : memref<8x125xi32, #tpu.memory_space<hbm>>) dst(%arg13 : memref<8x125xi32, #tpu.memory_space<vmem>>)
        tpu.yield
      }) : () -> ()
      "tpu.region"() ({
        %run_scoped3A = tpu.sem_alloc : memref<!tpu.dma_semaphore, #tpu.memory_space<semaphore_mem>>
        %dma_start3A = arith.constant 0 : i32
        %dma_start3A_74 = tpu.memref_slice %arg6[%add3A_65, %dma_start3A] : memref<2560x125xi32, #tpu.memory_space<hbm>> -> memref<8x125xi32, #tpu.memory_space<hbm>>
        %dma_start3A_75 = arith.constant 0 : i32
        %dma_start3A_76 = tpu.memref_slice %arg6[%add3A_65, %dma_start3A_75] : memref<2560x125xi32, #tpu.memory_space<hbm>> -> memref<8x125xi32, #tpu.memory_space<hbm>>
        tpu.enqueue_dma source(%dma_start3A_76 : memref<8x125xi32, #tpu.memory_space<hbm>>) target(%arg14 : memref<8x125xi32, #tpu.memory_space<vmem>>) target_semaphore(%run_scoped3A : memref<!tpu.dma_semaphore, #tpu.memory_space<semaphore_mem>>)
        %dma_wait3A = arith.constant 0 : i32
        %dma_wait3A_77 = tpu.memref_slice %arg6[%add3A_65, %dma_wait3A] : memref<2560x125xi32, #tpu.memory_space<hbm>> -> memref<8x125xi32, #tpu.memory_space<hbm>>
        %dma_wait3A_78 = arith.constant 0 : i32
        %dma_wait3A_79 = tpu.memref_slice %arg6[%add3A_65, %dma_wait3A_78] : memref<2560x125xi32, #tpu.memory_space<hbm>> -> memref<8x125xi32, #tpu.memory_space<hbm>>
        tpu.wait_dma2 semaphore(%run_scoped3A : memref<!tpu.dma_semaphore, #tpu.memory_space<semaphore_mem>>) src(%dma_wait3A_79 : memref<8x125xi32, #tpu.memory_space<hbm>>) dst(%arg14 : memref<8x125xi32, #tpu.memory_space<vmem>>)
        tpu.yield
      }) : () -> ()
      %mul3A_66 = arith.constant 125 : i32
      %mul3A_67 = arith.muli %add3A_65, %mul3A_66 : i32
      "tpu.region"() ({
        %run_scoped3A = tpu.sem_alloc : memref<!tpu.dma_semaphore, #tpu.memory_space<semaphore_mem>>
        %dma_start3A = arith.constant 0 : i32
        %dma_start3A_74 = tpu.memref_slice %arg15[%dma_start3A] : memref<1016xf32, #tpu.memory_space<vmem>> -> memref<1000xf32, #tpu.memory_space<vmem>>
        %dma_start3A_75 = tpu.memref_slice %arg7[%mul3A_67] : memref<320000xf32, #tpu.memory_space<hbm>> -> memref<1000xf32, #tpu.memory_space<hbm>>
        %dma_start3A_76 = arith.constant 0 : i32
        %dma_start3A_77 = tpu.memref_slice %arg15[%dma_start3A_76] : memref<1016xf32, #tpu.memory_space<vmem>> -> memref<1000xf32, #tpu.memory_space<vmem>>
        %dma_start3A_78 = tpu.memref_slice %arg7[%mul3A_67] : memref<320000xf32, #tpu.memory_space<hbm>> -> memref<1000xf32, #tpu.memory_space<hbm>>
        tpu.enqueue_dma source(%dma_start3A_78 : memref<1000xf32, #tpu.memory_space<hbm>>) target(%dma_start3A_77 : memref<1000xf32, #tpu.memory_space<vmem>>) target_semaphore(%run_scoped3A : memref<!tpu.dma_semaphore, #tpu.memory_space<semaphore_mem>>)
        %dma_wait3A = arith.constant 0 : i32
        %dma_wait3A_79 = tpu.memref_slice %arg15[%dma_wait3A] : memref<1016xf32, #tpu.memory_space<vmem>> -> memref<1000xf32, #tpu.memory_space<vmem>>
        %dma_wait3A_80 = tpu.memref_slice %arg7[%mul3A_67] : memref<320000xf32, #tpu.memory_space<hbm>> -> memref<1000xf32, #tpu.memory_space<hbm>>
        %dma_wait3A_81 = arith.constant 0 : i32
        %dma_wait3A_82 = tpu.memref_slice %arg15[%dma_wait3A_81] : memref<1016xf32, #tpu.memory_space<vmem>> -> memref<1000xf32, #tpu.memory_space<vmem>>
        %dma_wait3A_83 = tpu.memref_slice %arg7[%mul3A_67] : memref<320000xf32, #tpu.memory_space<hbm>> -> memref<1000xf32, #tpu.memory_space<hbm>>
        tpu.wait_dma2 semaphore(%run_scoped3A : memref<!tpu.dma_semaphore, #tpu.memory_space<semaphore_mem>>) src(%dma_wait3A_83 : memref<1000xf32, #tpu.memory_space<hbm>>) dst(%dma_wait3A_82 : memref<1000xf32, #tpu.memory_space<vmem>>)
        tpu.yield
      }) : () -> ()
      %scan3A_68 = arith.constant 0 : i32
      %scan3A_69 = arith.constant 0 : i32
      %scan3A_70 = arith.constant 8 : i32
      %scan3A_71 = arith.addi %scan3A_69, %scan3A_70 : i32
      %scan3A_72 = arith.constant 1 : i32
      scf.for %scan3A_74 = %scan3A_69 to %scan3A_71 step %scan3A_72  : i32 {
        %mul3A_75 = arith.constant 125 : i32
        %mul3A_76 = arith.muli %scan3A_74, %mul3A_75 : i32
        "tpu.region"() ({
          %run_scoped3A = tpu.sem_alloc : memref<!tpu.dma_semaphore, #tpu.memory_space<semaphore_mem>>
          %dma_start3A = arith.constant 0 : i32
          %dma_start3A_83 = tpu.memref_slice %arg13[%scan3A_74, %dma_start3A] : memref<8x125xi32, #tpu.memory_space<vmem>> -> memref<1x125xi32, #tpu.memory_space<vmem>>
          %dma_start3A_84 = tpu.memref_squeeze %dma_start3A_83 : memref<1x125xi32, #tpu.memory_space<vmem>> -> memref<125xi32, #tpu.memory_space<vmem>>
          %dma_start3A_85 = arith.constant 0 : i32
          %dma_start3A_86 = arith.constant 0 : i32
          %dma_start3A_87 = tpu.memref_slice %arg3[%dma_start3A_85, %dma_start3A_86] : memref<10000x16xf32, #tpu.memory_space<hbm>> -> memref<10000x16xf32, #tpu.memory_space<hbm>>
          tpu.enqueue_indirect_dma source(%dma_start3A_87 : memref<10000x16xf32, #tpu.memory_space<hbm>>) target(%arg16 : memref<125x16xf32, #tpu.memory_space<vmem>>) offsets(%dma_start3A_84 : memref<125xi32, #tpu.memory_space<vmem>>) semaphore(%run_scoped3A : memref<!tpu.dma_semaphore, #tpu.memory_space<semaphore_mem>>)
          %dma_wait3A = arith.constant 0 : i32
          %dma_wait3A_88 = tpu.memref_slice %arg13[%scan3A_74, %dma_wait3A] : memref<8x125xi32, #tpu.memory_space<vmem>> -> memref<1x125xi32, #tpu.memory_space<vmem>>
          %dma_wait3A_89 = tpu.memref_squeeze %dma_wait3A_88 : memref<1x125xi32, #tpu.memory_space<vmem>> -> memref<125xi32, #tpu.memory_space<vmem>>
          %dma_wait3A_90 = arith.constant 0 : i32
          %dma_wait3A_91 = arith.constant 0 : i32
          %dma_wait3A_92 = tpu.memref_slice %arg3[%dma_wait3A_90, %dma_wait3A_91] : memref<10000x16xf32, #tpu.memory_space<hbm>> -> memref<10000x16xf32, #tpu.memory_space<hbm>>
          tpu.wait_indirect_dma semaphore(%run_scoped3A : memref<!tpu.dma_semaphore, #tpu.memory_space<semaphore_mem>>) src(%dma_wait3A_92 : memref<10000x16xf32, #tpu.memory_space<hbm>>) dst(%arg16 : memref<125x16xf32, #tpu.memory_space<vmem>>)
          tpu.yield
        }) : () -> ()
        "tpu.region"() ({
          %run_scoped3A = tpu.sem_alloc : memref<!tpu.dma_semaphore, #tpu.memory_space<semaphore_mem>>
          %dma_start3A = arith.constant 0 : i32
          %dma_start3A_83 = tpu.memref_slice %arg14[%scan3A_74, %dma_start3A] : memref<8x125xi32, #tpu.memory_space<vmem>> -> memref<1x125xi32, #tpu.memory_space<vmem>>
          %dma_start3A_84 = tpu.memref_squeeze %dma_start3A_83 : memref<1x125xi32, #tpu.memory_space<vmem>> -> memref<125xi32, #tpu.memory_space<vmem>>
          %dma_start3A_85 = arith.constant 0 : i32
          %dma_start3A_86 = arith.constant 0 : i32
          %dma_start3A_87 = tpu.memref_slice %arg4[%dma_start3A_85, %dma_start3A_86] : memref<10000x16xf32, #tpu.memory_space<hbm>> -> memref<10000x16xf32, #tpu.memory_space<hbm>>
          tpu.enqueue_indirect_dma source(%dma_start3A_87 : memref<10000x16xf32, #tpu.memory_space<hbm>>) target(%arg17 : memref<125x16xf32, #tpu.memory_space<vmem>>) offsets(%dma_start3A_84 : memref<125xi32, #tpu.memory_space<vmem>>) semaphore(%run_scoped3A : memref<!tpu.dma_semaphore, #tpu.memory_space<semaphore_mem>>)
          %dma_wait3A = arith.constant 0 : i32
          %dma_wait3A_88 = tpu.memref_slice %arg14[%scan3A_74, %dma_wait3A] : memref<8x125xi32, #tpu.memory_space<vmem>> -> memref<1x125xi32, #tpu.memory_space<vmem>>
          %dma_wait3A_89 = tpu.memref_squeeze %dma_wait3A_88 : memref<1x125xi32, #tpu.memory_space<vmem>> -> memref<125xi32, #tpu.memory_space<vmem>>
          %dma_wait3A_90 = arith.constant 0 : i32
          %dma_wait3A_91 = arith.constant 0 : i32
          %dma_wait3A_92 = tpu.memref_slice %arg4[%dma_wait3A_90, %dma_wait3A_91] : memref<10000x16xf32, #tpu.memory_space<hbm>> -> memref<10000x16xf32, #tpu.memory_space<hbm>>
          tpu.wait_indirect_dma semaphore(%run_scoped3A : memref<!tpu.dma_semaphore, #tpu.memory_space<semaphore_mem>>) src(%dma_wait3A_92 : memref<10000x16xf32, #tpu.memory_space<hbm>>) dst(%arg17 : memref<125x16xf32, #tpu.memory_space<vmem>>)
          tpu.yield
        }) : () -> ()
        "tpu.region"() ({
          %run_scoped3A = tpu.sem_alloc : memref<!tpu.dma_semaphore, #tpu.memory_space<semaphore_mem>>
          %dma_start3A = arith.constant 0 : i32
          %dma_start3A_83 = tpu.memref_slice %arg13[%scan3A_74, %dma_start3A] : memref<8x125xi32, #tpu.memory_space<vmem>> -> memref<1x125xi32, #tpu.memory_space<vmem>>
          %dma_start3A_84 = tpu.memref_squeeze %dma_start3A_83 : memref<1x125xi32, #tpu.memory_space<vmem>> -> memref<125xi32, #tpu.memory_space<vmem>>
          %dma_start3A_85 = arith.constant 0 : i32
          %dma_start3A_86 = arith.constant 0 : i32
          %dma_start3A_87 = tpu.memref_slice %arg2[%dma_start3A_85, %dma_start3A_86] : memref<10000x128xf32, #tpu.memory_space<hbm>> -> memref<10000x128xf32, #tpu.memory_space<hbm>>
          tpu.enqueue_indirect_dma source(%dma_start3A_87 : memref<10000x128xf32, #tpu.memory_space<hbm>>) target(%arg18 : memref<125x128xf32, #tpu.memory_space<vmem>>) offsets(%dma_start3A_84 : memref<125xi32, #tpu.memory_space<vmem>>) semaphore(%run_scoped3A : memref<!tpu.dma_semaphore, #tpu.memory_space<semaphore_mem>>)
          %dma_wait3A = arith.constant 0 : i32
          %dma_wait3A_88 = tpu.memref_slice %arg13[%scan3A_74, %dma_wait3A] : memref<8x125xi32, #tpu.memory_space<vmem>> -> memref<1x125xi32, #tpu.memory_space<vmem>>
          %dma_wait3A_89 = tpu.memref_squeeze %dma_wait3A_88 : memref<1x125xi32, #tpu.memory_space<vmem>> -> memref<125xi32, #tpu.memory_space<vmem>>
          %dma_wait3A_90 = arith.constant 0 : i32
          %dma_wait3A_91 = arith.constant 0 : i32
          %dma_wait3A_92 = tpu.memref_slice %arg2[%dma_wait3A_90, %dma_wait3A_91] : memref<10000x128xf32, #tpu.memory_space<hbm>> -> memref<10000x128xf32, #tpu.memory_space<hbm>>
          tpu.wait_indirect_dma semaphore(%run_scoped3A : memref<!tpu.dma_semaphore, #tpu.memory_space<semaphore_mem>>) src(%dma_wait3A_92 : memref<10000x128xf32, #tpu.memory_space<hbm>>) dst(%arg18 : memref<125x128xf32, #tpu.memory_space<vmem>>)
          tpu.yield
        }) : () -> ()
        %scan3A_77 = arith.constant 0 : i32
        %scan3A_78 = arith.constant 0 : i32
        %scan3A_79 = arith.constant 125 : i32
        %scan3A_80 = arith.addi %scan3A_78, %scan3A_79 : i32
        %scan3A_81 = arith.constant 1 : i32
        scf.for %scan3A_83 = %scan3A_78 to %scan3A_80 step %scan3A_81  : i32 {
          %add3A_84 = arith.addi %mul3A_76, %scan3A_83 : i32
          %broadcast_in_dim3A = vector.broadcast %add3A_84 : i32 to vector<16xi32>
          %gather3A = tpu.vector_load_idx %arg15[%broadcast_in_dim3A] : memref<1016xf32, #tpu.memory_space<vmem>>[vector<16xi32>], vector<16xf32>,
          %get3A_85 = arith.index_cast %scan3A_83 : i32 to index
          %get3A_86 = arith.constant 0 : index
          %get3A_87 = tpu.vector_load %arg16[%get3A_85, %get3A_86] {strides = array<i32>} : memref<125x16xf32, #tpu.memory_space<vmem>>, vector<16xf32>,
          %get3A_88 = arith.index_cast %scan3A_83 : i32 to index
          %get3A_89 = arith.constant 0 : index
          %get3A_90 = tpu.vector_load %arg17[%get3A_88, %get3A_89] {strides = array<i32>} : memref<125x16xf32, #tpu.memory_space<vmem>>, vector<16xf32>,
          %add3A_91 = arith.addf %get3A_87, %get3A_90 : vector<16xf32>
          %mul3A_92 = arith.mulf %gather3A, %get3A_3 : vector<16xf32>
          %add3A_93 = arith.addf %add3A_91, %mul3A_92 : vector<16xf32>
          %gt3A = arith.constant 0.000000e+00 : f32
          %gt3A_94 = vector.broadcast %gt3A : f32 to vector<16xf32>
          %gt3A_95 = arith.cmpf ogt, %add3A_93, %gt3A_94 : vector<16xf32>
          %mul3A_96 = arith.constant 2.000000e-01 : f32
          %mul3A_97 = vector.broadcast %mul3A_96 : f32 to vector<16xf32>
          %mul3A_98 = arith.mulf %mul3A_97, %add3A_93 : vector<16xf32>
          %select_n3A = arith.select %gt3A_95, %add3A_93, %mul3A_98 : vector<16xi1>, vector<16xf32>
          %min3A = arith.constant 6.000000e+01 : f32
          %min3A_99 = vector.broadcast %min3A : f32 to vector<16xf32>
          %min3A_100 = arith.minimumf %select_n3A, %min3A_99 : vector<16xf32>
          %exp3A = math.exp %min3A_100 : vector<16xf32>
          %mul3A_101 = arith.mulf %gather3A, %convert_element_type3A_8 : vector<16xf32>
          %add3A_102 = arith.addf %mul3A_101, %convert_element_type3A_13 : vector<16xf32>
          %select_n3A_103 = arith.select %lt3A_5, %exp3A, %add3A_102 : vector<16xi1>, vector<16xf32>
          %swap3A = arith.index_cast %scan3A_83 : i32 to index
          %swap3A_104 = arith.constant 0 : index
          %swap3A_105 = tpu.vector_load %arg19[%swap3A, %swap3A_104] {strides = array<i32>} : memref<125x16xf32, #tpu.memory_space<vmem>>, vector<16xf32>,
          tpu.vector_store %arg19[%swap3A, %swap3A_104], %select_n3A_103 {strides = array<i32>} : memref<125x16xf32, #tpu.memory_space<vmem>>, vector<16xf32>,
          %get3A_106 = arith.index_cast %scan3A_83 : i32 to index
          %get3A_107 = arith.constant 0 : index
          %get3A_108 = tpu.vector_load %arg18[%get3A_106, %get3A_107] {strides = array<i32>} : memref<125x128xf32, #tpu.memory_space<vmem>>, vector<16xf32>,
          %slice3A = vector.extract_strided_slice %exp3A {offsets = [0], sizes = [1], strides = [1]} : vector<16xf32> to vector<1xf32>
          %squeeze3A = vector.extract %slice3A[0] : f32 from vector<1xf32>
          %mul3A_109 = vector.broadcast %squeeze3A : f32 to vector<16xf32>
          %mul3A_110 = arith.mulf %get3A_108, %mul3A_109 : vector<16xf32>
          %swap3A_111 = arith.index_cast %scan3A_83 : i32 to index
          %swap3A_112 = arith.constant 0 : index
          %swap3A_113 = tpu.vector_load %arg18[%swap3A_111, %swap3A_112] {strides = array<i32>} : memref<125x128xf32, #tpu.memory_space<vmem>>, vector<16xf32>,
          tpu.vector_store %arg18[%swap3A_111, %swap3A_112], %mul3A_110 {strides = array<i32>} : memref<125x128xf32, #tpu.memory_space<vmem>>, vector<16xf32>,
          %get3A_114 = arith.index_cast %scan3A_83 : i32 to index
          %get3A_115 = arith.constant 16 : index
          %get3A_116 = tpu.vector_load %arg18[%get3A_114, %get3A_115] {strides = array<i32>} : memref<125x128xf32, #tpu.memory_space<vmem>>, vector<16xf32>,
          %slice3A_117 = vector.extract_strided_slice %exp3A {offsets = [1], sizes = [1], strides = [1]} : vector<16xf32> to vector<1xf32>
          %squeeze3A_118 = vector.extract %slice3A_117[0] : f32 from vector<1xf32>
          %mul3A_119 = vector.broadcast %squeeze3A_118 : f32 to vector<16xf32>
          %mul3A_120 = arith.mulf %get3A_116, %mul3A_119 : vector<16xf32>
          %swap3A_121 = arith.index_cast %scan3A_83 : i32 to index
          %swap3A_122 = arith.constant 16 : index
          %swap3A_123 = tpu.vector_load %arg18[%swap3A_121, %swap3A_122] {strides = array<i32>} : memref<125x128xf32, #tpu.memory_space<vmem>>, vector<16xf32>,
          tpu.vector_store %arg18[%swap3A_121, %swap3A_122], %mul3A_120 {strides = array<i32>} : memref<125x128xf32, #tpu.memory_space<vmem>>, vector<16xf32>,
          %get3A_124 = arith.index_cast %scan3A_83 : i32 to index
          %get3A_125 = arith.constant 32 : index
          %get3A_126 = tpu.vector_load %arg18[%get3A_124, %get3A_125] {strides = array<i32>} : memref<125x128xf32, #tpu.memory_space<vmem>>, vector<16xf32>,
          %slice3A_127 = vector.extract_strided_slice %exp3A {offsets = [2], sizes = [1], strides = [1]} : vector<16xf32> to vector<1xf32>
          %squeeze3A_128 = vector.extract %slice3A_127[0] : f32 from vector<1xf32>
          %mul3A_129 = vector.broadcast %squeeze3A_128 : f32 to vector<16xf32>
          %mul3A_130 = arith.mulf %get3A_126, %mul3A_129 : vector<16xf32>
          %swap3A_131 = arith.index_cast %scan3A_83 : i32 to index
          %swap3A_132 = arith.constant 32 : index
          %swap3A_133 = tpu.vector_load %arg18[%swap3A_131, %swap3A_132] {strides = array<i32>} : memref<125x128xf32, #tpu.memory_space<vmem>>, vector<16xf32>,
          tpu.vector_store %arg18[%swap3A_131, %swap3A_132], %mul3A_130 {strides = array<i32>} : memref<125x128xf32, #tpu.memory_space<vmem>>, vector<16xf32>,
          %get3A_134 = arith.index_cast %scan3A_83 : i32 to index
          %get3A_135 = arith.constant 48 : index
          %get3A_136 = tpu.vector_load %arg18[%get3A_134, %get3A_135] {strides = array<i32>} : memref<125x128xf32, #tpu.memory_space<vmem>>, vector<16xf32>,
          %slice3A_137 = vector.extract_strided_slice %exp3A {offsets = [3], sizes = [1], strides = [1]} : vector<16xf32> to vector<1xf32>
          %squeeze3A_138 = vector.extract %slice3A_137[0] : f32 from vector<1xf32>
          %mul3A_139 = vector.broadcast %squeeze3A_138 : f32 to vector<16xf32>
          %mul3A_140 = arith.mulf %get3A_136, %mul3A_139 : vector<16xf32>
          %swap3A_141 = arith.index_cast %scan3A_83 : i32 to index
          %swap3A_142 = arith.constant 48 : index
          %swap3A_143 = tpu.vector_load %arg18[%swap3A_141, %swap3A_142] {strides = array<i32>} : memref<125x128xf32, #tpu.memory_space<vmem>>, vector<16xf32>,
          tpu.vector_store %arg18[%swap3A_141, %swap3A_142], %mul3A_140 {strides = array<i32>} : memref<125x128xf32, #tpu.memory_space<vmem>>, vector<16xf32>,
          %get3A_144 = arith.index_cast %scan3A_83 : i32 to index
          %get3A_145 = arith.constant 64 : index
          %get3A_146 = tpu.vector_load %arg18[%get3A_144, %get3A_145] {strides = array<i32>} : memref<125x128xf32, #tpu.memory_space<vmem>>, vector<16xf32>,
          %slice3A_147 = vector.extract_strided_slice %exp3A {offsets = [4], sizes = [1], strides = [1]} : vector<16xf32> to vector<1xf32>
          %squeeze3A_148 = vector.extract %slice3A_147[0] : f32 from vector<1xf32>
          %mul3A_149 = vector.broadcast %squeeze3A_148 : f32 to vector<16xf32>
          %mul3A_150 = arith.mulf %get3A_146, %mul3A_149 : vector<16xf32>
          %swap3A_151 = arith.index_cast %scan3A_83 : i32 to index
          %swap3A_152 = arith.constant 64 : index
          %swap3A_153 = tpu.vector_load %arg18[%swap3A_151, %swap3A_152] {strides = array<i32>} : memref<125x128xf32, #tpu.memory_space<vmem>>, vector<16xf32>,
          tpu.vector_store %arg18[%swap3A_151, %swap3A_152], %mul3A_150 {strides = array<i32>} : memref<125x128xf32, #tpu.memory_space<vmem>>, vector<16xf32>,
          %get3A_154 = arith.index_cast %scan3A_83 : i32 to index
          %get3A_155 = arith.constant 80 : index
          %get3A_156 = tpu.vector_load %arg18[%get3A_154, %get3A_155] {strides = array<i32>} : memref<125x128xf32, #tpu.memory_space<vmem>>, vector<16xf32>,
          %slice3A_157 = vector.extract_strided_slice %exp3A {offsets = [5], sizes = [1], strides = [1]} : vector<16xf32> to vector<1xf32>
          %squeeze3A_158 = vector.extract %slice3A_157[0] : f32 from vector<1xf32>
          %mul3A_159 = vector.broadcast %squeeze3A_158 : f32 to vector<16xf32>
          %mul3A_160 = arith.mulf %get3A_156, %mul3A_159 : vector<16xf32>
          %swap3A_161 = arith.index_cast %scan3A_83 : i32 to index
          %swap3A_162 = arith.constant 80 : index
          %swap3A_163 = tpu.vector_load %arg18[%swap3A_161, %swap3A_162] {strides = array<i32>} : memref<125x128xf32, #tpu.memory_space<vmem>>, vector<16xf32>,
          tpu.vector_store %arg18[%swap3A_161, %swap3A_162], %mul3A_160 {strides = array<i32>} : memref<125x128xf32, #tpu.memory_space<vmem>>, vector<16xf32>,
          %get3A_164 = arith.index_cast %scan3A_83 : i32 to index
          %get3A_165 = arith.constant 96 : index
          %get3A_166 = tpu.vector_load %arg18[%get3A_164, %get3A_165] {strides = array<i32>} : memref<125x128xf32, #tpu.memory_space<vmem>>, vector<16xf32>,
          %slice3A_167 = vector.extract_strided_slice %exp3A {offsets = [6], sizes = [1], strides = [1]} : vector<16xf32> to vector<1xf32>
          %squeeze3A_168 = vector.extract %slice3A_167[0] : f32 from vector<1xf32>
          %mul3A_169 = vector.broadcast %squeeze3A_168 : f32 to vector<16xf32>
          %mul3A_170 = arith.mulf %get3A_166, %mul3A_169 : vector<16xf32>
          %swap3A_171 = arith.index_cast %scan3A_83 : i32 to index
          %swap3A_172 = arith.constant 96 : index
          %swap3A_173 = tpu.vector_load %arg18[%swap3A_171, %swap3A_172] {strides = array<i32>} : memref<125x128xf32, #tpu.memory_space<vmem>>, vector<16xf32>,
          tpu.vector_store %arg18[%swap3A_171, %swap3A_172], %mul3A_170 {strides = array<i32>} : memref<125x128xf32, #tpu.memory_space<vmem>>, vector<16xf32>,
          %get3A_174 = arith.index_cast %scan3A_83 : i32 to index
          %get3A_175 = arith.constant 112 : index
          %get3A_176 = tpu.vector_load %arg18[%get3A_174, %get3A_175] {strides = array<i32>} : memref<125x128xf32, #tpu.memory_space<vmem>>, vector<16xf32>,
          %slice3A_177 = vector.extract_strided_slice %exp3A {offsets = [7], sizes = [1], strides = [1]} : vector<16xf32> to vector<1xf32>
          %squeeze3A_178 = vector.extract %slice3A_177[0] : f32 from vector<1xf32>
          %mul3A_179 = vector.broadcast %squeeze3A_178 : f32 to vector<16xf32>
          %mul3A_180 = arith.mulf %get3A_176, %mul3A_179 : vector<16xf32>
          %swap3A_181 = arith.index_cast %scan3A_83 : i32 to index
          %swap3A_182 = arith.constant 112 : index
          %swap3A_183 = tpu.vector_load %arg18[%swap3A_181, %swap3A_182] {strides = array<i32>} : memref<125x128xf32, #tpu.memory_space<vmem>>, vector<16xf32>,
          tpu.vector_store %arg18[%swap3A_181, %swap3A_182], %mul3A_180 {strides = array<i32>} : memref<125x128xf32, #tpu.memory_space<vmem>>, vector<16xf32>,
        }
        %scan3A_82 = arith.constant 125 : i32
        "tpu.region"() ({
          %run_scoped3A = tpu.sem_alloc : memref<!tpu.dma_semaphore, #tpu.memory_space<semaphore_mem>>
          %dma_start3A = arith.constant 0 : i32
          %dma_start3A_83 = tpu.memref_slice %arg14[%scan3A_74, %dma_start3A] : memref<8x125xi32, #tpu.memory_space<vmem>> -> memref<1x125xi32, #tpu.memory_space<vmem>>
          %dma_start3A_84 = tpu.memref_squeeze %dma_start3A_83 : memref<1x125xi32, #tpu.memory_space<vmem>> -> memref<125xi32, #tpu.memory_space<vmem>>
          %dma_start3A_85 = arith.constant 0 : i32
          %dma_start3A_86 = arith.constant 0 : i32
          %dma_start3A_87 = tpu.memref_slice %arg22[%dma_start3A_85, %dma_start3A_86] : memref<10240x16xf32, #tpu.memory_space<vmem_shared>> -> memref<10240x16xf32, #tpu.memory_space<vmem_shared>>
          tpu.enqueue_indirect_dma source(%arg19 : memref<125x16xf32, #tpu.memory_space<vmem>>) target(%dma_start3A_87 : memref<10240x16xf32, #tpu.memory_space<vmem_shared>>) offsets(%dma_start3A_84 : memref<125xi32, #tpu.memory_space<vmem>>) semaphore(%run_scoped3A : memref<!tpu.dma_semaphore, #tpu.memory_space<semaphore_mem>>) {add = true}
          %dma_wait3A = arith.constant 0 : i32
          %dma_wait3A_88 = tpu.memref_slice %arg14[%scan3A_74, %dma_wait3A] : memref<8x125xi32, #tpu.memory_space<vmem>> -> memref<1x125xi32, #tpu.memory_space<vmem>>
          %dma_wait3A_89 = tpu.memref_squeeze %dma_wait3A_88 : memref<1x125xi32, #tpu.memory_space<vmem>> -> memref<125xi32, #tpu.memory_space<vmem>>
          %dma_wait3A_90 = arith.constant 0 : i32
          %dma_wait3A_91 = arith.constant 0 : i32
          %dma_wait3A_92 = tpu.memref_slice %arg22[%dma_wait3A_90, %dma_wait3A_91] : memref<10240x16xf32, #tpu.memory_space<vmem_shared>> -> memref<10240x16xf32, #tpu.memory_space<vmem_shared>>
          tpu.wait_indirect_dma semaphore(%run_scoped3A : memref<!tpu.dma_semaphore, #tpu.memory_space<semaphore_mem>>) src(%arg19 : memref<125x16xf32, #tpu.memory_space<vmem>>) dst(%dma_wait3A_92 : memref<10240x16xf32, #tpu.memory_space<vmem_shared>>)
          tpu.yield
        }) : () -> ()
        "tpu.region"() ({
          %run_scoped3A = tpu.sem_alloc : memref<!tpu.dma_semaphore, #tpu.memory_space<semaphore_mem>>
          %dma_start3A = arith.constant 0 : i32
          %dma_start3A_83 = tpu.memref_slice %arg14[%scan3A_74, %dma_start3A] : memref<8x125xi32, #tpu.memory_space<vmem>> -> memref<1x125xi32, #tpu.memory_space<vmem>>
          %dma_start3A_84 = tpu.memref_squeeze %dma_start3A_83 : memref<1x125xi32, #tpu.memory_space<vmem>> -> memref<125xi32, #tpu.memory_space<vmem>>
          %dma_start3A_85 = arith.constant 0 : i32
          %dma_start3A_86 = arith.constant 0 : i32
          %dma_start3A_87 = tpu.memref_slice %arg21[%dma_start3A_85, %dma_start3A_86] : memref<10240x128xf32, #tpu.memory_space<vmem_shared>> -> memref<10240x128xf32, #tpu.memory_space<vmem_shared>>
          tpu.enqueue_indirect_dma source(%arg18 : memref<125x128xf32, #tpu.memory_space<vmem>>) target(%dma_start3A_87 : memref<10240x128xf32, #tpu.memory_space<vmem_shared>>) offsets(%dma_start3A_84 : memref<125xi32, #tpu.memory_space<vmem>>) semaphore(%run_scoped3A : memref<!tpu.dma_semaphore, #tpu.memory_space<semaphore_mem>>) {add = true}
          %dma_wait3A = arith.constant 0 : i32
          %dma_wait3A_88 = tpu.memref_slice %arg14[%scan3A_74, %dma_wait3A] : memref<8x125xi32, #tpu.memory_space<vmem>> -> memref<1x125xi32, #tpu.memory_space<vmem>>
          %dma_wait3A_89 = tpu.memref_squeeze %dma_wait3A_88 : memref<1x125xi32, #tpu.memory_space<vmem>> -> memref<125xi32, #tpu.memory_space<vmem>>
          %dma_wait3A_90 = arith.constant 0 : i32
          %dma_wait3A_91 = arith.constant 0 : i32
          %dma_wait3A_92 = tpu.memref_slice %arg21[%dma_wait3A_90, %dma_wait3A_91] : memref<10240x128xf32, #tpu.memory_space<vmem_shared>> -> memref<10240x128xf32, #tpu.memory_space<vmem_shared>>
          tpu.wait_indirect_dma semaphore(%run_scoped3A : memref<!tpu.dma_semaphore, #tpu.memory_space<semaphore_mem>>) src(%arg18 : memref<125x128xf32, #tpu.memory_space<vmem>>) dst(%dma_wait3A_92 : memref<10240x128xf32, #tpu.memory_space<vmem_shared>>)
          tpu.yield
        }) : () -> ()
      }
      %scan3A_73 = arith.constant 8 : i32
    }
    %scan3A_60 = arith.constant 10 : i32
    %barrier3A_61 = arith.constant 0 : index
    tpu.barrier barrier_id(%barrier3A_61)
    "tpu.region"() ({
      %run_scoped3A = tpu.sem_alloc : memref<!tpu.dma_semaphore, #tpu.memory_space<semaphore_mem>>
      %dma_start3A = arith.constant 0 : i32
      %dma_start3A_62 = tpu.memref_slice %arg11[%arg0, %mul3A_2, %dma_start3A] : memref<2x10240x128xf32, #tpu.memory_space<hbm>> -> memref<1x640x128xf32, #tpu.memory_space<hbm>>
      %dma_start3A_63 = tpu.memref_squeeze %dma_start3A_62 : memref<1x640x128xf32, #tpu.memory_space<hbm>> -> memref<640x128xf32, #tpu.memory_space<hbm>>
      %dma_start3A_64 = arith.constant 0 : i32
      %dma_start3A_65 = tpu.memref_slice %arg21[%mul3A_2, %dma_start3A_64] : memref<10240x128xf32, #tpu.memory_space<vmem_shared>> -> memref<640x128xf32, #tpu.memory_space<vmem_shared>>
      tpu.enqueue_dma source(%dma_start3A_65 : memref<640x128xf32, #tpu.memory_space<vmem_shared>>) target(%dma_start3A_63 : memref<640x128xf32, #tpu.memory_space<hbm>>) target_semaphore(%run_scoped3A : memref<!tpu.dma_semaphore, #tpu.memory_space<semaphore_mem>>)
      %dma_wait3A = arith.constant 0 : i32
      %dma_wait3A_66 = tpu.memref_slice %arg11[%arg0, %mul3A_2, %dma_wait3A] : memref<2x10240x128xf32, #tpu.memory_space<hbm>> -> memref<1x640x128xf32, #tpu.memory_space<hbm>>
      %dma_wait3A_67 = tpu.memref_squeeze %dma_wait3A_66 : memref<1x640x128xf32, #tpu.memory_space<hbm>> -> memref<640x128xf32, #tpu.memory_space<hbm>>
      %dma_wait3A_68 = arith.constant 0 : i32
      %dma_wait3A_69 = tpu.memref_slice %arg21[%mul3A_2, %dma_wait3A_68] : memref<10240x128xf32, #tpu.memory_space<vmem_shared>> -> memref<640x128xf32, #tpu.memory_space<vmem_shared>>
      tpu.wait_dma2 semaphore(%run_scoped3A : memref<!tpu.dma_semaphore, #tpu.memory_space<semaphore_mem>>) src(%dma_wait3A_69 : memref<640x128xf32, #tpu.memory_space<vmem_shared>>) dst(%dma_wait3A_67 : memref<640x128xf32, #tpu.memory_space<hbm>>)
      tpu.yield
    }) : () -> ()
    "tpu.region"() ({
      %run_scoped3A = tpu.sem_alloc : memref<!tpu.dma_semaphore, #tpu.memory_space<semaphore_mem>>
      %dma_start3A = arith.constant 0 : i32
      %dma_start3A_62 = tpu.memref_slice %arg12[%arg0, %mul3A_2, %dma_start3A] : memref<2x10240x16xf32, #tpu.memory_space<hbm>> -> memref<1x640x16xf32, #tpu.memory_space<hbm>>
      %dma_start3A_63 = tpu.memref_squeeze %dma_start3A_62 : memref<1x640x16xf32, #tpu.memory_space<hbm>> -> memref<640x16xf32, #tpu.memory_space<hbm>>
      %dma_start3A_64 = arith.constant 0 : i32
      %dma_start3A_65 = tpu.memref_slice %arg22[%mul3A_2, %dma_start3A_64] : memref<10240x16xf32, #tpu.memory_space<vmem_shared>> -> memref<640x16xf32, #tpu.memory_space<vmem_shared>>
      tpu.enqueue_dma source(%dma_start3A_65 : memref<640x16xf32, #tpu.memory_space<vmem_shared>>) target(%dma_start3A_63 : memref<640x16xf32, #tpu.memory_space<hbm>>) target_semaphore(%run_scoped3A : memref<!tpu.dma_semaphore, #tpu.memory_space<semaphore_mem>>)
      %dma_wait3A = arith.constant 0 : i32
      %dma_wait3A_66 = tpu.memref_slice %arg12[%arg0, %mul3A_2, %dma_wait3A] : memref<2x10240x16xf32, #tpu.memory_space<hbm>> -> memref<1x640x16xf32, #tpu.memory_space<hbm>>
      %dma_wait3A_67 = tpu.memref_squeeze %dma_wait3A_66 : memref<1x640x16xf32, #tpu.memory_space<hbm>> -> memref<640x16xf32, #tpu.memory_space<hbm>>
      %dma_wait3A_68 = arith.constant 0 : i32
      %dma_wait3A_69 = tpu.memref_slice %arg22[%mul3A_2, %dma_wait3A_68] : memref<10240x16xf32, #tpu.memory_space<vmem_shared>> -> memref<640x16xf32, #tpu.memory_space<vmem_shared>>
      tpu.wait_dma2 semaphore(%run_scoped3A : memref<!tpu.dma_semaphore, #tpu.memory_space<semaphore_mem>>) src(%dma_wait3A_69 : memref<640x16xf32, #tpu.memory_space<vmem_shared>>) dst(%dma_wait3A_67 : memref<640x16xf32, #tpu.memory_space<hbm>>)
      tpu.yield
    }) : () -> ()
    return
  }
}

#map = affine_map<(d0, d1) -> (0, 0)>
#map1 = affine_map<(d0, d1) -> (0)>
#map2 = affine_map<(d0, d1) -> (0, 0, 0)>
module attributes {stable_mosaic.version = 14 : i64} {
  func.func @_sc_edge_body(%arg0: i32, %arg1: i32, %arg2: memref<10000x128xf32, #tpu.memory_space<hbm>>, %arg3: memref<10000x16xf32, #tpu.memory_space<hbm>>, %arg4: memref<10000x16xf32, #tpu.memory_space<hbm>>, %arg5: memref<2560x125xi32, #tpu.memory_space<hbm>>, %arg6: memref<2560x125xi32, #tpu.memory_space<hbm>>, %arg7: memref<320000xf32, #tpu.memory_space<hbm>>, %arg8: memref<16xf32, #tpu.memory_space<hbm>>, %arg9: memref<10240x128xf32, #tpu.memory_space<hbm>>, %arg10: memref<10240x16xf32, #tpu.memory_space<hbm>>, %arg11: memref<2x10240x128xf32, #tpu.memory_space<hbm>>, %arg12: memref<2x10240x16xf32, #tpu.memory_space<hbm>>, %arg13: memref<8x125xi32, #tpu.memory_space<vmem>>, %arg14: memref<8x125xi32, #tpu.memory_space<vmem>>, %arg15: memref<1016xf32, #tpu.memory_space<vmem>>, %arg16: memref<125x16xf32, #tpu.memory_space<vmem>>, %arg17: memref<125x16xf32, #tpu.memory_space<vmem>>, %arg18: memref<125x128xf32, #tpu.memory_space<vmem>>, %arg19: memref<125x16xf32, #tpu.memory_space<vmem>>, %arg20: memref<16xf32, #tpu.memory_space<vmem>>, %arg21: memref<10240x128xf32, #tpu.memory_space<vmem_shared>>, %arg22: memref<10240x16xf32, #tpu.memory_space<vmem_shared>>) attributes {dimension_semantics = [#tpu.dimension_semantics<core_parallel>, #tpu.dimension_semantics<subcore_parallel>], iteration_bounds = array<i64: 2, 16>, scalar_prefetch = 0 : i64, scratch_operands = 10 : i64, tpu.core_type = #tpu.core_type<sc_vector_subcore>, window_params = [{transform_indices = #map}, {transform_indices = #map}, {transform_indices = #map}, {transform_indices = #map}, {transform_indices = #map}, {transform_indices = #map1}, {transform_indices = #map1}, {transform_indices = #map}, {transform_indices = #map}, {transform_indices = #map2}, {transform_indices = #map2}]} {
    %mul3A = arith.constant 2 : i32
    %mul3A_0 = arith.muli %arg1, %mul3A : i32
    %add3A = arith.addi %mul3A_0, %arg0 : i32
    %mul3A_1 = arith.constant 640 : i32
    %mul3A_2 = arith.muli %arg1, %mul3A_1 : i32
    "tpu.region"() ({
      %run_scoped3A = tpu.sem_alloc : memref<!tpu.dma_semaphore, #tpu.memory_space<semaphore_mem>>
      %dma_start3A = arith.constant 0 : i32
      %dma_start3A_62 = tpu.memref_slice %arg21[%mul3A_2, %dma_start3A] : memref<10240x128xf32, #tpu.memory_space<vmem_shared>> -> memref<640x128xf32, #tpu.memory_space<vmem_shared>>
      %dma_start3A_63 = arith.constant 0 : i32
      %dma_start3A_64 = tpu.memref_slice %arg9[%mul3A_2, %dma_start3A_63] : memref<10240x128xf32, #tpu.memory_space<hbm>> -> memref<640x128xf32, #tpu.memory_space<hbm>>
      tpu.enqueue_dma source(%dma_start3A_64 : memref<640x128xf32, #tpu.memory_space<hbm>>) target(%dma_start3A_62 : memref<640x128xf32, #tpu.memory_space<vmem_shared>>) target_semaphore(%run_scoped3A : memref<!tpu.dma_semaphore, #tpu.memory_space<semaphore_mem>>)
      %dma_wait3A = arith.constant 0 : i32
      %dma_wait3A_65 = tpu.memref_slice %arg21[%mul3A_2, %dma_wait3A] : memref<10240x128xf32, #tpu.memory_space<vmem_shared>> -> memref<640x128xf32, #tpu.memory_space<vmem_shared>>
      %dma_wait3A_66 = arith.constant 0 : i32
      %dma_wait3A_67 = tpu.memref_slice %arg9[%mul3A_2, %dma_wait3A_66] : memref<10240x128xf32, #tpu.memory_space<hbm>> -> memref<640x128xf32, #tpu.memory_space<hbm>>
      tpu.wait_dma2 semaphore(%run_scoped3A : memref<!tpu.dma_semaphore, #tpu.memory_space<semaphore_mem>>) src(%dma_wait3A_67 : memref<640x128xf32, #tpu.memory_space<hbm>>) dst(%dma_wait3A_65 : memref<640x128xf32, #tpu.memory_space<vmem_shared>>)
      tpu.yield
    }) : () -> ()
    "tpu.region"() ({
      %run_scoped3A = tpu.sem_alloc : memref<!tpu.dma_semaphore, #tpu.memory_space<semaphore_mem>>
      %dma_start3A = arith.constant 0 : i32
      %dma_start3A_62 = tpu.memref_slice %arg22[%mul3A_2, %dma_start3A] : memref<10240x16xf32, #tpu.memory_space<vmem_shared>> -> memref<640x16xf32, #tpu.memory_space<vmem_shared>>
      %dma_start3A_63 = arith.constant 0 : i32
      %dma_start3A_64 = tpu.memref_slice %arg10[%mul3A_2, %dma_start3A_63] : memref<10240x16xf32, #tpu.memory_space<hbm>> -> memref<640x16xf32, #tpu.memory_space<hbm>>
      tpu.enqueue_dma source(%dma_start3A_64 : memref<640x16xf32, #tpu.memory_space<hbm>>) target(%dma_start3A_62 : memref<640x16xf32, #tpu.memory_space<vmem_shared>>) target_semaphore(%run_scoped3A : memref<!tpu.dma_semaphore, #tpu.memory_space<semaphore_mem>>)
      %dma_wait3A = arith.constant 0 : i32
      %dma_wait3A_65 = tpu.memref_slice %arg22[%mul3A_2, %dma_wait3A] : memref<10240x16xf32, #tpu.memory_space<vmem_shared>> -> memref<640x16xf32, #tpu.memory_space<vmem_shared>>
      %dma_wait3A_66 = arith.constant 0 : i32
      %dma_wait3A_67 = tpu.memref_slice %arg10[%mul3A_2, %dma_wait3A_66] : memref<10240x16xf32, #tpu.memory_space<hbm>> -> memref<640x16xf32, #tpu.memory_space<hbm>>
      tpu.wait_dma2 semaphore(%run_scoped3A : memref<!tpu.dma_semaphore, #tpu.memory_space<semaphore_mem>>) src(%dma_wait3A_67 : memref<640x16xf32, #tpu.memory_space<hbm>>) dst(%dma_wait3A_65 : memref<640x16xf32, #tpu.memory_space<vmem_shared>>)
      tpu.yield
    }) : () -> ()
    "tpu.region"() ({
      %run_scoped3A = tpu.sem_alloc : memref<!tpu.dma_semaphore, #tpu.memory_space<semaphore_mem>>
      tpu.enqueue_dma source(%arg8 : memref<16xf32, #tpu.memory_space<hbm>>) target(%arg20 : memref<16xf32, #tpu.memory_space<vmem>>) target_semaphore(%run_scoped3A : memref<!tpu.dma_semaphore, #tpu.memory_space<semaphore_mem>>)
      tpu.wait_dma2 semaphore(%run_scoped3A : memref<!tpu.dma_semaphore, #tpu.memory_space<semaphore_mem>>) src(%arg8 : memref<16xf32, #tpu.memory_space<hbm>>) dst(%arg20 : memref<16xf32, #tpu.memory_space<vmem>>)
      tpu.yield
    }) : () -> ()
    %barrier3A = arith.constant 0 : index
    tpu.barrier barrier_id(%barrier3A)
    %get3A = arith.constant 0 : index
    %get3A_3 = tpu.vector_load %arg20[%get3A] {strides = array<i32>} : memref<16xf32, #tpu.memory_space<vmem>>, vector<16xf32>,
    %iota3A = tpu.iota {dimensions = array<i32: 0>} : vector<16xi32>
    %lt3A = arith.constant 8 : i32
    %lt3A_4 = vector.broadcast %lt3A : i32 to vector<16xi32>
    %lt3A_5 = arith.cmpi slt, %iota3A, %lt3A_4 : vector<16xi32>
    %eq3A = arith.constant 8 : i32
    %eq3A_6 = vector.broadcast %eq3A : i32 to vector<16xi32>
    %eq3A_7 = arith.cmpi eq, %iota3A, %eq3A_6 : vector<16xi32>
    %convert_element_type3A = arith.extui %eq3A_7 : vector<16xi1> to vector<16xi32>
    %convert_element_type3A_8 = arith.sitofp %convert_element_type3A : vector<16xi32> to vector<16xf32>
    %eq3A_9 = arith.constant 9 : i32
    %eq3A_10 = vector.broadcast %eq3A_9 : i32 to vector<16xi32>
    %eq3A_11 = arith.cmpi eq, %iota3A, %eq3A_10 : vector<16xi32>
    %convert_element_type3A_12 = arith.extui %eq3A_11 : vector<16xi1> to vector<16xi32>
    %convert_element_type3A_13 = arith.sitofp %convert_element_type3A_12 : vector<16xi32> to vector<16xf32>
    %eq3A_14 = arith.constant 0 : i32
    %eq3A_15 = vector.broadcast %eq3A_14 : i32 to vector<16xi32>
    %eq3A_16 = arith.cmpi eq, %iota3A, %eq3A_15 : vector<16xi32>
    %convert_element_type3A_17 = arith.extui %eq3A_16 : vector<16xi1> to vector<16xi32>
    %convert_element_type3A_18 = arith.sitofp %convert_element_type3A_17 : vector<16xi32> to vector<16xf32>
    %eq3A_19 = arith.constant 1 : i32
    %eq3A_20 = vector.broadcast %eq3A_19 : i32 to vector<16xi32>
    %eq3A_21 = arith.cmpi eq, %iota3A, %eq3A_20 : vector<16xi32>
    %convert_element_type3A_22 = arith.extui %eq3A_21 : vector<16xi1> to vector<16xi32>
    %convert_element_type3A_23 = arith.sitofp %convert_element_type3A_22 : vector<16xi32> to vector<16xf32>
    %eq3A_24 = arith.constant 2 : i32
    %eq3A_25 = vector.broadcast %eq3A_24 : i32 to vector<16xi32>
    %eq3A_26 = arith.cmpi eq, %iota3A, %eq3A_25 : vector<16xi32>
    %convert_element_type3A_27 = arith.extui %eq3A_26 : vector<16xi1> to vector<16xi32>
    %convert_element_type3A_28 = arith.sitofp %convert_element_type3A_27 : vector<16xi32> to vector<16xf32>
    %eq3A_29 = arith.constant 3 : i32
    %eq3A_30 = vector.broadcast %eq3A_29 : i32 to vector<16xi32>
    %eq3A_31 = arith.cmpi eq, %iota3A, %eq3A_30 : vector<16xi32>
    %convert_element_type3A_32 = arith.extui %eq3A_31 : vector<16xi1> to vector<16xi32>
    %convert_element_type3A_33 = arith.sitofp %convert_element_type3A_32 : vector<16xi32> to vector<16xf32>
    %eq3A_34 = arith.constant 4 : i32
    %eq3A_35 = vector.broadcast %eq3A_34 : i32 to vector<16xi32>
    %eq3A_36 = arith.cmpi eq, %iota3A, %eq3A_35 : vector<16xi32>
    %convert_element_type3A_37 = arith.extui %eq3A_36 : vector<16xi1> to vector<16xi32>
    %convert_element_type3A_38 = arith.sitofp %convert_element_type3A_37 : vector<16xi32> to vector<16xf32>
    %eq3A_39 = arith.constant 5 : i32
    %eq3A_40 = vector.broadcast %eq3A_39 : i32 to vector<16xi32>
    %eq3A_41 = arith.cmpi eq, %iota3A, %eq3A_40 : vector<16xi32>
    %convert_element_type3A_42 = arith.extui %eq3A_41 : vector<16xi1> to vector<16xi32>
    %convert_element_type3A_43 = arith.sitofp %convert_element_type3A_42 : vector<16xi32> to vector<16xf32>
    %eq3A_44 = arith.constant 6 : i32
    %eq3A_45 = vector.broadcast %eq3A_44 : i32 to vector<16xi32>
    %eq3A_46 = arith.cmpi eq, %iota3A, %eq3A_45 : vector<16xi32>
    %convert_element_type3A_47 = arith.extui %eq3A_46 : vector<16xi1> to vector<16xi32>
    %convert_element_type3A_48 = arith.sitofp %convert_element_type3A_47 : vector<16xi32> to vector<16xf32>
    %eq3A_49 = arith.constant 7 : i32
    %eq3A_50 = vector.broadcast %eq3A_49 : i32 to vector<16xi32>
    %eq3A_51 = arith.cmpi eq, %iota3A, %eq3A_50 : vector<16xi32>
    %convert_element_type3A_52 = arith.extui %eq3A_51 : vector<16xi1> to vector<16xi32>
    %convert_element_type3A_53 = arith.sitofp %convert_element_type3A_52 : vector<16xi32> to vector<16xf32>
    %mul3A_54 = arith.constant 80 : i32
    %mul3A_55 = arith.muli %add3A, %mul3A_54 : i32
    %scan3A = arith.constant 0 : i32
    %scan3A_56 = arith.constant 0 : i32
    %scan3A_57 = arith.constant 10 : i32
    %scan3A_58 = arith.addi %scan3A_56, %scan3A_57 : i32
    %scan3A_59 = arith.constant 1 : i32
    scf.for %scan3A_62 = %scan3A_56 to %scan3A_58 step %scan3A_59  : i32 {
      %mul3A_63 = arith.constant 8 : i32
      %mul3A_64 = arith.muli %scan3A_62, %mul3A_63 : i32
      %add3A_65 = arith.addi %mul3A_55, %mul3A_64 : i32
      "tpu.region"() ({
        %run_scoped3A = tpu.sem_alloc : memref<!tpu.dma_semaphore, #tpu.memory_space<semaphore_mem>>
        %dma_start3A = arith.constant 0 : i32
        %dma_start3A_74 = tpu.memref_slice %arg5[%add3A_65, %dma_start3A] : memref<2560x125xi32, #tpu.memory_space<hbm>> -> memref<8x125xi32, #tpu.memory_space<hbm>>
        %dma_start3A_75 = arith.constant 0 : i32
        %dma_start3A_76 = tpu.memref_slice %arg5[%add3A_65, %dma_start3A_75] : memref<2560x125xi32, #tpu.memory_space<hbm>> -> memref<8x125xi32, #tpu.memory_space<hbm>>
        tpu.enqueue_dma source(%dma_start3A_76 : memref<8x125xi32, #tpu.memory_space<hbm>>) target(%arg13 : memref<8x125xi32, #tpu.memory_space<vmem>>) target_semaphore(%run_scoped3A : memref<!tpu.dma_semaphore, #tpu.memory_space<semaphore_mem>>)
        %dma_wait3A = arith.constant 0 : i32
        %dma_wait3A_77 = tpu.memref_slice %arg5[%add3A_65, %dma_wait3A] : memref<2560x125xi32, #tpu.memory_space<hbm>> -> memref<8x125xi32, #tpu.memory_space<hbm>>
        %dma_wait3A_78 = arith.constant 0 : i32
        %dma_wait3A_79 = tpu.memref_slice %arg5[%add3A_65, %dma_wait3A_78] : memref<2560x125xi32, #tpu.memory_space<hbm>> -> memref<8x125xi32, #tpu.memory_space<hbm>>
        tpu.wait_dma2 semaphore(%run_scoped3A : memref<!tpu.dma_semaphore, #tpu.memory_space<semaphore_mem>>) src(%dma_wait3A_79 : memref<8x125xi32, #tpu.memory_space<hbm>>) dst(%arg13 : memref<8x125xi32, #tpu.memory_space<vmem>>)
        tpu.yield
      }) : () -> ()
      "tpu.region"() ({
        %run_scoped3A = tpu.sem_alloc : memref<!tpu.dma_semaphore, #tpu.memory_space<semaphore_mem>>
        %dma_start3A = arith.constant 0 : i32
        %dma_start3A_74 = tpu.memref_slice %arg6[%add3A_65, %dma_start3A] : memref<2560x125xi32, #tpu.memory_space<hbm>> -> memref<8x125xi32, #tpu.memory_space<hbm>>
        %dma_start3A_75 = arith.constant 0 : i32
        %dma_start3A_76 = tpu.memref_slice %arg6[%add3A_65, %dma_start3A_75] : memref<2560x125xi32, #tpu.memory_space<hbm>> -> memref<8x125xi32, #tpu.memory_space<hbm>>
        tpu.enqueue_dma source(%dma_start3A_76 : memref<8x125xi32, #tpu.memory_space<hbm>>) target(%arg14 : memref<8x125xi32, #tpu.memory_space<vmem>>) target_semaphore(%run_scoped3A : memref<!tpu.dma_semaphore, #tpu.memory_space<semaphore_mem>>)
        %dma_wait3A = arith.constant 0 : i32
        %dma_wait3A_77 = tpu.memref_slice %arg6[%add3A_65, %dma_wait3A] : memref<2560x125xi32, #tpu.memory_space<hbm>> -> memref<8x125xi32, #tpu.memory_space<hbm>>
        %dma_wait3A_78 = arith.constant 0 : i32
        %dma_wait3A_79 = tpu.memref_slice %arg6[%add3A_65, %dma_wait3A_78] : memref<2560x125xi32, #tpu.memory_space<hbm>> -> memref<8x125xi32, #tpu.memory_space<hbm>>
        tpu.wait_dma2 semaphore(%run_scoped3A : memref<!tpu.dma_semaphore, #tpu.memory_space<semaphore_mem>>) src(%dma_wait3A_79 : memref<8x125xi32, #tpu.memory_space<hbm>>) dst(%arg14 : memref<8x125xi32, #tpu.memory_space<vmem>>)
        tpu.yield
      }) : () -> ()
      %mul3A_66 = arith.constant 125 : i32
      %mul3A_67 = arith.muli %add3A_65, %mul3A_66 : i32
      "tpu.region"() ({
        %run_scoped3A = tpu.sem_alloc : memref<!tpu.dma_semaphore, #tpu.memory_space<semaphore_mem>>
        %dma_start3A = arith.constant 0 : i32
        %dma_start3A_74 = tpu.memref_slice %arg15[%dma_start3A] : memref<1016xf32, #tpu.memory_space<vmem>> -> memref<1000xf32, #tpu.memory_space<vmem>>
        %dma_start3A_75 = tpu.memref_slice %arg7[%mul3A_67] : memref<320000xf32, #tpu.memory_space<hbm>> -> memref<1000xf32, #tpu.memory_space<hbm>>
        %dma_start3A_76 = arith.constant 0 : i32
        %dma_start3A_77 = tpu.memref_slice %arg15[%dma_start3A_76] : memref<1016xf32, #tpu.memory_space<vmem>> -> memref<1000xf32, #tpu.memory_space<vmem>>
        %dma_start3A_78 = tpu.memref_slice %arg7[%mul3A_67] : memref<320000xf32, #tpu.memory_space<hbm>> -> memref<1000xf32, #tpu.memory_space<hbm>>
        tpu.enqueue_dma source(%dma_start3A_78 : memref<1000xf32, #tpu.memory_space<hbm>>) target(%dma_start3A_77 : memref<1000xf32, #tpu.memory_space<vmem>>) target_semaphore(%run_scoped3A : memref<!tpu.dma_semaphore, #tpu.memory_space<semaphore_mem>>)
        %dma_wait3A = arith.constant 0 : i32
        %dma_wait3A_79 = tpu.memref_slice %arg15[%dma_wait3A] : memref<1016xf32, #tpu.memory_space<vmem>> -> memref<1000xf32, #tpu.memory_space<vmem>>
        %dma_wait3A_80 = tpu.memref_slice %arg7[%mul3A_67] : memref<320000xf32, #tpu.memory_space<hbm>> -> memref<1000xf32, #tpu.memory_space<hbm>>
        %dma_wait3A_81 = arith.constant 0 : i32
        %dma_wait3A_82 = tpu.memref_slice %arg15[%dma_wait3A_81] : memref<1016xf32, #tpu.memory_space<vmem>> -> memref<1000xf32, #tpu.memory_space<vmem>>
        %dma_wait3A_83 = tpu.memref_slice %arg7[%mul3A_67] : memref<320000xf32, #tpu.memory_space<hbm>> -> memref<1000xf32, #tpu.memory_space<hbm>>
        tpu.wait_dma2 semaphore(%run_scoped3A : memref<!tpu.dma_semaphore, #tpu.memory_space<semaphore_mem>>) src(%dma_wait3A_83 : memref<1000xf32, #tpu.memory_space<hbm>>) dst(%dma_wait3A_82 : memref<1000xf32, #tpu.memory_space<vmem>>)
        tpu.yield
      }) : () -> ()
      %scan3A_68 = arith.constant 0 : i32
      %scan3A_69 = arith.constant 0 : i32
      %scan3A_70 = arith.constant 8 : i32
      %scan3A_71 = arith.addi %scan3A_69, %scan3A_70 : i32
      %scan3A_72 = arith.constant 1 : i32
      scf.for %scan3A_74 = %scan3A_69 to %scan3A_71 step %scan3A_72  : i32 {
        %mul3A_75 = arith.constant 125 : i32
        %mul3A_76 = arith.muli %scan3A_74, %mul3A_75 : i32
        "tpu.region"() ({
          %run_scoped3A = tpu.sem_alloc : memref<!tpu.dma_semaphore, #tpu.memory_space<semaphore_mem>>
          %dma_start3A = arith.constant 0 : i32
          %dma_start3A_83 = tpu.memref_slice %arg13[%scan3A_74, %dma_start3A] : memref<8x125xi32, #tpu.memory_space<vmem>> -> memref<1x125xi32, #tpu.memory_space<vmem>>
          %dma_start3A_84 = tpu.memref_squeeze %dma_start3A_83 : memref<1x125xi32, #tpu.memory_space<vmem>> -> memref<125xi32, #tpu.memory_space<vmem>>
          %dma_start3A_85 = arith.constant 0 : i32
          %dma_start3A_86 = arith.constant 0 : i32
          %dma_start3A_87 = tpu.memref_slice %arg3[%dma_start3A_85, %dma_start3A_86] : memref<10000x16xf32, #tpu.memory_space<hbm>> -> memref<10000x16xf32, #tpu.memory_space<hbm>>
          tpu.enqueue_indirect_dma source(%dma_start3A_87 : memref<10000x16xf32, #tpu.memory_space<hbm>>) target(%arg16 : memref<125x16xf32, #tpu.memory_space<vmem>>) offsets(%dma_start3A_84 : memref<125xi32, #tpu.memory_space<vmem>>) semaphore(%run_scoped3A : memref<!tpu.dma_semaphore, #tpu.memory_space<semaphore_mem>>)
          %dma_wait3A = arith.constant 0 : i32
          %dma_wait3A_88 = tpu.memref_slice %arg13[%scan3A_74, %dma_wait3A] : memref<8x125xi32, #tpu.memory_space<vmem>> -> memref<1x125xi32, #tpu.memory_space<vmem>>
          %dma_wait3A_89 = tpu.memref_squeeze %dma_wait3A_88 : memref<1x125xi32, #tpu.memory_space<vmem>> -> memref<125xi32, #tpu.memory_space<vmem>>
          %dma_wait3A_90 = arith.constant 0 : i32
          %dma_wait3A_91 = arith.constant 0 : i32
          %dma_wait3A_92 = tpu.memref_slice %arg3[%dma_wait3A_90, %dma_wait3A_91] : memref<10000x16xf32, #tpu.memory_space<hbm>> -> memref<10000x16xf32, #tpu.memory_space<hbm>>
          tpu.wait_indirect_dma semaphore(%run_scoped3A : memref<!tpu.dma_semaphore, #tpu.memory_space<semaphore_mem>>) src(%dma_wait3A_92 : memref<10000x16xf32, #tpu.memory_space<hbm>>) dst(%arg16 : memref<125x16xf32, #tpu.memory_space<vmem>>)
          tpu.yield
        }) : () -> ()
        "tpu.region"() ({
          %run_scoped3A = tpu.sem_alloc : memref<!tpu.dma_semaphore, #tpu.memory_space<semaphore_mem>>
          %dma_start3A = arith.constant 0 : i32
          %dma_start3A_83 = tpu.memref_slice %arg14[%scan3A_74, %dma_start3A] : memref<8x125xi32, #tpu.memory_space<vmem>> -> memref<1x125xi32, #tpu.memory_space<vmem>>
          %dma_start3A_84 = tpu.memref_squeeze %dma_start3A_83 : memref<1x125xi32, #tpu.memory_space<vmem>> -> memref<125xi32, #tpu.memory_space<vmem>>
          %dma_start3A_85 = arith.constant 0 : i32
          %dma_start3A_86 = arith.constant 0 : i32
          %dma_start3A_87 = tpu.memref_slice %arg4[%dma_start3A_85, %dma_start3A_86] : memref<10000x16xf32, #tpu.memory_space<hbm>> -> memref<10000x16xf32, #tpu.memory_space<hbm>>
          tpu.enqueue_indirect_dma source(%dma_start3A_87 : memref<10000x16xf32, #tpu.memory_space<hbm>>) target(%arg17 : memref<125x16xf32, #tpu.memory_space<vmem>>) offsets(%dma_start3A_84 : memref<125xi32, #tpu.memory_space<vmem>>) semaphore(%run_scoped3A : memref<!tpu.dma_semaphore, #tpu.memory_space<semaphore_mem>>)
          %dma_wait3A = arith.constant 0 : i32
          %dma_wait3A_88 = tpu.memref_slice %arg14[%scan3A_74, %dma_wait3A] : memref<8x125xi32, #tpu.memory_space<vmem>> -> memref<1x125xi32, #tpu.memory_space<vmem>>
          %dma_wait3A_89 = tpu.memref_squeeze %dma_wait3A_88 : memref<1x125xi32, #tpu.memory_space<vmem>> -> memref<125xi32, #tpu.memory_space<vmem>>
          %dma_wait3A_90 = arith.constant 0 : i32
          %dma_wait3A_91 = arith.constant 0 : i32
          %dma_wait3A_92 = tpu.memref_slice %arg4[%dma_wait3A_90, %dma_wait3A_91] : memref<10000x16xf32, #tpu.memory_space<hbm>> -> memref<10000x16xf32, #tpu.memory_space<hbm>>
          tpu.wait_indirect_dma semaphore(%run_scoped3A : memref<!tpu.dma_semaphore, #tpu.memory_space<semaphore_mem>>) src(%dma_wait3A_92 : memref<10000x16xf32, #tpu.memory_space<hbm>>) dst(%arg17 : memref<125x16xf32, #tpu.memory_space<vmem>>)
          tpu.yield
        }) : () -> ()
        "tpu.region"() ({
          %run_scoped3A = tpu.sem_alloc : memref<!tpu.dma_semaphore, #tpu.memory_space<semaphore_mem>>
          %dma_start3A = arith.constant 0 : i32
          %dma_start3A_83 = tpu.memref_slice %arg13[%scan3A_74, %dma_start3A] : memref<8x125xi32, #tpu.memory_space<vmem>> -> memref<1x125xi32, #tpu.memory_space<vmem>>
          %dma_start3A_84 = tpu.memref_squeeze %dma_start3A_83 : memref<1x125xi32, #tpu.memory_space<vmem>> -> memref<125xi32, #tpu.memory_space<vmem>>
          %dma_start3A_85 = arith.constant 0 : i32
          %dma_start3A_86 = arith.constant 0 : i32
          %dma_start3A_87 = tpu.memref_slice %arg2[%dma_start3A_85, %dma_start3A_86] : memref<10000x128xf32, #tpu.memory_space<hbm>> -> memref<10000x128xf32, #tpu.memory_space<hbm>>
          tpu.enqueue_indirect_dma source(%dma_start3A_87 : memref<10000x128xf32, #tpu.memory_space<hbm>>) target(%arg18 : memref<125x128xf32, #tpu.memory_space<vmem>>) offsets(%dma_start3A_84 : memref<125xi32, #tpu.memory_space<vmem>>) semaphore(%run_scoped3A : memref<!tpu.dma_semaphore, #tpu.memory_space<semaphore_mem>>)
          %dma_wait3A = arith.constant 0 : i32
          %dma_wait3A_88 = tpu.memref_slice %arg13[%scan3A_74, %dma_wait3A] : memref<8x125xi32, #tpu.memory_space<vmem>> -> memref<1x125xi32, #tpu.memory_space<vmem>>
          %dma_wait3A_89 = tpu.memref_squeeze %dma_wait3A_88 : memref<1x125xi32, #tpu.memory_space<vmem>> -> memref<125xi32, #tpu.memory_space<vmem>>
          %dma_wait3A_90 = arith.constant 0 : i32
          %dma_wait3A_91 = arith.constant 0 : i32
          %dma_wait3A_92 = tpu.memref_slice %arg2[%dma_wait3A_90, %dma_wait3A_91] : memref<10000x128xf32, #tpu.memory_space<hbm>> -> memref<10000x128xf32, #tpu.memory_space<hbm>>
          tpu.wait_indirect_dma semaphore(%run_scoped3A : memref<!tpu.dma_semaphore, #tpu.memory_space<semaphore_mem>>) src(%dma_wait3A_92 : memref<10000x128xf32, #tpu.memory_space<hbm>>) dst(%arg18 : memref<125x128xf32, #tpu.memory_space<vmem>>)
          tpu.yield
        }) : () -> ()
        %scan3A_77 = arith.constant 0 : i32
        %scan3A_78 = arith.constant 0 : i32
        %scan3A_79 = arith.constant 125 : i32
        %scan3A_80 = arith.addi %scan3A_78, %scan3A_79 : i32
        %scan3A_81 = arith.constant 1 : i32
        scf.for %scan3A_83 = %scan3A_78 to %scan3A_80 step %scan3A_81  : i32 {
          %add3A_84 = arith.addi %mul3A_76, %scan3A_83 : i32
          %broadcast_in_dim3A = vector.broadcast %add3A_84 : i32 to vector<16xi32>
          %gather3A = tpu.vector_load_idx %arg15[%broadcast_in_dim3A] : memref<1016xf32, #tpu.memory_space<vmem>>[vector<16xi32>], vector<16xf32>,
          %get3A_85 = arith.index_cast %scan3A_83 : i32 to index
          %get3A_86 = arith.constant 0 : index
          %get3A_87 = tpu.vector_load %arg16[%get3A_85, %get3A_86] {strides = array<i32>} : memref<125x16xf32, #tpu.memory_space<vmem>>, vector<16xf32>,
          %get3A_88 = arith.index_cast %scan3A_83 : i32 to index
          %get3A_89 = arith.constant 0 : index
          %get3A_90 = tpu.vector_load %arg17[%get3A_88, %get3A_89] {strides = array<i32>} : memref<125x16xf32, #tpu.memory_space<vmem>>, vector<16xf32>,
          %add3A_91 = arith.addf %get3A_87, %get3A_90 : vector<16xf32>
          %mul3A_92 = arith.mulf %gather3A, %get3A_3 : vector<16xf32>
          %add3A_93 = arith.addf %add3A_91, %mul3A_92 : vector<16xf32>
          %gt3A = arith.constant 0.000000e+00 : f32
          %gt3A_94 = vector.broadcast %gt3A : f32 to vector<16xf32>
          %gt3A_95 = arith.cmpf ogt, %add3A_93, %gt3A_94 : vector<16xf32>
          %mul3A_96 = arith.constant 2.000000e-01 : f32
          %mul3A_97 = vector.broadcast %mul3A_96 : f32 to vector<16xf32>
          %mul3A_98 = arith.mulf %mul3A_97, %add3A_93 : vector<16xf32>
          %select_n3A = arith.select %gt3A_95, %add3A_93, %mul3A_98 : vector<16xi1>, vector<16xf32>
          %min3A = arith.constant 6.000000e+01 : f32
          %min3A_99 = vector.broadcast %min3A : f32 to vector<16xf32>
          %min3A_100 = arith.minimumf %select_n3A, %min3A_99 : vector<16xf32>
          %exp3A = math.exp %min3A_100 : vector<16xf32>
          %mul3A_101 = arith.mulf %gather3A, %convert_element_type3A_8 : vector<16xf32>
          %add3A_102 = arith.addf %mul3A_101, %convert_element_type3A_13 : vector<16xf32>
          %select_n3A_103 = arith.select %lt3A_5, %exp3A, %add3A_102 : vector<16xi1>, vector<16xf32>
          %swap3A = arith.index_cast %scan3A_83 : i32 to index
          %swap3A_104 = arith.constant 0 : index
          %swap3A_105 = tpu.vector_load %arg19[%swap3A, %swap3A_104] {strides = array<i32>} : memref<125x16xf32, #tpu.memory_space<vmem>>, vector<16xf32>,
          tpu.vector_store %arg19[%swap3A, %swap3A_104], %select_n3A_103 {strides = array<i32>} : memref<125x16xf32, #tpu.memory_space<vmem>>, vector<16xf32>,
          %get3A_106 = arith.index_cast %scan3A_83 : i32 to index
          %get3A_107 = arith.constant 0 : index
          %get3A_108 = tpu.vector_load %arg18[%get3A_106, %get3A_107] {strides = array<i32>} : memref<125x128xf32, #tpu.memory_space<vmem>>, vector<16xf32>,
          %slice3A = vector.extract_strided_slice %exp3A {offsets = [0], sizes = [1], strides = [1]} : vector<16xf32> to vector<1xf32>
          %squeeze3A = vector.extract %slice3A[0] : f32 from vector<1xf32>
          %mul3A_109 = vector.broadcast %squeeze3A : f32 to vector<16xf32>
          %mul3A_110 = arith.mulf %get3A_108, %mul3A_109 : vector<16xf32>
          %swap3A_111 = arith.index_cast %scan3A_83 : i32 to index
          %swap3A_112 = arith.constant 0 : index
          %swap3A_113 = tpu.vector_load %arg18[%swap3A_111, %swap3A_112] {strides = array<i32>} : memref<125x128xf32, #tpu.memory_space<vmem>>, vector<16xf32>,
          tpu.vector_store %arg18[%swap3A_111, %swap3A_112], %mul3A_110 {strides = array<i32>} : memref<125x128xf32, #tpu.memory_space<vmem>>, vector<16xf32>,
          %get3A_114 = arith.index_cast %scan3A_83 : i32 to index
          %get3A_115 = arith.constant 16 : index
          %get3A_116 = tpu.vector_load %arg18[%get3A_114, %get3A_115] {strides = array<i32>} : memref<125x128xf32, #tpu.memory_space<vmem>>, vector<16xf32>,
          %slice3A_117 = vector.extract_strided_slice %exp3A {offsets = [1], sizes = [1], strides = [1]} : vector<16xf32> to vector<1xf32>
          %squeeze3A_118 = vector.extract %slice3A_117[0] : f32 from vector<1xf32>
          %mul3A_119 = vector.broadcast %squeeze3A_118 : f32 to vector<16xf32>
          %mul3A_120 = arith.mulf %get3A_116, %mul3A_119 : vector<16xf32>
          %swap3A_121 = arith.index_cast %scan3A_83 : i32 to index
          %swap3A_122 = arith.constant 16 : index
          %swap3A_123 = tpu.vector_load %arg18[%swap3A_121, %swap3A_122] {strides = array<i32>} : memref<125x128xf32, #tpu.memory_space<vmem>>, vector<16xf32>,
          tpu.vector_store %arg18[%swap3A_121, %swap3A_122], %mul3A_120 {strides = array<i32>} : memref<125x128xf32, #tpu.memory_space<vmem>>, vector<16xf32>,
          %get3A_124 = arith.index_cast %scan3A_83 : i32 to index
          %get3A_125 = arith.constant 32 : index
          %get3A_126 = tpu.vector_load %arg18[%get3A_124, %get3A_125] {strides = array<i32>} : memref<125x128xf32, #tpu.memory_space<vmem>>, vector<16xf32>,
          %slice3A_127 = vector.extract_strided_slice %exp3A {offsets = [2], sizes = [1], strides = [1]} : vector<16xf32> to vector<1xf32>
          %squeeze3A_128 = vector.extract %slice3A_127[0] : f32 from vector<1xf32>
          %mul3A_129 = vector.broadcast %squeeze3A_128 : f32 to vector<16xf32>
          %mul3A_130 = arith.mulf %get3A_126, %mul3A_129 : vector<16xf32>
          %swap3A_131 = arith.index_cast %scan3A_83 : i32 to index
          %swap3A_132 = arith.constant 32 : index
          %swap3A_133 = tpu.vector_load %arg18[%swap3A_131, %swap3A_132] {strides = array<i32>} : memref<125x128xf32, #tpu.memory_space<vmem>>, vector<16xf32>,
          tpu.vector_store %arg18[%swap3A_131, %swap3A_132], %mul3A_130 {strides = array<i32>} : memref<125x128xf32, #tpu.memory_space<vmem>>, vector<16xf32>,
          %get3A_134 = arith.index_cast %scan3A_83 : i32 to index
          %get3A_135 = arith.constant 48 : index
          %get3A_136 = tpu.vector_load %arg18[%get3A_134, %get3A_135] {strides = array<i32>} : memref<125x128xf32, #tpu.memory_space<vmem>>, vector<16xf32>,
          %slice3A_137 = vector.extract_strided_slice %exp3A {offsets = [3], sizes = [1], strides = [1]} : vector<16xf32> to vector<1xf32>
          %squeeze3A_138 = vector.extract %slice3A_137[0] : f32 from vector<1xf32>
          %mul3A_139 = vector.broadcast %squeeze3A_138 : f32 to vector<16xf32>
          %mul3A_140 = arith.mulf %get3A_136, %mul3A_139 : vector<16xf32>
          %swap3A_141 = arith.index_cast %scan3A_83 : i32 to index
          %swap3A_142 = arith.constant 48 : index
          %swap3A_143 = tpu.vector_load %arg18[%swap3A_141, %swap3A_142] {strides = array<i32>} : memref<125x128xf32, #tpu.memory_space<vmem>>, vector<16xf32>,
          tpu.vector_store %arg18[%swap3A_141, %swap3A_142], %mul3A_140 {strides = array<i32>} : memref<125x128xf32, #tpu.memory_space<vmem>>, vector<16xf32>,
          %get3A_144 = arith.index_cast %scan3A_83 : i32 to index
          %get3A_145 = arith.constant 64 : index
          %get3A_146 = tpu.vector_load %arg18[%get3A_144, %get3A_145] {strides = array<i32>} : memref<125x128xf32, #tpu.memory_space<vmem>>, vector<16xf32>,
          %slice3A_147 = vector.extract_strided_slice %exp3A {offsets = [4], sizes = [1], strides = [1]} : vector<16xf32> to vector<1xf32>
          %squeeze3A_148 = vector.extract %slice3A_147[0] : f32 from vector<1xf32>
          %mul3A_149 = vector.broadcast %squeeze3A_148 : f32 to vector<16xf32>
          %mul3A_150 = arith.mulf %get3A_146, %mul3A_149 : vector<16xf32>
          %swap3A_151 = arith.index_cast %scan3A_83 : i32 to index
          %swap3A_152 = arith.constant 64 : index
          %swap3A_153 = tpu.vector_load %arg18[%swap3A_151, %swap3A_152] {strides = array<i32>} : memref<125x128xf32, #tpu.memory_space<vmem>>, vector<16xf32>,
          tpu.vector_store %arg18[%swap3A_151, %swap3A_152], %mul3A_150 {strides = array<i32>} : memref<125x128xf32, #tpu.memory_space<vmem>>, vector<16xf32>,
          %get3A_154 = arith.index_cast %scan3A_83 : i32 to index
          %get3A_155 = arith.constant 80 : index
          %get3A_156 = tpu.vector_load %arg18[%get3A_154, %get3A_155] {strides = array<i32>} : memref<125x128xf32, #tpu.memory_space<vmem>>, vector<16xf32>,
          %slice3A_157 = vector.extract_strided_slice %exp3A {offsets = [5], sizes = [1], strides = [1]} : vector<16xf32> to vector<1xf32>
          %squeeze3A_158 = vector.extract %slice3A_157[0] : f32 from vector<1xf32>
          %mul3A_159 = vector.broadcast %squeeze3A_158 : f32 to vector<16xf32>
          %mul3A_160 = arith.mulf %get3A_156, %mul3A_159 : vector<16xf32>
          %swap3A_161 = arith.index_cast %scan3A_83 : i32 to index
          %swap3A_162 = arith.constant 80 : index
          %swap3A_163 = tpu.vector_load %arg18[%swap3A_161, %swap3A_162] {strides = array<i32>} : memref<125x128xf32, #tpu.memory_space<vmem>>, vector<16xf32>,
          tpu.vector_store %arg18[%swap3A_161, %swap3A_162], %mul3A_160 {strides = array<i32>} : memref<125x128xf32, #tpu.memory_space<vmem>>, vector<16xf32>,
          %get3A_164 = arith.index_cast %scan3A_83 : i32 to index
          %get3A_165 = arith.constant 96 : index
          %get3A_166 = tpu.vector_load %arg18[%get3A_164, %get3A_165] {strides = array<i32>} : memref<125x128xf32, #tpu.memory_space<vmem>>, vector<16xf32>,
          %slice3A_167 = vector.extract_strided_slice %exp3A {offsets = [6], sizes = [1], strides = [1]} : vector<16xf32> to vector<1xf32>
          %squeeze3A_168 = vector.extract %slice3A_167[0] : f32 from vector<1xf32>
          %mul3A_169 = vector.broadcast %squeeze3A_168 : f32 to vector<16xf32>
          %mul3A_170 = arith.mulf %get3A_166, %mul3A_169 : vector<16xf32>
          %swap3A_171 = arith.index_cast %scan3A_83 : i32 to index
          %swap3A_172 = arith.constant 96 : index
          %swap3A_173 = tpu.vector_load %arg18[%swap3A_171, %swap3A_172] {strides = array<i32>} : memref<125x128xf32, #tpu.memory_space<vmem>>, vector<16xf32>,
          tpu.vector_store %arg18[%swap3A_171, %swap3A_172], %mul3A_170 {strides = array<i32>} : memref<125x128xf32, #tpu.memory_space<vmem>>, vector<16xf32>,
          %get3A_174 = arith.index_cast %scan3A_83 : i32 to index
          %get3A_175 = arith.constant 112 : index
          %get3A_176 = tpu.vector_load %arg18[%get3A_174, %get3A_175] {strides = array<i32>} : memref<125x128xf32, #tpu.memory_space<vmem>>, vector<16xf32>,
          %slice3A_177 = vector.extract_strided_slice %exp3A {offsets = [7], sizes = [1], strides = [1]} : vector<16xf32> to vector<1xf32>
          %squeeze3A_178 = vector.extract %slice3A_177[0] : f32 from vector<1xf32>
          %mul3A_179 = vector.broadcast %squeeze3A_178 : f32 to vector<16xf32>
          %mul3A_180 = arith.mulf %get3A_176, %mul3A_179 : vector<16xf32>
          %swap3A_181 = arith.index_cast %scan3A_83 : i32 to index
          %swap3A_182 = arith.constant 112 : index
          %swap3A_183 = tpu.vector_load %arg18[%swap3A_181, %swap3A_182] {strides = array<i32>} : memref<125x128xf32, #tpu.memory_space<vmem>>, vector<16xf32>,
          tpu.vector_store %arg18[%swap3A_181, %swap3A_182], %mul3A_180 {strides = array<i32>} : memref<125x128xf32, #tpu.memory_space<vmem>>, vector<16xf32>,
        }
        %scan3A_82 = arith.constant 125 : i32
        "tpu.region"() ({
          %run_scoped3A = tpu.sem_alloc : memref<!tpu.dma_semaphore, #tpu.memory_space<semaphore_mem>>
          %dma_start3A = arith.constant 0 : i32
          %dma_start3A_83 = tpu.memref_slice %arg14[%scan3A_74, %dma_start3A] : memref<8x125xi32, #tpu.memory_space<vmem>> -> memref<1x125xi32, #tpu.memory_space<vmem>>
          %dma_start3A_84 = tpu.memref_squeeze %dma_start3A_83 : memref<1x125xi32, #tpu.memory_space<vmem>> -> memref<125xi32, #tpu.memory_space<vmem>>
          %dma_start3A_85 = arith.constant 0 : i32
          %dma_start3A_86 = arith.constant 0 : i32
          %dma_start3A_87 = tpu.memref_slice %arg22[%dma_start3A_85, %dma_start3A_86] : memref<10240x16xf32, #tpu.memory_space<vmem_shared>> -> memref<10240x16xf32, #tpu.memory_space<vmem_shared>>
          tpu.enqueue_indirect_dma source(%arg19 : memref<125x16xf32, #tpu.memory_space<vmem>>) target(%dma_start3A_87 : memref<10240x16xf32, #tpu.memory_space<vmem_shared>>) offsets(%dma_start3A_84 : memref<125xi32, #tpu.memory_space<vmem>>) semaphore(%run_scoped3A : memref<!tpu.dma_semaphore, #tpu.memory_space<semaphore_mem>>) {add = true}
          %dma_wait3A = arith.constant 0 : i32
          %dma_wait3A_88 = tpu.memref_slice %arg14[%scan3A_74, %dma_wait3A] : memref<8x125xi32, #tpu.memory_space<vmem>> -> memref<1x125xi32, #tpu.memory_space<vmem>>
          %dma_wait3A_89 = tpu.memref_squeeze %dma_wait3A_88 : memref<1x125xi32, #tpu.memory_space<vmem>> -> memref<125xi32, #tpu.memory_space<vmem>>
          %dma_wait3A_90 = arith.constant 0 : i32
          %dma_wait3A_91 = arith.constant 0 : i32
          %dma_wait3A_92 = tpu.memref_slice %arg22[%dma_wait3A_90, %dma_wait3A_91] : memref<10240x16xf32, #tpu.memory_space<vmem_shared>> -> memref<10240x16xf32, #tpu.memory_space<vmem_shared>>
          tpu.wait_indirect_dma semaphore(%run_scoped3A : memref<!tpu.dma_semaphore, #tpu.memory_space<semaphore_mem>>) src(%arg19 : memref<125x16xf32, #tpu.memory_space<vmem>>) dst(%dma_wait3A_92 : memref<10240x16xf32, #tpu.memory_space<vmem_shared>>)
          tpu.yield
        }) : () -> ()
        "tpu.region"() ({
          %run_scoped3A = tpu.sem_alloc : memref<!tpu.dma_semaphore, #tpu.memory_space<semaphore_mem>>
          %dma_start3A = arith.constant 0 : i32
          %dma_start3A_83 = tpu.memref_slice %arg14[%scan3A_74, %dma_start3A] : memref<8x125xi32, #tpu.memory_space<vmem>> -> memref<1x125xi32, #tpu.memory_space<vmem>>
          %dma_start3A_84 = tpu.memref_squeeze %dma_start3A_83 : memref<1x125xi32, #tpu.memory_space<vmem>> -> memref<125xi32, #tpu.memory_space<vmem>>
          %dma_start3A_85 = arith.constant 0 : i32
          %dma_start3A_86 = arith.constant 0 : i32
          %dma_start3A_87 = tpu.memref_slice %arg21[%dma_start3A_85, %dma_start3A_86] : memref<10240x128xf32, #tpu.memory_space<vmem_shared>> -> memref<10240x128xf32, #tpu.memory_space<vmem_shared>>
          tpu.enqueue_indirect_dma source(%arg18 : memref<125x128xf32, #tpu.memory_space<vmem>>) target(%dma_start3A_87 : memref<10240x128xf32, #tpu.memory_space<vmem_shared>>) offsets(%dma_start3A_84 : memref<125xi32, #tpu.memory_space<vmem>>) semaphore(%run_scoped3A : memref<!tpu.dma_semaphore, #tpu.memory_space<semaphore_mem>>) {add = true}
          %dma_wait3A = arith.constant 0 : i32
          %dma_wait3A_88 = tpu.memref_slice %arg14[%scan3A_74, %dma_wait3A] : memref<8x125xi32, #tpu.memory_space<vmem>> -> memref<1x125xi32, #tpu.memory_space<vmem>>
          %dma_wait3A_89 = tpu.memref_squeeze %dma_wait3A_88 : memref<1x125xi32, #tpu.memory_space<vmem>> -> memref<125xi32, #tpu.memory_space<vmem>>
          %dma_wait3A_90 = arith.constant 0 : i32
          %dma_wait3A_91 = arith.constant 0 : i32
          %dma_wait3A_92 = tpu.memref_slice %arg21[%dma_wait3A_90, %dma_wait3A_91] : memref<10240x128xf32, #tpu.memory_space<vmem_shared>> -> memref<10240x128xf32, #tpu.memory_space<vmem_shared>>
          tpu.wait_indirect_dma semaphore(%run_scoped3A : memref<!tpu.dma_semaphore, #tpu.memory_space<semaphore_mem>>) src(%arg18 : memref<125x128xf32, #tpu.memory_space<vmem>>) dst(%dma_wait3A_92 : memref<10240x128xf32, #tpu.memory_space<vmem_shared>>)
          tpu.yield
        }) : () -> ()
      }
      %scan3A_73 = arith.constant 8 : i32
    }
    %scan3A_60 = arith.constant 10 : i32
    %barrier3A_61 = arith.constant 0 : index
    tpu.barrier barrier_id(%barrier3A_61)
    "tpu.region"() ({
      %run_scoped3A = tpu.sem_alloc : memref<!tpu.dma_semaphore, #tpu.memory_space<semaphore_mem>>
      %dma_start3A = arith.constant 0 : i32
      %dma_start3A_62 = tpu.memref_slice %arg11[%arg0, %mul3A_2, %dma_start3A] : memref<2x10240x128xf32, #tpu.memory_space<hbm>> -> memref<1x640x128xf32, #tpu.memory_space<hbm>>
      %dma_start3A_63 = tpu.memref_squeeze %dma_start3A_62 : memref<1x640x128xf32, #tpu.memory_space<hbm>> -> memref<640x128xf32, #tpu.memory_space<hbm>>
      %dma_start3A_64 = arith.constant 0 : i32
      %dma_start3A_65 = tpu.memref_slice %arg21[%mul3A_2, %dma_start3A_64] : memref<10240x128xf32, #tpu.memory_space<vmem_shared>> -> memref<640x128xf32, #tpu.memory_space<vmem_shared>>
      tpu.enqueue_dma source(%dma_start3A_65 : memref<640x128xf32, #tpu.memory_space<vmem_shared>>) target(%dma_start3A_63 : memref<640x128xf32, #tpu.memory_space<hbm>>) target_semaphore(%run_scoped3A : memref<!tpu.dma_semaphore, #tpu.memory_space<semaphore_mem>>)
      %dma_wait3A = arith.constant 0 : i32
      %dma_wait3A_66 = tpu.memref_slice %arg11[%arg0, %mul3A_2, %dma_wait3A] : memref<2x10240x128xf32, #tpu.memory_space<hbm>> -> memref<1x640x128xf32, #tpu.memory_space<hbm>>
      %dma_wait3A_67 = tpu.memref_squeeze %dma_wait3A_66 : memref<1x640x128xf32, #tpu.memory_space<hbm>> -> memref<640x128xf32, #tpu.memory_space<hbm>>
      %dma_wait3A_68 = arith.constant 0 : i32
      %dma_wait3A_69 = tpu.memref_slice %arg21[%mul3A_2, %dma_wait3A_68] : memref<10240x128xf32, #tpu.memory_space<vmem_shared>> -> memref<640x128xf32, #tpu.memory_space<vmem_shared>>
      tpu.wait_dma2 semaphore(%run_scoped3A : memref<!tpu.dma_semaphore, #tpu.memory_space<semaphore_mem>>) src(%dma_wait3A_69 : memref<640x128xf32, #tpu.memory_space<vmem_shared>>) dst(%dma_wait3A_67 : memref<640x128xf32, #tpu.memory_space<hbm>>)
      tpu.yield
    }) : () -> ()
    "tpu.region"() ({
      %run_scoped3A = tpu.sem_alloc : memref<!tpu.dma_semaphore, #tpu.memory_space<semaphore_mem>>
      %dma_start3A = arith.constant 0 : i32
      %dma_start3A_62 = tpu.memref_slice %arg12[%arg0, %mul3A_2, %dma_start3A] : memref<2x10240x16xf32, #tpu.memory_space<hbm>> -> memref<1x640x16xf32, #tpu.memory_space<hbm>>
      %dma_start3A_63 = tpu.memref_squeeze %dma_start3A_62 : memref<1x640x16xf32, #tpu.memory_space<hbm>> -> memref<640x16xf32, #tpu.memory_space<hbm>>
      %dma_start3A_64 = arith.constant 0 : i32
      %dma_start3A_65 = tpu.memref_slice %arg22[%mul3A_2, %dma_start3A_64] : memref<10240x16xf32, #tpu.memory_space<vmem_shared>> -> memref<640x16xf32, #tpu.memory_space<vmem_shared>>
      tpu.enqueue_dma source(%dma_start3A_65 : memref<640x16xf32, #tpu.memory_space<vmem_shared>>) target(%dma_start3A_63 : memref<640x16xf32, #tpu.memory_space<hbm>>) target_semaphore(%run_scoped3A : memref<!tpu.dma_semaphore, #tpu.memory_space<semaphore_mem>>)
      %dma_wait3A = arith.constant 0 : i32
      %dma_wait3A_66 = tpu.memref_slice %arg12[%arg0, %mul3A_2, %dma_wait3A] : memref<2x10240x16xf32, #tpu.memory_space<hbm>> -> memref<1x640x16xf32, #tpu.memory_space<hbm>>
      %dma_wait3A_67 = tpu.memref_squeeze %dma_wait3A_66 : memref<1x640x16xf32, #tpu.memory_space<hbm>> -> memref<640x16xf32, #tpu.memory_space<hbm>>
      %dma_wait3A_68 = arith.constant 0 : i32
      %dma_wait3A_69 = tpu.memref_slice %arg22[%mul3A_2, %dma_wait3A_68] : memref<10240x16xf32, #tpu.memory_space<vmem_shared>> -> memref<640x16xf32, #tpu.memory_space<vmem_shared>>
      tpu.wait_dma2 semaphore(%run_scoped3A : memref<!tpu.dma_semaphore, #tpu.memory_space<semaphore_mem>>) src(%dma_wait3A_69 : memref<640x16xf32, #tpu.memory_space<vmem_shared>>) dst(%dma_wait3A_67 : memref<640x16xf32, #tpu.memory_space<hbm>>)
      tpu.yield
    }) : () -> ()
    return
  }
}

#map = affine_map<(d0, d1) -> (0, 0)>
#map1 = affine_map<(d0, d1) -> (0)>
#map2 = affine_map<(d0, d1) -> (0, 0, 0)>
module attributes {stable_mosaic.version = 14 : i64} {
  func.func @_sc_edge_body(%arg0: i32, %arg1: i32, %arg2: memref<10000x128xf32, #tpu.memory_space<hbm>>, %arg3: memref<10000x16xf32, #tpu.memory_space<hbm>>, %arg4: memref<10000x16xf32, #tpu.memory_space<hbm>>, %arg5: memref<2560x125xi32, #tpu.memory_space<hbm>>, %arg6: memref<2560x125xi32, #tpu.memory_space<hbm>>, %arg7: memref<320000xf32, #tpu.memory_space<hbm>>, %arg8: memref<16xf32, #tpu.memory_space<hbm>>, %arg9: memref<10240x128xf32, #tpu.memory_space<hbm>>, %arg10: memref<10240x16xf32, #tpu.memory_space<hbm>>, %arg11: memref<2x10240x128xf32, #tpu.memory_space<hbm>>, %arg12: memref<2x10240x16xf32, #tpu.memory_space<hbm>>, %arg13: memref<8x125xi32, #tpu.memory_space<vmem>>, %arg14: memref<8x125xi32, #tpu.memory_space<vmem>>, %arg15: memref<1016xf32, #tpu.memory_space<vmem>>, %arg16: memref<125x16xf32, #tpu.memory_space<vmem>>, %arg17: memref<125x16xf32, #tpu.memory_space<vmem>>, %arg18: memref<125x128xf32, #tpu.memory_space<vmem>>, %arg19: memref<125x16xf32, #tpu.memory_space<vmem>>, %arg20: memref<16xf32, #tpu.memory_space<vmem>>, %arg21: memref<10240x128xf32, #tpu.memory_space<vmem_shared>>, %arg22: memref<10240x16xf32, #tpu.memory_space<vmem_shared>>) attributes {dimension_semantics = [#tpu.dimension_semantics<core_parallel>, #tpu.dimension_semantics<subcore_parallel>], iteration_bounds = array<i64: 2, 16>, scalar_prefetch = 0 : i64, scratch_operands = 10 : i64, tpu.core_type = #tpu.core_type<sc_vector_subcore>, window_params = [{transform_indices = #map}, {transform_indices = #map}, {transform_indices = #map}, {transform_indices = #map}, {transform_indices = #map}, {transform_indices = #map1}, {transform_indices = #map1}, {transform_indices = #map}, {transform_indices = #map}, {transform_indices = #map2}, {transform_indices = #map2}]} {
    %mul3A = arith.constant 2 : i32
    %mul3A_0 = arith.muli %arg1, %mul3A : i32
    %add3A = arith.addi %mul3A_0, %arg0 : i32
    %mul3A_1 = arith.constant 640 : i32
    %mul3A_2 = arith.muli %arg1, %mul3A_1 : i32
    "tpu.region"() ({
      %run_scoped3A = tpu.sem_alloc : memref<!tpu.dma_semaphore, #tpu.memory_space<semaphore_mem>>
      %dma_start3A = arith.constant 0 : i32
      %dma_start3A_62 = tpu.memref_slice %arg21[%mul3A_2, %dma_start3A] : memref<10240x128xf32, #tpu.memory_space<vmem_shared>> -> memref<640x128xf32, #tpu.memory_space<vmem_shared>>
      %dma_start3A_63 = arith.constant 0 : i32
      %dma_start3A_64 = tpu.memref_slice %arg9[%mul3A_2, %dma_start3A_63] : memref<10240x128xf32, #tpu.memory_space<hbm>> -> memref<640x128xf32, #tpu.memory_space<hbm>>
      tpu.enqueue_dma source(%dma_start3A_64 : memref<640x128xf32, #tpu.memory_space<hbm>>) target(%dma_start3A_62 : memref<640x128xf32, #tpu.memory_space<vmem_shared>>) target_semaphore(%run_scoped3A : memref<!tpu.dma_semaphore, #tpu.memory_space<semaphore_mem>>)
      %dma_wait3A = arith.constant 0 : i32
      %dma_wait3A_65 = tpu.memref_slice %arg21[%mul3A_2, %dma_wait3A] : memref<10240x128xf32, #tpu.memory_space<vmem_shared>> -> memref<640x128xf32, #tpu.memory_space<vmem_shared>>
      %dma_wait3A_66 = arith.constant 0 : i32
      %dma_wait3A_67 = tpu.memref_slice %arg9[%mul3A_2, %dma_wait3A_66] : memref<10240x128xf32, #tpu.memory_space<hbm>> -> memref<640x128xf32, #tpu.memory_space<hbm>>
      tpu.wait_dma2 semaphore(%run_scoped3A : memref<!tpu.dma_semaphore, #tpu.memory_space<semaphore_mem>>) src(%dma_wait3A_67 : memref<640x128xf32, #tpu.memory_space<hbm>>) dst(%dma_wait3A_65 : memref<640x128xf32, #tpu.memory_space<vmem_shared>>)
      tpu.yield
    }) : () -> ()
    "tpu.region"() ({
      %run_scoped3A = tpu.sem_alloc : memref<!tpu.dma_semaphore, #tpu.memory_space<semaphore_mem>>
      %dma_start3A = arith.constant 0 : i32
      %dma_start3A_62 = tpu.memref_slice %arg22[%mul3A_2, %dma_start3A] : memref<10240x16xf32, #tpu.memory_space<vmem_shared>> -> memref<640x16xf32, #tpu.memory_space<vmem_shared>>
      %dma_start3A_63 = arith.constant 0 : i32
      %dma_start3A_64 = tpu.memref_slice %arg10[%mul3A_2, %dma_start3A_63] : memref<10240x16xf32, #tpu.memory_space<hbm>> -> memref<640x16xf32, #tpu.memory_space<hbm>>
      tpu.enqueue_dma source(%dma_start3A_64 : memref<640x16xf32, #tpu.memory_space<hbm>>) target(%dma_start3A_62 : memref<640x16xf32, #tpu.memory_space<vmem_shared>>) target_semaphore(%run_scoped3A : memref<!tpu.dma_semaphore, #tpu.memory_space<semaphore_mem>>)
      %dma_wait3A = arith.constant 0 : i32
      %dma_wait3A_65 = tpu.memref_slice %arg22[%mul3A_2, %dma_wait3A] : memref<10240x16xf32, #tpu.memory_space<vmem_shared>> -> memref<640x16xf32, #tpu.memory_space<vmem_shared>>
      %dma_wait3A_66 = arith.constant 0 : i32
      %dma_wait3A_67 = tpu.memref_slice %arg10[%mul3A_2, %dma_wait3A_66] : memref<10240x16xf32, #tpu.memory_space<hbm>> -> memref<640x16xf32, #tpu.memory_space<hbm>>
      tpu.wait_dma2 semaphore(%run_scoped3A : memref<!tpu.dma_semaphore, #tpu.memory_space<semaphore_mem>>) src(%dma_wait3A_67 : memref<640x16xf32, #tpu.memory_space<hbm>>) dst(%dma_wait3A_65 : memref<640x16xf32, #tpu.memory_space<vmem_shared>>)
      tpu.yield
    }) : () -> ()
    "tpu.region"() ({
      %run_scoped3A = tpu.sem_alloc : memref<!tpu.dma_semaphore, #tpu.memory_space<semaphore_mem>>
      tpu.enqueue_dma source(%arg8 : memref<16xf32, #tpu.memory_space<hbm>>) target(%arg20 : memref<16xf32, #tpu.memory_space<vmem>>) target_semaphore(%run_scoped3A : memref<!tpu.dma_semaphore, #tpu.memory_space<semaphore_mem>>)
      tpu.wait_dma2 semaphore(%run_scoped3A : memref<!tpu.dma_semaphore, #tpu.memory_space<semaphore_mem>>) src(%arg8 : memref<16xf32, #tpu.memory_space<hbm>>) dst(%arg20 : memref<16xf32, #tpu.memory_space<vmem>>)
      tpu.yield
    }) : () -> ()
    %barrier3A = arith.constant 0 : index
    tpu.barrier barrier_id(%barrier3A)
    %get3A = arith.constant 0 : index
    %get3A_3 = tpu.vector_load %arg20[%get3A] {strides = array<i32>} : memref<16xf32, #tpu.memory_space<vmem>>, vector<16xf32>,
    %iota3A = tpu.iota {dimensions = array<i32: 0>} : vector<16xi32>
    %lt3A = arith.constant 8 : i32
    %lt3A_4 = vector.broadcast %lt3A : i32 to vector<16xi32>
    %lt3A_5 = arith.cmpi slt, %iota3A, %lt3A_4 : vector<16xi32>
    %eq3A = arith.constant 8 : i32
    %eq3A_6 = vector.broadcast %eq3A : i32 to vector<16xi32>
    %eq3A_7 = arith.cmpi eq, %iota3A, %eq3A_6 : vector<16xi32>
    %convert_element_type3A = arith.extui %eq3A_7 : vector<16xi1> to vector<16xi32>
    %convert_element_type3A_8 = arith.sitofp %convert_element_type3A : vector<16xi32> to vector<16xf32>
    %eq3A_9 = arith.constant 9 : i32
    %eq3A_10 = vector.broadcast %eq3A_9 : i32 to vector<16xi32>
    %eq3A_11 = arith.cmpi eq, %iota3A, %eq3A_10 : vector<16xi32>
    %convert_element_type3A_12 = arith.extui %eq3A_11 : vector<16xi1> to vector<16xi32>
    %convert_element_type3A_13 = arith.sitofp %convert_element_type3A_12 : vector<16xi32> to vector<16xf32>
    %eq3A_14 = arith.constant 0 : i32
    %eq3A_15 = vector.broadcast %eq3A_14 : i32 to vector<16xi32>
    %eq3A_16 = arith.cmpi eq, %iota3A, %eq3A_15 : vector<16xi32>
    %convert_element_type3A_17 = arith.extui %eq3A_16 : vector<16xi1> to vector<16xi32>
    %convert_element_type3A_18 = arith.sitofp %convert_element_type3A_17 : vector<16xi32> to vector<16xf32>
    %eq3A_19 = arith.constant 1 : i32
    %eq3A_20 = vector.broadcast %eq3A_19 : i32 to vector<16xi32>
    %eq3A_21 = arith.cmpi eq, %iota3A, %eq3A_20 : vector<16xi32>
    %convert_element_type3A_22 = arith.extui %eq3A_21 : vector<16xi1> to vector<16xi32>
    %convert_element_type3A_23 = arith.sitofp %convert_element_type3A_22 : vector<16xi32> to vector<16xf32>
    %eq3A_24 = arith.constant 2 : i32
    %eq3A_25 = vector.broadcast %eq3A_24 : i32 to vector<16xi32>
    %eq3A_26 = arith.cmpi eq, %iota3A, %eq3A_25 : vector<16xi32>
    %convert_element_type3A_27 = arith.extui %eq3A_26 : vector<16xi1> to vector<16xi32>
    %convert_element_type3A_28 = arith.sitofp %convert_element_type3A_27 : vector<16xi32> to vector<16xf32>
    %eq3A_29 = arith.constant 3 : i32
    %eq3A_30 = vector.broadcast %eq3A_29 : i32 to vector<16xi32>
    %eq3A_31 = arith.cmpi eq, %iota3A, %eq3A_30 : vector<16xi32>
    %convert_element_type3A_32 = arith.extui %eq3A_31 : vector<16xi1> to vector<16xi32>
    %convert_element_type3A_33 = arith.sitofp %convert_element_type3A_32 : vector<16xi32> to vector<16xf32>
    %eq3A_34 = arith.constant 4 : i32
    %eq3A_35 = vector.broadcast %eq3A_34 : i32 to vector<16xi32>
    %eq3A_36 = arith.cmpi eq, %iota3A, %eq3A_35 : vector<16xi32>
    %convert_element_type3A_37 = arith.extui %eq3A_36 : vector<16xi1> to vector<16xi32>
    %convert_element_type3A_38 = arith.sitofp %convert_element_type3A_37 : vector<16xi32> to vector<16xf32>
    %eq3A_39 = arith.constant 5 : i32
    %eq3A_40 = vector.broadcast %eq3A_39 : i32 to vector<16xi32>
    %eq3A_41 = arith.cmpi eq, %iota3A, %eq3A_40 : vector<16xi32>
    %convert_element_type3A_42 = arith.extui %eq3A_41 : vector<16xi1> to vector<16xi32>
    %convert_element_type3A_43 = arith.sitofp %convert_element_type3A_42 : vector<16xi32> to vector<16xf32>
    %eq3A_44 = arith.constant 6 : i32
    %eq3A_45 = vector.broadcast %eq3A_44 : i32 to vector<16xi32>
    %eq3A_46 = arith.cmpi eq, %iota3A, %eq3A_45 : vector<16xi32>
    %convert_element_type3A_47 = arith.extui %eq3A_46 : vector<16xi1> to vector<16xi32>
    %convert_element_type3A_48 = arith.sitofp %convert_element_type3A_47 : vector<16xi32> to vector<16xf32>
    %eq3A_49 = arith.constant 7 : i32
    %eq3A_50 = vector.broadcast %eq3A_49 : i32 to vector<16xi32>
    %eq3A_51 = arith.cmpi eq, %iota3A, %eq3A_50 : vector<16xi32>
    %convert_element_type3A_52 = arith.extui %eq3A_51 : vector<16xi1> to vector<16xi32>
    %convert_element_type3A_53 = arith.sitofp %convert_element_type3A_52 : vector<16xi32> to vector<16xf32>
    %mul3A_54 = arith.constant 80 : i32
    %mul3A_55 = arith.muli %add3A, %mul3A_54 : i32
    %scan3A = arith.constant 0 : i32
    %scan3A_56 = arith.constant 0 : i32
    %scan3A_57 = arith.constant 10 : i32
    %scan3A_58 = arith.addi %scan3A_56, %scan3A_57 : i32
    %scan3A_59 = arith.constant 1 : i32
    scf.for %scan3A_62 = %scan3A_56 to %scan3A_58 step %scan3A_59  : i32 {
      %mul3A_63 = arith.constant 8 : i32
      %mul3A_64 = arith.muli %scan3A_62, %mul3A_63 : i32
      %add3A_65 = arith.addi %mul3A_55, %mul3A_64 : i32
      "tpu.region"() ({
        %run_scoped3A = tpu.sem_alloc : memref<!tpu.dma_semaphore, #tpu.memory_space<semaphore_mem>>
        %dma_start3A = arith.constant 0 : i32
        %dma_start3A_74 = tpu.memref_slice %arg5[%add3A_65, %dma_start3A] : memref<2560x125xi32, #tpu.memory_space<hbm>> -> memref<8x125xi32, #tpu.memory_space<hbm>>
        %dma_start3A_75 = arith.constant 0 : i32
        %dma_start3A_76 = tpu.memref_slice %arg5[%add3A_65, %dma_start3A_75] : memref<2560x125xi32, #tpu.memory_space<hbm>> -> memref<8x125xi32, #tpu.memory_space<hbm>>
        tpu.enqueue_dma source(%dma_start3A_76 : memref<8x125xi32, #tpu.memory_space<hbm>>) target(%arg13 : memref<8x125xi32, #tpu.memory_space<vmem>>) target_semaphore(%run_scoped3A : memref<!tpu.dma_semaphore, #tpu.memory_space<semaphore_mem>>)
        %dma_wait3A = arith.constant 0 : i32
        %dma_wait3A_77 = tpu.memref_slice %arg5[%add3A_65, %dma_wait3A] : memref<2560x125xi32, #tpu.memory_space<hbm>> -> memref<8x125xi32, #tpu.memory_space<hbm>>
        %dma_wait3A_78 = arith.constant 0 : i32
        %dma_wait3A_79 = tpu.memref_slice %arg5[%add3A_65, %dma_wait3A_78] : memref<2560x125xi32, #tpu.memory_space<hbm>> -> memref<8x125xi32, #tpu.memory_space<hbm>>
        tpu.wait_dma2 semaphore(%run_scoped3A : memref<!tpu.dma_semaphore, #tpu.memory_space<semaphore_mem>>) src(%dma_wait3A_79 : memref<8x125xi32, #tpu.memory_space<hbm>>) dst(%arg13 : memref<8x125xi32, #tpu.memory_space<vmem>>)
        tpu.yield
      }) : () -> ()
      "tpu.region"() ({
        %run_scoped3A = tpu.sem_alloc : memref<!tpu.dma_semaphore, #tpu.memory_space<semaphore_mem>>
        %dma_start3A = arith.constant 0 : i32
        %dma_start3A_74 = tpu.memref_slice %arg6[%add3A_65, %dma_start3A] : memref<2560x125xi32, #tpu.memory_space<hbm>> -> memref<8x125xi32, #tpu.memory_space<hbm>>
        %dma_start3A_75 = arith.constant 0 : i32
        %dma_start3A_76 = tpu.memref_slice %arg6[%add3A_65, %dma_start3A_75] : memref<2560x125xi32, #tpu.memory_space<hbm>> -> memref<8x125xi32, #tpu.memory_space<hbm>>
        tpu.enqueue_dma source(%dma_start3A_76 : memref<8x125xi32, #tpu.memory_space<hbm>>) target(%arg14 : memref<8x125xi32, #tpu.memory_space<vmem>>) target_semaphore(%run_scoped3A : memref<!tpu.dma_semaphore, #tpu.memory_space<semaphore_mem>>)
        %dma_wait3A = arith.constant 0 : i32
        %dma_wait3A_77 = tpu.memref_slice %arg6[%add3A_65, %dma_wait3A] : memref<2560x125xi32, #tpu.memory_space<hbm>> -> memref<8x125xi32, #tpu.memory_space<hbm>>
        %dma_wait3A_78 = arith.constant 0 : i32
        %dma_wait3A_79 = tpu.memref_slice %arg6[%add3A_65, %dma_wait3A_78] : memref<2560x125xi32, #tpu.memory_space<hbm>> -> memref<8x125xi32, #tpu.memory_space<hbm>>
        tpu.wait_dma2 semaphore(%run_scoped3A : memref<!tpu.dma_semaphore, #tpu.memory_space<semaphore_mem>>) src(%dma_wait3A_79 : memref<8x125xi32, #tpu.memory_space<hbm>>) dst(%arg14 : memref<8x125xi32, #tpu.memory_space<vmem>>)
        tpu.yield
      }) : () -> ()
      %mul3A_66 = arith.constant 125 : i32
      %mul3A_67 = arith.muli %add3A_65, %mul3A_66 : i32
      "tpu.region"() ({
        %run_scoped3A = tpu.sem_alloc : memref<!tpu.dma_semaphore, #tpu.memory_space<semaphore_mem>>
        %dma_start3A = arith.constant 0 : i32
        %dma_start3A_74 = tpu.memref_slice %arg15[%dma_start3A] : memref<1016xf32, #tpu.memory_space<vmem>> -> memref<1000xf32, #tpu.memory_space<vmem>>
        %dma_start3A_75 = tpu.memref_slice %arg7[%mul3A_67] : memref<320000xf32, #tpu.memory_space<hbm>> -> memref<1000xf32, #tpu.memory_space<hbm>>
        %dma_start3A_76 = arith.constant 0 : i32
        %dma_start3A_77 = tpu.memref_slice %arg15[%dma_start3A_76] : memref<1016xf32, #tpu.memory_space<vmem>> -> memref<1000xf32, #tpu.memory_space<vmem>>
        %dma_start3A_78 = tpu.memref_slice %arg7[%mul3A_67] : memref<320000xf32, #tpu.memory_space<hbm>> -> memref<1000xf32, #tpu.memory_space<hbm>>
        tpu.enqueue_dma source(%dma_start3A_78 : memref<1000xf32, #tpu.memory_space<hbm>>) target(%dma_start3A_77 : memref<1000xf32, #tpu.memory_space<vmem>>) target_semaphore(%run_scoped3A : memref<!tpu.dma_semaphore, #tpu.memory_space<semaphore_mem>>)
        %dma_wait3A = arith.constant 0 : i32
        %dma_wait3A_79 = tpu.memref_slice %arg15[%dma_wait3A] : memref<1016xf32, #tpu.memory_space<vmem>> -> memref<1000xf32, #tpu.memory_space<vmem>>
        %dma_wait3A_80 = tpu.memref_slice %arg7[%mul3A_67] : memref<320000xf32, #tpu.memory_space<hbm>> -> memref<1000xf32, #tpu.memory_space<hbm>>
        %dma_wait3A_81 = arith.constant 0 : i32
        %dma_wait3A_82 = tpu.memref_slice %arg15[%dma_wait3A_81] : memref<1016xf32, #tpu.memory_space<vmem>> -> memref<1000xf32, #tpu.memory_space<vmem>>
        %dma_wait3A_83 = tpu.memref_slice %arg7[%mul3A_67] : memref<320000xf32, #tpu.memory_space<hbm>> -> memref<1000xf32, #tpu.memory_space<hbm>>
        tpu.wait_dma2 semaphore(%run_scoped3A : memref<!tpu.dma_semaphore, #tpu.memory_space<semaphore_mem>>) src(%dma_wait3A_83 : memref<1000xf32, #tpu.memory_space<hbm>>) dst(%dma_wait3A_82 : memref<1000xf32, #tpu.memory_space<vmem>>)
        tpu.yield
      }) : () -> ()
      %scan3A_68 = arith.constant 0 : i32
      %scan3A_69 = arith.constant 0 : i32
      %scan3A_70 = arith.constant 8 : i32
      %scan3A_71 = arith.addi %scan3A_69, %scan3A_70 : i32
      %scan3A_72 = arith.constant 1 : i32
      scf.for %scan3A_74 = %scan3A_69 to %scan3A_71 step %scan3A_72  : i32 {
        %mul3A_75 = arith.constant 125 : i32
        %mul3A_76 = arith.muli %scan3A_74, %mul3A_75 : i32
        "tpu.region"() ({
          %run_scoped3A = tpu.sem_alloc : memref<!tpu.dma_semaphore, #tpu.memory_space<semaphore_mem>>
          %dma_start3A = arith.constant 0 : i32
          %dma_start3A_83 = tpu.memref_slice %arg13[%scan3A_74, %dma_start3A] : memref<8x125xi32, #tpu.memory_space<vmem>> -> memref<1x125xi32, #tpu.memory_space<vmem>>
          %dma_start3A_84 = tpu.memref_squeeze %dma_start3A_83 : memref<1x125xi32, #tpu.memory_space<vmem>> -> memref<125xi32, #tpu.memory_space<vmem>>
          %dma_start3A_85 = arith.constant 0 : i32
          %dma_start3A_86 = arith.constant 0 : i32
          %dma_start3A_87 = tpu.memref_slice %arg3[%dma_start3A_85, %dma_start3A_86] : memref<10000x16xf32, #tpu.memory_space<hbm>> -> memref<10000x16xf32, #tpu.memory_space<hbm>>
          tpu.enqueue_indirect_dma source(%dma_start3A_87 : memref<10000x16xf32, #tpu.memory_space<hbm>>) target(%arg16 : memref<125x16xf32, #tpu.memory_space<vmem>>) offsets(%dma_start3A_84 : memref<125xi32, #tpu.memory_space<vmem>>) semaphore(%run_scoped3A : memref<!tpu.dma_semaphore, #tpu.memory_space<semaphore_mem>>)
          %dma_wait3A = arith.constant 0 : i32
          %dma_wait3A_88 = tpu.memref_slice %arg13[%scan3A_74, %dma_wait3A] : memref<8x125xi32, #tpu.memory_space<vmem>> -> memref<1x125xi32, #tpu.memory_space<vmem>>
          %dma_wait3A_89 = tpu.memref_squeeze %dma_wait3A_88 : memref<1x125xi32, #tpu.memory_space<vmem>> -> memref<125xi32, #tpu.memory_space<vmem>>
          %dma_wait3A_90 = arith.constant 0 : i32
          %dma_wait3A_91 = arith.constant 0 : i32
          %dma_wait3A_92 = tpu.memref_slice %arg3[%dma_wait3A_90, %dma_wait3A_91] : memref<10000x16xf32, #tpu.memory_space<hbm>> -> memref<10000x16xf32, #tpu.memory_space<hbm>>
          tpu.wait_indirect_dma semaphore(%run_scoped3A : memref<!tpu.dma_semaphore, #tpu.memory_space<semaphore_mem>>) src(%dma_wait3A_92 : memref<10000x16xf32, #tpu.memory_space<hbm>>) dst(%arg16 : memref<125x16xf32, #tpu.memory_space<vmem>>)
          tpu.yield
        }) : () -> ()
        "tpu.region"() ({
          %run_scoped3A = tpu.sem_alloc : memref<!tpu.dma_semaphore, #tpu.memory_space<semaphore_mem>>
          %dma_start3A = arith.constant 0 : i32
          %dma_start3A_83 = tpu.memref_slice %arg14[%scan3A_74, %dma_start3A] : memref<8x125xi32, #tpu.memory_space<vmem>> -> memref<1x125xi32, #tpu.memory_space<vmem>>
          %dma_start3A_84 = tpu.memref_squeeze %dma_start3A_83 : memref<1x125xi32, #tpu.memory_space<vmem>> -> memref<125xi32, #tpu.memory_space<vmem>>
          %dma_start3A_85 = arith.constant 0 : i32
          %dma_start3A_86 = arith.constant 0 : i32
          %dma_start3A_87 = tpu.memref_slice %arg4[%dma_start3A_85, %dma_start3A_86] : memref<10000x16xf32, #tpu.memory_space<hbm>> -> memref<10000x16xf32, #tpu.memory_space<hbm>>
          tpu.enqueue_indirect_dma source(%dma_start3A_87 : memref<10000x16xf32, #tpu.memory_space<hbm>>) target(%arg17 : memref<125x16xf32, #tpu.memory_space<vmem>>) offsets(%dma_start3A_84 : memref<125xi32, #tpu.memory_space<vmem>>) semaphore(%run_scoped3A : memref<!tpu.dma_semaphore, #tpu.memory_space<semaphore_mem>>)
          %dma_wait3A = arith.constant 0 : i32
          %dma_wait3A_88 = tpu.memref_slice %arg14[%scan3A_74, %dma_wait3A] : memref<8x125xi32, #tpu.memory_space<vmem>> -> memref<1x125xi32, #tpu.memory_space<vmem>>
          %dma_wait3A_89 = tpu.memref_squeeze %dma_wait3A_88 : memref<1x125xi32, #tpu.memory_space<vmem>> -> memref<125xi32, #tpu.memory_space<vmem>>
          %dma_wait3A_90 = arith.constant 0 : i32
          %dma_wait3A_91 = arith.constant 0 : i32
          %dma_wait3A_92 = tpu.memref_slice %arg4[%dma_wait3A_90, %dma_wait3A_91] : memref<10000x16xf32, #tpu.memory_space<hbm>> -> memref<10000x16xf32, #tpu.memory_space<hbm>>
          tpu.wait_indirect_dma semaphore(%run_scoped3A : memref<!tpu.dma_semaphore, #tpu.memory_space<semaphore_mem>>) src(%dma_wait3A_92 : memref<10000x16xf32, #tpu.memory_space<hbm>>) dst(%arg17 : memref<125x16xf32, #tpu.memory_space<vmem>>)
          tpu.yield
        }) : () -> ()
        "tpu.region"() ({
          %run_scoped3A = tpu.sem_alloc : memref<!tpu.dma_semaphore, #tpu.memory_space<semaphore_mem>>
          %dma_start3A = arith.constant 0 : i32
          %dma_start3A_83 = tpu.memref_slice %arg13[%scan3A_74, %dma_start3A] : memref<8x125xi32, #tpu.memory_space<vmem>> -> memref<1x125xi32, #tpu.memory_space<vmem>>
          %dma_start3A_84 = tpu.memref_squeeze %dma_start3A_83 : memref<1x125xi32, #tpu.memory_space<vmem>> -> memref<125xi32, #tpu.memory_space<vmem>>
          %dma_start3A_85 = arith.constant 0 : i32
          %dma_start3A_86 = arith.constant 0 : i32
          %dma_start3A_87 = tpu.memref_slice %arg2[%dma_start3A_85, %dma_start3A_86] : memref<10000x128xf32, #tpu.memory_space<hbm>> -> memref<10000x128xf32, #tpu.memory_space<hbm>>
          tpu.enqueue_indirect_dma source(%dma_start3A_87 : memref<10000x128xf32, #tpu.memory_space<hbm>>) target(%arg18 : memref<125x128xf32, #tpu.memory_space<vmem>>) offsets(%dma_start3A_84 : memref<125xi32, #tpu.memory_space<vmem>>) semaphore(%run_scoped3A : memref<!tpu.dma_semaphore, #tpu.memory_space<semaphore_mem>>)
          %dma_wait3A = arith.constant 0 : i32
          %dma_wait3A_88 = tpu.memref_slice %arg13[%scan3A_74, %dma_wait3A] : memref<8x125xi32, #tpu.memory_space<vmem>> -> memref<1x125xi32, #tpu.memory_space<vmem>>
          %dma_wait3A_89 = tpu.memref_squeeze %dma_wait3A_88 : memref<1x125xi32, #tpu.memory_space<vmem>> -> memref<125xi32, #tpu.memory_space<vmem>>
          %dma_wait3A_90 = arith.constant 0 : i32
          %dma_wait3A_91 = arith.constant 0 : i32
          %dma_wait3A_92 = tpu.memref_slice %arg2[%dma_wait3A_90, %dma_wait3A_91] : memref<10000x128xf32, #tpu.memory_space<hbm>> -> memref<10000x128xf32, #tpu.memory_space<hbm>>
          tpu.wait_indirect_dma semaphore(%run_scoped3A : memref<!tpu.dma_semaphore, #tpu.memory_space<semaphore_mem>>) src(%dma_wait3A_92 : memref<10000x128xf32, #tpu.memory_space<hbm>>) dst(%arg18 : memref<125x128xf32, #tpu.memory_space<vmem>>)
          tpu.yield
        }) : () -> ()
        %scan3A_77 = arith.constant 0 : i32
        %scan3A_78 = arith.constant 0 : i32
        %scan3A_79 = arith.constant 125 : i32
        %scan3A_80 = arith.addi %scan3A_78, %scan3A_79 : i32
        %scan3A_81 = arith.constant 1 : i32
        scf.for %scan3A_83 = %scan3A_78 to %scan3A_80 step %scan3A_81  : i32 {
          %add3A_84 = arith.addi %mul3A_76, %scan3A_83 : i32
          %broadcast_in_dim3A = vector.broadcast %add3A_84 : i32 to vector<16xi32>
          %gather3A = tpu.vector_load_idx %arg15[%broadcast_in_dim3A] : memref<1016xf32, #tpu.memory_space<vmem>>[vector<16xi32>], vector<16xf32>,
          %get3A_85 = arith.index_cast %scan3A_83 : i32 to index
          %get3A_86 = arith.constant 0 : index
          %get3A_87 = tpu.vector_load %arg16[%get3A_85, %get3A_86] {strides = array<i32>} : memref<125x16xf32, #tpu.memory_space<vmem>>, vector<16xf32>,
          %get3A_88 = arith.index_cast %scan3A_83 : i32 to index
          %get3A_89 = arith.constant 0 : index
          %get3A_90 = tpu.vector_load %arg17[%get3A_88, %get3A_89] {strides = array<i32>} : memref<125x16xf32, #tpu.memory_space<vmem>>, vector<16xf32>,
          %add3A_91 = arith.addf %get3A_87, %get3A_90 : vector<16xf32>
          %mul3A_92 = arith.mulf %gather3A, %get3A_3 : vector<16xf32>
          %add3A_93 = arith.addf %add3A_91, %mul3A_92 : vector<16xf32>
          %gt3A = arith.constant 0.000000e+00 : f32
          %gt3A_94 = vector.broadcast %gt3A : f32 to vector<16xf32>
          %gt3A_95 = arith.cmpf ogt, %add3A_93, %gt3A_94 : vector<16xf32>
          %mul3A_96 = arith.constant 2.000000e-01 : f32
          %mul3A_97 = vector.broadcast %mul3A_96 : f32 to vector<16xf32>
          %mul3A_98 = arith.mulf %mul3A_97, %add3A_93 : vector<16xf32>
          %select_n3A = arith.select %gt3A_95, %add3A_93, %mul3A_98 : vector<16xi1>, vector<16xf32>
          %min3A = arith.constant 6.000000e+01 : f32
          %min3A_99 = vector.broadcast %min3A : f32 to vector<16xf32>
          %min3A_100 = arith.minimumf %select_n3A, %min3A_99 : vector<16xf32>
          %exp3A = math.exp %min3A_100 : vector<16xf32>
          %mul3A_101 = arith.mulf %gather3A, %convert_element_type3A_8 : vector<16xf32>
          %add3A_102 = arith.addf %mul3A_101, %convert_element_type3A_13 : vector<16xf32>
          %select_n3A_103 = arith.select %lt3A_5, %exp3A, %add3A_102 : vector<16xi1>, vector<16xf32>
          %swap3A = arith.index_cast %scan3A_83 : i32 to index
          %swap3A_104 = arith.constant 0 : index
          %swap3A_105 = tpu.vector_load %arg19[%swap3A, %swap3A_104] {strides = array<i32>} : memref<125x16xf32, #tpu.memory_space<vmem>>, vector<16xf32>,
          tpu.vector_store %arg19[%swap3A, %swap3A_104], %select_n3A_103 {strides = array<i32>} : memref<125x16xf32, #tpu.memory_space<vmem>>, vector<16xf32>,
          %get3A_106 = arith.index_cast %scan3A_83 : i32 to index
          %get3A_107 = arith.constant 0 : index
          %get3A_108 = tpu.vector_load %arg18[%get3A_106, %get3A_107] {strides = array<i32>} : memref<125x128xf32, #tpu.memory_space<vmem>>, vector<16xf32>,
          %slice3A = vector.extract_strided_slice %exp3A {offsets = [0], sizes = [1], strides = [1]} : vector<16xf32> to vector<1xf32>
          %squeeze3A = vector.extract %slice3A[0] : f32 from vector<1xf32>
          %mul3A_109 = vector.broadcast %squeeze3A : f32 to vector<16xf32>
          %mul3A_110 = arith.mulf %get3A_108, %mul3A_109 : vector<16xf32>
          %swap3A_111 = arith.index_cast %scan3A_83 : i32 to index
          %swap3A_112 = arith.constant 0 : index
          %swap3A_113 = tpu.vector_load %arg18[%swap3A_111, %swap3A_112] {strides = array<i32>} : memref<125x128xf32, #tpu.memory_space<vmem>>, vector<16xf32>,
          tpu.vector_store %arg18[%swap3A_111, %swap3A_112], %mul3A_110 {strides = array<i32>} : memref<125x128xf32, #tpu.memory_space<vmem>>, vector<16xf32>,
          %get3A_114 = arith.index_cast %scan3A_83 : i32 to index
          %get3A_115 = arith.constant 16 : index
          %get3A_116 = tpu.vector_load %arg18[%get3A_114, %get3A_115] {strides = array<i32>} : memref<125x128xf32, #tpu.memory_space<vmem>>, vector<16xf32>,
          %slice3A_117 = vector.extract_strided_slice %exp3A {offsets = [1], sizes = [1], strides = [1]} : vector<16xf32> to vector<1xf32>
          %squeeze3A_118 = vector.extract %slice3A_117[0] : f32 from vector<1xf32>
          %mul3A_119 = vector.broadcast %squeeze3A_118 : f32 to vector<16xf32>
          %mul3A_120 = arith.mulf %get3A_116, %mul3A_119 : vector<16xf32>
          %swap3A_121 = arith.index_cast %scan3A_83 : i32 to index
          %swap3A_122 = arith.constant 16 : index
          %swap3A_123 = tpu.vector_load %arg18[%swap3A_121, %swap3A_122] {strides = array<i32>} : memref<125x128xf32, #tpu.memory_space<vmem>>, vector<16xf32>,
          tpu.vector_store %arg18[%swap3A_121, %swap3A_122], %mul3A_120 {strides = array<i32>} : memref<125x128xf32, #tpu.memory_space<vmem>>, vector<16xf32>,
          %get3A_124 = arith.index_cast %scan3A_83 : i32 to index
          %get3A_125 = arith.constant 32 : index
          %get3A_126 = tpu.vector_load %arg18[%get3A_124, %get3A_125] {strides = array<i32>} : memref<125x128xf32, #tpu.memory_space<vmem>>, vector<16xf32>,
          %slice3A_127 = vector.extract_strided_slice %exp3A {offsets = [2], sizes = [1], strides = [1]} : vector<16xf32> to vector<1xf32>
          %squeeze3A_128 = vector.extract %slice3A_127[0] : f32 from vector<1xf32>
          %mul3A_129 = vector.broadcast %squeeze3A_128 : f32 to vector<16xf32>
          %mul3A_130 = arith.mulf %get3A_126, %mul3A_129 : vector<16xf32>
          %swap3A_131 = arith.index_cast %scan3A_83 : i32 to index
          %swap3A_132 = arith.constant 32 : index
          %swap3A_133 = tpu.vector_load %arg18[%swap3A_131, %swap3A_132] {strides = array<i32>} : memref<125x128xf32, #tpu.memory_space<vmem>>, vector<16xf32>,
          tpu.vector_store %arg18[%swap3A_131, %swap3A_132], %mul3A_130 {strides = array<i32>} : memref<125x128xf32, #tpu.memory_space<vmem>>, vector<16xf32>,
          %get3A_134 = arith.index_cast %scan3A_83 : i32 to index
          %get3A_135 = arith.constant 48 : index
          %get3A_136 = tpu.vector_load %arg18[%get3A_134, %get3A_135] {strides = array<i32>} : memref<125x128xf32, #tpu.memory_space<vmem>>, vector<16xf32>,
          %slice3A_137 = vector.extract_strided_slice %exp3A {offsets = [3], sizes = [1], strides = [1]} : vector<16xf32> to vector<1xf32>
          %squeeze3A_138 = vector.extract %slice3A_137[0] : f32 from vector<1xf32>
          %mul3A_139 = vector.broadcast %squeeze3A_138 : f32 to vector<16xf32>
          %mul3A_140 = arith.mulf %get3A_136, %mul3A_139 : vector<16xf32>
          %swap3A_141 = arith.index_cast %scan3A_83 : i32 to index
          %swap3A_142 = arith.constant 48 : index
          %swap3A_143 = tpu.vector_load %arg18[%swap3A_141, %swap3A_142] {strides = array<i32>} : memref<125x128xf32, #tpu.memory_space<vmem>>, vector<16xf32>,
          tpu.vector_store %arg18[%swap3A_141, %swap3A_142], %mul3A_140 {strides = array<i32>} : memref<125x128xf32, #tpu.memory_space<vmem>>, vector<16xf32>,
          %get3A_144 = arith.index_cast %scan3A_83 : i32 to index
          %get3A_145 = arith.constant 64 : index
          %get3A_146 = tpu.vector_load %arg18[%get3A_144, %get3A_145] {strides = array<i32>} : memref<125x128xf32, #tpu.memory_space<vmem>>, vector<16xf32>,
          %slice3A_147 = vector.extract_strided_slice %exp3A {offsets = [4], sizes = [1], strides = [1]} : vector<16xf32> to vector<1xf32>
          %squeeze3A_148 = vector.extract %slice3A_147[0] : f32 from vector<1xf32>
          %mul3A_149 = vector.broadcast %squeeze3A_148 : f32 to vector<16xf32>
          %mul3A_150 = arith.mulf %get3A_146, %mul3A_149 : vector<16xf32>
          %swap3A_151 = arith.index_cast %scan3A_83 : i32 to index
          %swap3A_152 = arith.constant 64 : index
          %swap3A_153 = tpu.vector_load %arg18[%swap3A_151, %swap3A_152] {strides = array<i32>} : memref<125x128xf32, #tpu.memory_space<vmem>>, vector<16xf32>,
          tpu.vector_store %arg18[%swap3A_151, %swap3A_152], %mul3A_150 {strides = array<i32>} : memref<125x128xf32, #tpu.memory_space<vmem>>, vector<16xf32>,
          %get3A_154 = arith.index_cast %scan3A_83 : i32 to index
          %get3A_155 = arith.constant 80 : index
          %get3A_156 = tpu.vector_load %arg18[%get3A_154, %get3A_155] {strides = array<i32>} : memref<125x128xf32, #tpu.memory_space<vmem>>, vector<16xf32>,
          %slice3A_157 = vector.extract_strided_slice %exp3A {offsets = [5], sizes = [1], strides = [1]} : vector<16xf32> to vector<1xf32>
          %squeeze3A_158 = vector.extract %slice3A_157[0] : f32 from vector<1xf32>
          %mul3A_159 = vector.broadcast %squeeze3A_158 : f32 to vector<16xf32>
          %mul3A_160 = arith.mulf %get3A_156, %mul3A_159 : vector<16xf32>
          %swap3A_161 = arith.index_cast %scan3A_83 : i32 to index
          %swap3A_162 = arith.constant 80 : index
          %swap3A_163 = tpu.vector_load %arg18[%swap3A_161, %swap3A_162] {strides = array<i32>} : memref<125x128xf32, #tpu.memory_space<vmem>>, vector<16xf32>,
          tpu.vector_store %arg18[%swap3A_161, %swap3A_162], %mul3A_160 {strides = array<i32>} : memref<125x128xf32, #tpu.memory_space<vmem>>, vector<16xf32>,
          %get3A_164 = arith.index_cast %scan3A_83 : i32 to index
          %get3A_165 = arith.constant 96 : index
          %get3A_166 = tpu.vector_load %arg18[%get3A_164, %get3A_165] {strides = array<i32>} : memref<125x128xf32, #tpu.memory_space<vmem>>, vector<16xf32>,
          %slice3A_167 = vector.extract_strided_slice %exp3A {offsets = [6], sizes = [1], strides = [1]} : vector<16xf32> to vector<1xf32>
          %squeeze3A_168 = vector.extract %slice3A_167[0] : f32 from vector<1xf32>
          %mul3A_169 = vector.broadcast %squeeze3A_168 : f32 to vector<16xf32>
          %mul3A_170 = arith.mulf %get3A_166, %mul3A_169 : vector<16xf32>
          %swap3A_171 = arith.index_cast %scan3A_83 : i32 to index
          %swap3A_172 = arith.constant 96 : index
          %swap3A_173 = tpu.vector_load %arg18[%swap3A_171, %swap3A_172] {strides = array<i32>} : memref<125x128xf32, #tpu.memory_space<vmem>>, vector<16xf32>,
          tpu.vector_store %arg18[%swap3A_171, %swap3A_172], %mul3A_170 {strides = array<i32>} : memref<125x128xf32, #tpu.memory_space<vmem>>, vector<16xf32>,
          %get3A_174 = arith.index_cast %scan3A_83 : i32 to index
          %get3A_175 = arith.constant 112 : index
          %get3A_176 = tpu.vector_load %arg18[%get3A_174, %get3A_175] {strides = array<i32>} : memref<125x128xf32, #tpu.memory_space<vmem>>, vector<16xf32>,
          %slice3A_177 = vector.extract_strided_slice %exp3A {offsets = [7], sizes = [1], strides = [1]} : vector<16xf32> to vector<1xf32>
          %squeeze3A_178 = vector.extract %slice3A_177[0] : f32 from vector<1xf32>
          %mul3A_179 = vector.broadcast %squeeze3A_178 : f32 to vector<16xf32>
          %mul3A_180 = arith.mulf %get3A_176, %mul3A_179 : vector<16xf32>
          %swap3A_181 = arith.index_cast %scan3A_83 : i32 to index
          %swap3A_182 = arith.constant 112 : index
          %swap3A_183 = tpu.vector_load %arg18[%swap3A_181, %swap3A_182] {strides = array<i32>} : memref<125x128xf32, #tpu.memory_space<vmem>>, vector<16xf32>,
          tpu.vector_store %arg18[%swap3A_181, %swap3A_182], %mul3A_180 {strides = array<i32>} : memref<125x128xf32, #tpu.memory_space<vmem>>, vector<16xf32>,
        }
        %scan3A_82 = arith.constant 125 : i32
        "tpu.region"() ({
          %run_scoped3A = tpu.sem_alloc : memref<!tpu.dma_semaphore, #tpu.memory_space<semaphore_mem>>
          %dma_start3A = arith.constant 0 : i32
          %dma_start3A_83 = tpu.memref_slice %arg14[%scan3A_74, %dma_start3A] : memref<8x125xi32, #tpu.memory_space<vmem>> -> memref<1x125xi32, #tpu.memory_space<vmem>>
          %dma_start3A_84 = tpu.memref_squeeze %dma_start3A_83 : memref<1x125xi32, #tpu.memory_space<vmem>> -> memref<125xi32, #tpu.memory_space<vmem>>
          %dma_start3A_85 = arith.constant 0 : i32
          %dma_start3A_86 = arith.constant 0 : i32
          %dma_start3A_87 = tpu.memref_slice %arg22[%dma_start3A_85, %dma_start3A_86] : memref<10240x16xf32, #tpu.memory_space<vmem_shared>> -> memref<10240x16xf32, #tpu.memory_space<vmem_shared>>
          tpu.enqueue_indirect_dma source(%arg19 : memref<125x16xf32, #tpu.memory_space<vmem>>) target(%dma_start3A_87 : memref<10240x16xf32, #tpu.memory_space<vmem_shared>>) offsets(%dma_start3A_84 : memref<125xi32, #tpu.memory_space<vmem>>) semaphore(%run_scoped3A : memref<!tpu.dma_semaphore, #tpu.memory_space<semaphore_mem>>) {add = true}
          %dma_wait3A = arith.constant 0 : i32
          %dma_wait3A_88 = tpu.memref_slice %arg14[%scan3A_74, %dma_wait3A] : memref<8x125xi32, #tpu.memory_space<vmem>> -> memref<1x125xi32, #tpu.memory_space<vmem>>
          %dma_wait3A_89 = tpu.memref_squeeze %dma_wait3A_88 : memref<1x125xi32, #tpu.memory_space<vmem>> -> memref<125xi32, #tpu.memory_space<vmem>>
          %dma_wait3A_90 = arith.constant 0 : i32
          %dma_wait3A_91 = arith.constant 0 : i32
          %dma_wait3A_92 = tpu.memref_slice %arg22[%dma_wait3A_90, %dma_wait3A_91] : memref<10240x16xf32, #tpu.memory_space<vmem_shared>> -> memref<10240x16xf32, #tpu.memory_space<vmem_shared>>
          tpu.wait_indirect_dma semaphore(%run_scoped3A : memref<!tpu.dma_semaphore, #tpu.memory_space<semaphore_mem>>) src(%arg19 : memref<125x16xf32, #tpu.memory_space<vmem>>) dst(%dma_wait3A_92 : memref<10240x16xf32, #tpu.memory_space<vmem_shared>>)
          tpu.yield
        }) : () -> ()
        "tpu.region"() ({
          %run_scoped3A = tpu.sem_alloc : memref<!tpu.dma_semaphore, #tpu.memory_space<semaphore_mem>>
          %dma_start3A = arith.constant 0 : i32
          %dma_start3A_83 = tpu.memref_slice %arg14[%scan3A_74, %dma_start3A] : memref<8x125xi32, #tpu.memory_space<vmem>> -> memref<1x125xi32, #tpu.memory_space<vmem>>
          %dma_start3A_84 = tpu.memref_squeeze %dma_start3A_83 : memref<1x125xi32, #tpu.memory_space<vmem>> -> memref<125xi32, #tpu.memory_space<vmem>>
          %dma_start3A_85 = arith.constant 0 : i32
          %dma_start3A_86 = arith.constant 0 : i32
          %dma_start3A_87 = tpu.memref_slice %arg21[%dma_start3A_85, %dma_start3A_86] : memref<10240x128xf32, #tpu.memory_space<vmem_shared>> -> memref<10240x128xf32, #tpu.memory_space<vmem_shared>>
          tpu.enqueue_indirect_dma source(%arg18 : memref<125x128xf32, #tpu.memory_space<vmem>>) target(%dma_start3A_87 : memref<10240x128xf32, #tpu.memory_space<vmem_shared>>) offsets(%dma_start3A_84 : memref<125xi32, #tpu.memory_space<vmem>>) semaphore(%run_scoped3A : memref<!tpu.dma_semaphore, #tpu.memory_space<semaphore_mem>>) {add = true}
          %dma_wait3A = arith.constant 0 : i32
          %dma_wait3A_88 = tpu.memref_slice %arg14[%scan3A_74, %dma_wait3A] : memref<8x125xi32, #tpu.memory_space<vmem>> -> memref<1x125xi32, #tpu.memory_space<vmem>>
          %dma_wait3A_89 = tpu.memref_squeeze %dma_wait3A_88 : memref<1x125xi32, #tpu.memory_space<vmem>> -> memref<125xi32, #tpu.memory_space<vmem>>
          %dma_wait3A_90 = arith.constant 0 : i32
          %dma_wait3A_91 = arith.constant 0 : i32
          %dma_wait3A_92 = tpu.memref_slice %arg21[%dma_wait3A_90, %dma_wait3A_91] : memref<10240x128xf32, #tpu.memory_space<vmem_shared>> -> memref<10240x128xf32, #tpu.memory_space<vmem_shared>>
          tpu.wait_indirect_dma semaphore(%run_scoped3A : memref<!tpu.dma_semaphore, #tpu.memory_space<semaphore_mem>>) src(%arg18 : memref<125x128xf32, #tpu.memory_space<vmem>>) dst(%dma_wait3A_92 : memref<10240x128xf32, #tpu.memory_space<vmem_shared>>)
          tpu.yield
        }) : () -> ()
      }
      %scan3A_73 = arith.constant 8 : i32
    }
    %scan3A_60 = arith.constant 10 : i32
    %barrier3A_61 = arith.constant 0 : index
    tpu.barrier barrier_id(%barrier3A_61)
    "tpu.region"() ({
      %run_scoped3A = tpu.sem_alloc : memref<!tpu.dma_semaphore, #tpu.memory_space<semaphore_mem>>
      %dma_start3A = arith.constant 0 : i32
      %dma_start3A_62 = tpu.memref_slice %arg11[%arg0, %mul3A_2, %dma_start3A] : memref<2x10240x128xf32, #tpu.memory_space<hbm>> -> memref<1x640x128xf32, #tpu.memory_space<hbm>>
      %dma_start3A_63 = tpu.memref_squeeze %dma_start3A_62 : memref<1x640x128xf32, #tpu.memory_space<hbm>> -> memref<640x128xf32, #tpu.memory_space<hbm>>
      %dma_start3A_64 = arith.constant 0 : i32
      %dma_start3A_65 = tpu.memref_slice %arg21[%mul3A_2, %dma_start3A_64] : memref<10240x128xf32, #tpu.memory_space<vmem_shared>> -> memref<640x128xf32, #tpu.memory_space<vmem_shared>>
      tpu.enqueue_dma source(%dma_start3A_65 : memref<640x128xf32, #tpu.memory_space<vmem_shared>>) target(%dma_start3A_63 : memref<640x128xf32, #tpu.memory_space<hbm>>) target_semaphore(%run_scoped3A : memref<!tpu.dma_semaphore, #tpu.memory_space<semaphore_mem>>)
      %dma_wait3A = arith.constant 0 : i32
      %dma_wait3A_66 = tpu.memref_slice %arg11[%arg0, %mul3A_2, %dma_wait3A] : memref<2x10240x128xf32, #tpu.memory_space<hbm>> -> memref<1x640x128xf32, #tpu.memory_space<hbm>>
      %dma_wait3A_67 = tpu.memref_squeeze %dma_wait3A_66 : memref<1x640x128xf32, #tpu.memory_space<hbm>> -> memref<640x128xf32, #tpu.memory_space<hbm>>
      %dma_wait3A_68 = arith.constant 0 : i32
      %dma_wait3A_69 = tpu.memref_slice %arg21[%mul3A_2, %dma_wait3A_68] : memref<10240x128xf32, #tpu.memory_space<vmem_shared>> -> memref<640x128xf32, #tpu.memory_space<vmem_shared>>
      tpu.wait_dma2 semaphore(%run_scoped3A : memref<!tpu.dma_semaphore, #tpu.memory_space<semaphore_mem>>) src(%dma_wait3A_69 : memref<640x128xf32, #tpu.memory_space<vmem_shared>>) dst(%dma_wait3A_67 : memref<640x128xf32, #tpu.memory_space<hbm>>)
      tpu.yield
    }) : () -> ()
    "tpu.region"() ({
      %run_scoped3A = tpu.sem_alloc : memref<!tpu.dma_semaphore, #tpu.memory_space<semaphore_mem>>
      %dma_start3A = arith.constant 0 : i32
      %dma_start3A_62 = tpu.memref_slice %arg12[%arg0, %mul3A_2, %dma_start3A] : memref<2x10240x16xf32, #tpu.memory_space<hbm>> -> memref<1x640x16xf32, #tpu.memory_space<hbm>>
      %dma_start3A_63 = tpu.memref_squeeze %dma_start3A_62 : memref<1x640x16xf32, #tpu.memory_space<hbm>> -> memref<640x16xf32, #tpu.memory_space<hbm>>
      %dma_start3A_64 = arith.constant 0 : i32
      %dma_start3A_65 = tpu.memref_slice %arg22[%mul3A_2, %dma_start3A_64] : memref<10240x16xf32, #tpu.memory_space<vmem_shared>> -> memref<640x16xf32, #tpu.memory_space<vmem_shared>>
      tpu.enqueue_dma source(%dma_start3A_65 : memref<640x16xf32, #tpu.memory_space<vmem_shared>>) target(%dma_start3A_63 : memref<640x16xf32, #tpu.memory_space<hbm>>) target_semaphore(%run_scoped3A : memref<!tpu.dma_semaphore, #tpu.memory_space<semaphore_mem>>)
      %dma_wait3A = arith.constant 0 : i32
      %dma_wait3A_66 = tpu.memref_slice %arg12[%arg0, %mul3A_2, %dma_wait3A] : memref<2x10240x16xf32, #tpu.memory_space<hbm>> -> memref<1x640x16xf32, #tpu.memory_space<hbm>>
      %dma_wait3A_67 = tpu.memref_squeeze %dma_wait3A_66 : memref<1x640x16xf32, #tpu.memory_space<hbm>> -> memref<640x16xf32, #tpu.memory_space<hbm>>
      %dma_wait3A_68 = arith.constant 0 : i32
      %dma_wait3A_69 = tpu.memref_slice %arg22[%mul3A_2, %dma_wait3A_68] : memref<10240x16xf32, #tpu.memory_space<vmem_shared>> -> memref<640x16xf32, #tpu.memory_space<vmem_shared>>
      tpu.wait_dma2 semaphore(%run_scoped3A : memref<!tpu.dma_semaphore, #tpu.memory_space<semaphore_mem>>) src(%dma_wait3A_69 : memref<640x16xf32, #tpu.memory_space<vmem_shared>>) dst(%dma_wait3A_67 : memref<640x16xf32, #tpu.memory_space<hbm>>)
      tpu.yield
    }) : () -> ()
    return
  }
}

module attributes {stable_mosaic.version = 14 : i64} {
  func.func @_head_body(%arg0: i32, %arg1: memref<2000x128xf32, #tpu.memory_space<vmem>>, %arg2: memref<128x128xf32, #tpu.memory_space<vmem>>, %arg3: memref<128x16xf32, #tpu.memory_space<vmem>>, %arg4: memref<128x16xf32, #tpu.memory_space<vmem>>, %arg5: memref<2000x128xf32, #tpu.memory_space<vmem>>, %arg6: memref<2000x16xf32, #tpu.memory_space<vmem>>, %arg7: memref<2000x16xf32, #tpu.memory_space<vmem>>) attributes {dimension_semantics = [#tpu.dimension_semantics<arbitrary>], iteration_bounds = array<i64: 5>, scalar_prefetch = 0 : i64, scratch_operands = 0 : i64, tpu.core_type = #tpu.core_type<tc>, window_params = [{transform_indices = @transform_0, window_bounds = array<i64: 2000, 128>}, {pipeline_mode = #tpu.pipeline_mode<synchronous>, transform_indices = @transform_1, window_bounds = array<i64: 128, 128>}, {pipeline_mode = #tpu.pipeline_mode<synchronous>, transform_indices = @transform_2, window_bounds = array<i64: 128, 16>}, {pipeline_mode = #tpu.pipeline_mode<synchronous>, transform_indices = @transform_3, window_bounds = array<i64: 128, 16>}, {transform_indices = @transform_4, window_bounds = array<i64: 2000, 128>}, {transform_indices = @transform_5, window_bounds = array<i64: 2000, 16>}, {transform_indices = @transform_6, window_bounds = array<i64: 2000, 16>}]} {
    %get3A = arith.constant 0 : index
    %get3A_0 = arith.constant 0 : index
    %get3A_1 = vector.load %arg1[%get3A, %get3A_0] : memref<2000x128xf32, #tpu.memory_space<vmem>>, vector<2000x128xf32>
    %get3A_2 = arith.constant 0 : index
    %get3A_3 = arith.constant 0 : index
    %get3A_4 = vector.load %arg2[%get3A_2, %get3A_3] : memref<128x128xf32, #tpu.memory_space<vmem>>, vector<128x128xf32>
    %dot_general3A = arith.constant dense<0.000000e+00> : vector<2000x128xf32>
    %dot_general3A_5 = tpu.matmul %get3A_1, %get3A_4, %dot_general3A {dimension_numbers = #tpu.dot_dimension_numbers<[1], [0], [0], [1], [0, 0, 1, 1], [], []>, transpose_lhs_hint = false} : vector<2000x128xf32>, vector<128x128xf32>, vector<2000x128xf32> -> vector<2000x128xf32>
    %swap3A = arith.constant 0 : index
    %swap3A_6 = arith.constant 0 : index
    %swap3A_7 = vector.load %arg5[%swap3A, %swap3A_6] : memref<2000x128xf32, #tpu.memory_space<vmem>>, vector<2000x128xf32>
    tpu.vector_store %arg5[%swap3A, %swap3A_6], %dot_general3A_5 {strides = array<i32>} : memref<2000x128xf32, #tpu.memory_space<vmem>>, vector<2000x128xf32>,
    %get3A_8 = arith.constant 0 : index
    %get3A_9 = arith.constant 0 : index
    %get3A_10 = vector.load %arg3[%get3A_8, %get3A_9] : memref<128x16xf32, #tpu.memory_space<vmem>>, vector<128x16xf32>
    %dot_general3A_11 = arith.constant dense<0.000000e+00> : vector<2000x16xf32>
    %dot_general3A_12 = tpu.matmul %dot_general3A_5, %get3A_10, %dot_general3A_11 {dimension_numbers = #tpu.dot_dimension_numbers<[1], [0], [0], [1], [0, 0, 1, 1], [], []>, transpose_lhs_hint = false} : vector<2000x128xf32>, vector<128x16xf32>, vector<2000x16xf32> -> vector<2000x16xf32>
    %swap3A_13 = arith.constant 0 : index
    %swap3A_14 = arith.constant 0 : index
    %swap3A_15 = vector.load %arg6[%swap3A_13, %swap3A_14] : memref<2000x16xf32, #tpu.memory_space<vmem>>, vector<2000x16xf32>
    tpu.vector_store %arg6[%swap3A_13, %swap3A_14], %dot_general3A_12 {strides = array<i32>} : memref<2000x16xf32, #tpu.memory_space<vmem>>, vector<2000x16xf32>,
    %get3A_16 = arith.constant 0 : index
    %get3A_17 = arith.constant 0 : index
    %get3A_18 = vector.load %arg4[%get3A_16, %get3A_17] : memref<128x16xf32, #tpu.memory_space<vmem>>, vector<128x16xf32>
    %dot_general3A_19 = arith.constant dense<0.000000e+00> : vector<2000x16xf32>
    %dot_general3A_20 = tpu.matmul %dot_general3A_5, %get3A_18, %dot_general3A_19 {dimension_numbers = #tpu.dot_dimension_numbers<[1], [0], [0], [1], [0, 0, 1, 1], [], []>, transpose_lhs_hint = false} : vector<2000x128xf32>, vector<128x16xf32>, vector<2000x16xf32> -> vector<2000x16xf32>
    %swap3A_21 = arith.constant 0 : index
    %swap3A_22 = arith.constant 0 : index
    %swap3A_23 = vector.load %arg7[%swap3A_21, %swap3A_22] : memref<2000x16xf32, #tpu.memory_space<vmem>>, vector<2000x16xf32>
    tpu.vector_store %arg7[%swap3A_21, %swap3A_22], %dot_general3A_20 {strides = array<i32>} : memref<2000x16xf32, #tpu.memory_space<vmem>>, vector<2000x16xf32>,
    return
  }
  func.func @transform_0(%arg0: i32) -> (i32, i32) {
    %c0_i32 = arith.constant 0 : i32
    %c0_i32_0 = arith.constant 0 : i32
    return %arg0, %c0_i32 : i32, i32
  }
  func.func @transform_1(%arg0: i32) -> (i32, i32) {
    %c0_i32 = arith.constant 0 : i32
    %c0_i32_0 = arith.constant 0 : i32
    %c0_i32_1 = arith.constant 0 : i32
    return %c0_i32, %c0_i32_0 : i32, i32
  }
  func.func @transform_2(%arg0: i32) -> (i32, i32) {
    %c0_i32 = arith.constant 0 : i32
    %c0_i32_0 = arith.constant 0 : i32
    %c0_i32_1 = arith.constant 0 : i32
    return %c0_i32, %c0_i32_0 : i32, i32
  }
  func.func @transform_3(%arg0: i32) -> (i32, i32) {
    %c0_i32 = arith.constant 0 : i32
    %c0_i32_0 = arith.constant 0 : i32
    %c0_i32_1 = arith.constant 0 : i32
    return %c0_i32, %c0_i32_0 : i32, i32
  }
  func.func @transform_4(%arg0: i32) -> (i32, i32) {
    %c0_i32 = arith.constant 0 : i32
    %c0_i32_0 = arith.constant 0 : i32
    return %arg0, %c0_i32 : i32, i32
  }
  func.func @transform_5(%arg0: i32) -> (i32, i32) {
    %c0_i32 = arith.constant 0 : i32
    %c0_i32_0 = arith.constant 0 : i32
    return %arg0, %c0_i32 : i32, i32
  }
  func.func @transform_6(%arg0: i32) -> (i32, i32) {
    %c0_i32 = arith.constant 0 : i32
    %c0_i32_0 = arith.constant 0 : i32
    return %arg0, %c0_i32 : i32, i32
  }
}

module attributes {stable_mosaic.version = 14 : i64} {
  func.func @_bound1_body(%arg0: i32, %arg1: memref<2x2000x128xf32, #tpu.memory_space<vmem>>, %arg2: memref<2x2000x16xf32, #tpu.memory_space<vmem>>, %arg3: memref<1x128xf32, #tpu.memory_space<vmem>>, %arg4: memref<128x128xf32, #tpu.memory_space<vmem>>, %arg5: memref<128x16xf32, #tpu.memory_space<vmem>>, %arg6: memref<128x16xf32, #tpu.memory_space<vmem>>, %arg7: memref<16x128xf32, #tpu.memory_space<vmem>>, %arg8: memref<2000x128xf32, #tpu.memory_space<vmem>>, %arg9: memref<2000x16xf32, #tpu.memory_space<vmem>>, %arg10: memref<2000x16xf32, #tpu.memory_space<vmem>>, %arg11: memref<2000x16xf32, #tpu.memory_space<vmem>>) attributes {dimension_semantics = [#tpu.dimension_semantics<arbitrary>], iteration_bounds = array<i64: 5>, scalar_prefetch = 0 : i64, scratch_operands = 0 : i64, tpu.core_type = #tpu.core_type<tc>, window_params = [{transform_indices = @transform_0, window_bounds = array<i64: 2, 2000, 128>}, {transform_indices = @transform_1, window_bounds = array<i64: 2, 2000, 16>}, {pipeline_mode = #tpu.pipeline_mode<synchronous>, transform_indices = @transform_2, window_bounds = array<i64: 1, 128>}, {pipeline_mode = #tpu.pipeline_mode<synchronous>, transform_indices = @transform_3, window_bounds = array<i64: 128, 128>}, {pipeline_mode = #tpu.pipeline_mode<synchronous>, transform_indices = @transform_4, window_bounds = array<i64: 128, 16>}, {pipeline_mode = #tpu.pipeline_mode<synchronous>, transform_indices = @transform_5, window_bounds = array<i64: 128, 16>}, {pipeline_mode = #tpu.pipeline_mode<synchronous>, transform_indices = @transform_6, window_bounds = array<i64: 16, 128>}, {transform_indices = @transform_7, window_bounds = array<i64: 2000, 128>}, {transform_indices = @transform_8, window_bounds = array<i64: 2000, 16>}, {transform_indices = @transform_9, window_bounds = array<i64: 2000, 16>}, {transform_indices = @transform_10, window_bounds = array<i64: 2000, 16>}]} {
    %get3A = arith.constant 0 : index
    %get3A_0 = arith.constant 0 : index
    %get3A_1 = arith.constant 0 : index
    %get3A_2 = vector.load %arg2[%get3A, %get3A_0, %get3A_1] : memref<2x2000x16xf32, #tpu.memory_space<vmem>>, vector<1x2000x16xf32>
    %get3A_3 = vector.shape_cast %get3A_2 : vector<1x2000x16xf32> to vector<2000x16xf32>
    %get3A_4 = arith.constant 1 : index
    %get3A_5 = arith.constant 0 : index
    %get3A_6 = arith.constant 0 : index
    %get3A_7 = vector.load %arg2[%get3A_4, %get3A_5, %get3A_6] : memref<2x2000x16xf32, #tpu.memory_space<vmem>>, vector<1x2000x16xf32>
    %get3A_8 = vector.shape_cast %get3A_7 : vector<1x2000x16xf32> to vector<2000x16xf32>
    %add3A = arith.addf %get3A_3, %get3A_8 : vector<2000x16xf32>
    %get3A_9 = arith.constant 0 : index
    %get3A_10 = arith.constant 0 : index
    %get3A_11 = arith.constant 0 : index
    %get3A_12 = vector.load %arg1[%get3A_9, %get3A_10, %get3A_11] : memref<2x2000x128xf32, #tpu.memory_space<vmem>>, vector<1x2000x128xf32>
    %get3A_13 = vector.shape_cast %get3A_12 : vector<1x2000x128xf32> to vector<2000x128xf32>
    %get3A_14 = arith.constant 1 : index
    %get3A_15 = arith.constant 0 : index
    %get3A_16 = arith.constant 0 : index
    %get3A_17 = vector.load %arg1[%get3A_14, %get3A_15, %get3A_16] : memref<2x2000x128xf32, #tpu.memory_space<vmem>>, vector<1x2000x128xf32>
    %get3A_18 = vector.shape_cast %get3A_17 : vector<1x2000x128xf32> to vector<2000x128xf32>
    %add3A_19 = arith.addf %get3A_13, %get3A_18 : vector<2000x128xf32>
    %add3A_20 = arith.constant 1.000000e-16 : f32
    %add3A_21 = vector.broadcast %add3A_20 : f32 to vector<2000x16xf32>
    %add3A_22 = arith.addf %add3A, %add3A_21 : vector<2000x16xf32>
    %div3A = arith.constant 1.000000e+00 : f32
    %div3A_23 = vector.broadcast %div3A : f32 to vector<2000x16xf32>
    %div3A_24 = arith.divf %div3A_23, %add3A_22 : vector<2000x16xf32>
    %get3A_25 = arith.constant 0 : index
    %get3A_26 = arith.constant 0 : index
    %get3A_27 = vector.load %arg7[%get3A_25, %get3A_26] : memref<16x128xf32, #tpu.memory_space<vmem>>, vector<16x128xf32>
    %dot_general3A = arith.constant dense<0.000000e+00> : vector<2000x128xf32>
    %dot_general3A_28 = tpu.matmul %div3A_24, %get3A_27, %dot_general3A {dimension_numbers = #tpu.dot_dimension_numbers<[1], [0], [0], [1], [0, 0, 1, 1], [], []>, transpose_lhs_hint = false} : vector<2000x16xf32>, vector<16x128xf32>, vector<2000x128xf32> -> vector<2000x128xf32>
    %mul3A = arith.mulf %add3A_19, %dot_general3A_28 : vector<2000x128xf32>
    %get3A_29 = arith.constant 0 : index
    %get3A_30 = arith.constant 0 : index
    %get3A_31 = vector.load %arg3[%get3A_29, %get3A_30] : memref<1x128xf32, #tpu.memory_space<vmem>>, vector<1x128xf32>
    %add3A_32 = vector.broadcast %get3A_31 : vector<1x128xf32> to vector<2000x128xf32>
    %add3A_33 = arith.addf %mul3A, %add3A_32 : vector<2000x128xf32>
    %max3A = arith.constant 0.000000e+00 : f32
    %max3A_34 = vector.broadcast %max3A : f32 to vector<2000x128xf32>
    %max3A_35 = arith.maximumf %add3A_33, %max3A_34 : vector<2000x128xf32>
    %get3A_36 = arith.constant 0 : index
    %get3A_37 = arith.constant 0 : index
    %get3A_38 = vector.load %arg4[%get3A_36, %get3A_37] : memref<128x128xf32, #tpu.memory_space<vmem>>, vector<128x128xf32>
    %dot_general3A_39 = arith.constant dense<0.000000e+00> : vector<2000x128xf32>
    %dot_general3A_40 = tpu.matmul %max3A_35, %get3A_38, %dot_general3A_39 {dimension_numbers = #tpu.dot_dimension_numbers<[1], [0], [0], [1], [0, 0, 1, 1], [], []>, transpose_lhs_hint = false} : vector<2000x128xf32>, vector<128x128xf32>, vector<2000x128xf32> -> vector<2000x128xf32>
    %swap3A = arith.constant 0 : index
    %swap3A_41 = arith.constant 0 : index
    %swap3A_42 = vector.load %arg8[%swap3A, %swap3A_41] : memref<2000x128xf32, #tpu.memory_space<vmem>>, vector<2000x128xf32>
    tpu.vector_store %arg8[%swap3A, %swap3A_41], %dot_general3A_40 {strides = array<i32>} : memref<2000x128xf32, #tpu.memory_space<vmem>>, vector<2000x128xf32>,
    %get3A_43 = arith.constant 0 : index
    %get3A_44 = arith.constant 0 : index
    %get3A_45 = vector.load %arg5[%get3A_43, %get3A_44] : memref<128x16xf32, #tpu.memory_space<vmem>>, vector<128x16xf32>
    %dot_general3A_46 = arith.constant dense<0.000000e+00> : vector<2000x16xf32>
    %dot_general3A_47 = tpu.matmul %dot_general3A_40, %get3A_45, %dot_general3A_46 {dimension_numbers = #tpu.dot_dimension_numbers<[1], [0], [0], [1], [0, 0, 1, 1], [], []>, transpose_lhs_hint = false} : vector<2000x128xf32>, vector<128x16xf32>, vector<2000x16xf32> -> vector<2000x16xf32>
    %swap3A_48 = arith.constant 0 : index
    %swap3A_49 = arith.constant 0 : index
    %swap3A_50 = vector.load %arg9[%swap3A_48, %swap3A_49] : memref<2000x16xf32, #tpu.memory_space<vmem>>, vector<2000x16xf32>
    tpu.vector_store %arg9[%swap3A_48, %swap3A_49], %dot_general3A_47 {strides = array<i32>} : memref<2000x16xf32, #tpu.memory_space<vmem>>, vector<2000x16xf32>,
    %get3A_51 = arith.constant 0 : index
    %get3A_52 = arith.constant 0 : index
    %get3A_53 = vector.load %arg6[%get3A_51, %get3A_52] : memref<128x16xf32, #tpu.memory_space<vmem>>, vector<128x16xf32>
    %dot_general3A_54 = arith.constant dense<0.000000e+00> : vector<2000x16xf32>
    %dot_general3A_55 = tpu.matmul %dot_general3A_40, %get3A_53, %dot_general3A_54 {dimension_numbers = #tpu.dot_dimension_numbers<[1], [0], [0], [1], [0, 0, 1, 1], [], []>, transpose_lhs_hint = false} : vector<2000x128xf32>, vector<128x16xf32>, vector<2000x16xf32> -> vector<2000x16xf32>
    %swap3A_56 = arith.constant 0 : index
    %swap3A_57 = arith.constant 0 : index
    %swap3A_58 = vector.load %arg10[%swap3A_56, %swap3A_57] : memref<2000x16xf32, #tpu.memory_space<vmem>>, vector<2000x16xf32>
    tpu.vector_store %arg10[%swap3A_56, %swap3A_57], %dot_general3A_55 {strides = array<i32>} : memref<2000x16xf32, #tpu.memory_space<vmem>>, vector<2000x16xf32>,
    %slice3A = vector.extract_strided_slice %add3A {offsets = [0, 8], sizes = [2000, 1], strides = [1, 1]} : vector<2000x16xf32> to vector<2000x1xf32>
    %slice3A_59 = vector.extract_strided_slice %add3A {offsets = [0, 9], sizes = [2000, 1], strides = [1, 1]} : vector<2000x16xf32> to vector<2000x1xf32>
    %max3A_60 = arith.constant 1.000000e+00 : f32
    %max3A_61 = vector.broadcast %max3A_60 : f32 to vector<2000x1xf32>
    %max3A_62 = arith.maximumf %slice3A_59, %max3A_61 : vector<2000x1xf32>
    %div3A_63 = arith.divf %slice3A, %max3A_62 : vector<2000x1xf32>
    %iota3A = tpu.iota {dimensions = array<i32: 1>} : vector<2000x16xi32>
    %lt3A = arith.constant 8 : i32
    %lt3A_64 = vector.broadcast %lt3A : i32 to vector<2000x16xi32>
    %lt3A_65 = arith.cmpi slt, %iota3A, %lt3A_64 : vector<2000x16xi32>
    %broadcast_in_dim3A = vector.shape_cast %div3A_63 : vector<2000x1xf32> to vector<2000x1xf32>
    %broadcast_in_dim3A_66 = vector.broadcast %broadcast_in_dim3A : vector<2000x1xf32> to vector<2000x16xf32>
    %jit3A = arith.constant 0.000000e+00 : f32
    %broadcast_in_dim3A_67 = vector.broadcast %jit3A : f32 to vector<2000x16xf32>
    %select_n3A = arith.select %lt3A_65, %broadcast_in_dim3A_66, %broadcast_in_dim3A_67 : vector<2000x16xi1>, vector<2000x16xf32>
    %swap3A_68 = arith.constant 0 : index
    %swap3A_69 = arith.constant 0 : index
    %swap3A_70 = vector.load %arg11[%swap3A_68, %swap3A_69] : memref<2000x16xf32, #tpu.memory_space<vmem>>, vector<2000x16xf32>
    tpu.vector_store %arg11[%swap3A_68, %swap3A_69], %select_n3A {strides = array<i32>} : memref<2000x16xf32, #tpu.memory_space<vmem>>, vector<2000x16xf32>,
    return
  }
  func.func @transform_0(%arg0: i32) -> (i32, i32, i32) {
    %c0_i32 = arith.constant 0 : i32
    %c0_i32_0 = arith.constant 0 : i32
    %c0_i32_1 = arith.constant 0 : i32
    return %c0_i32, %arg0, %c0_i32_0 : i32, i32, i32
  }
  func.func @transform_1(%arg0: i32) -> (i32, i32, i32) {
    %c0_i32 = arith.constant 0 : i32
    %c0_i32_0 = arith.constant 0 : i32
    %c0_i32_1 = arith.constant 0 : i32
    return %c0_i32, %arg0, %c0_i32_0 : i32, i32, i32
  }
  func.func @transform_2(%arg0: i32) -> (i32, i32) {
    %c0_i32 = arith.constant 0 : i32
    %c0_i32_0 = arith.constant 0 : i32
    %c0_i32_1 = arith.constant 0 : i32
    return %c0_i32, %c0_i32_0 : i32, i32
  }
  func.func @transform_3(%arg0: i32) -> (i32, i32) {
    %c0_i32 = arith.constant 0 : i32
    %c0_i32_0 = arith.constant 0 : i32
    %c0_i32_1 = arith.constant 0 : i32
    return %c0_i32, %c0_i32_0 : i32, i32
  }
  func.func @transform_4(%arg0: i32) -> (i32, i32) {
    %c0_i32 = arith.constant 0 : i32
    %c0_i32_0 = arith.constant 0 : i32
    %c0_i32_1 = arith.constant 0 : i32
    return %c0_i32, %c0_i32_0 : i32, i32
  }
  func.func @transform_5(%arg0: i32) -> (i32, i32) {
    %c0_i32 = arith.constant 0 : i32
    %c0_i32_0 = arith.constant 0 : i32
    %c0_i32_1 = arith.constant 0 : i32
    return %c0_i32, %c0_i32_0 : i32, i32
  }
  func.func @transform_6(%arg0: i32) -> (i32, i32) {
    %c0_i32 = arith.constant 0 : i32
    %c0_i32_0 = arith.constant 0 : i32
    %c0_i32_1 = arith.constant 0 : i32
    return %c0_i32, %c0_i32_0 : i32, i32
  }
  func.func @transform_7(%arg0: i32) -> (i32, i32) {
    %c0_i32 = arith.constant 0 : i32
    %c0_i32_0 = arith.constant 0 : i32
    return %arg0, %c0_i32 : i32, i32
  }
  func.func @transform_8(%arg0: i32) -> (i32, i32) {
    %c0_i32 = arith.constant 0 : i32
    %c0_i32_0 = arith.constant 0 : i32
    return %arg0, %c0_i32 : i32, i32
  }
  func.func @transform_9(%arg0: i32) -> (i32, i32) {
    %c0_i32 = arith.constant 0 : i32
    %c0_i32_0 = arith.constant 0 : i32
    return %arg0, %c0_i32 : i32, i32
  }
  func.func @transform_10(%arg0: i32) -> (i32, i32) {
    %c0_i32 = arith.constant 0 : i32
    %c0_i32_0 = arith.constant 0 : i32
    return %arg0, %c0_i32 : i32, i32
  }
}

module attributes {stable_mosaic.version = 14 : i64} {
  func.func @_bound2_body(%arg0: i32, %arg1: memref<2x2000x128xf32, #tpu.memory_space<vmem>>, %arg2: memref<2x2000x16xf32, #tpu.memory_space<vmem>>, %arg3: memref<2000x128xf32, #tpu.memory_space<vmem>>, %arg4: memref<2000x16xf32, #tpu.memory_space<vmem>>, %arg5: memref<2000x16xf32, #tpu.memory_space<vmem>>, %arg6: memref<2000x16xf32, #tpu.memory_space<vmem>>, %arg7: memref<1x16xf32, #tpu.memory_space<vmem>>, %arg8: memref<1x128xf32, #tpu.memory_space<vmem>>, %arg9: memref<16x128xf32, #tpu.memory_space<vmem>>, %arg10: memref<128x128xf32, #tpu.memory_space<vmem>>, %arg11: memref<128x16xf32, #tpu.memory_space<vmem>>, %arg12: memref<128x16xf32, #tpu.memory_space<vmem>>, %arg13: memref<2000x128xf32, #tpu.memory_space<vmem>>, %arg14: memref<2000x16xf32, #tpu.memory_space<vmem>>, %arg15: memref<2000x16xf32, #tpu.memory_space<vmem>>) attributes {dimension_semantics = [#tpu.dimension_semantics<arbitrary>], iteration_bounds = array<i64: 5>, scalar_prefetch = 0 : i64, scratch_operands = 0 : i64, tpu.core_type = #tpu.core_type<tc>, window_params = [{transform_indices = @transform_0, window_bounds = array<i64: 2, 2000, 128>}, {transform_indices = @transform_1, window_bounds = array<i64: 2, 2000, 16>}, {transform_indices = @transform_2, window_bounds = array<i64: 2000, 128>}, {transform_indices = @transform_3, window_bounds = array<i64: 2000, 16>}, {transform_indices = @transform_4, window_bounds = array<i64: 2000, 16>}, {transform_indices = @transform_5, window_bounds = array<i64: 2000, 16>}, {pipeline_mode = #tpu.pipeline_mode<synchronous>, transform_indices = @transform_6, window_bounds = array<i64: 1, 16>}, {pipeline_mode = #tpu.pipeline_mode<synchronous>, transform_indices = @transform_7, window_bounds = array<i64: 1, 128>}, {pipeline_mode = #tpu.pipeline_mode<synchronous>, transform_indices = @transform_8, window_bounds = array<i64: 16, 128>}, {pipeline_mode = #tpu.pipeline_mode<synchronous>, transform_indices = @transform_9, window_bounds = array<i64: 128, 128>}, {pipeline_mode = #tpu.pipeline_mode<synchronous>, transform_indices = @transform_10, window_bounds = array<i64: 128, 16>}, {pipeline_mode = #tpu.pipeline_mode<synchronous>, transform_indices = @transform_11, window_bounds = array<i64: 128, 16>}, {transform_indices = @transform_12, window_bounds = array<i64: 2000, 128>}, {transform_indices = @transform_13, window_bounds = array<i64: 2000, 16>}, {transform_indices = @transform_14, window_bounds = array<i64: 2000, 16>}]} {
    %get3A = arith.constant 0 : index
    %get3A_0 = arith.constant 0 : index
    %get3A_1 = vector.load %arg4[%get3A, %get3A_0] : memref<2000x16xf32, #tpu.memory_space<vmem>>, vector<2000x16xf32>
    %get3A_2 = arith.constant 0 : index
    %get3A_3 = arith.constant 0 : index
    %get3A_4 = vector.load %arg5[%get3A_2, %get3A_3] : memref<2000x16xf32, #tpu.memory_space<vmem>>, vector<2000x16xf32>
    %add3A = arith.addf %get3A_1, %get3A_4 : vector<2000x16xf32>
    %get3A_5 = arith.constant 0 : index
    %get3A_6 = arith.constant 0 : index
    %get3A_7 = vector.load %arg6[%get3A_5, %get3A_6] : memref<2000x16xf32, #tpu.memory_space<vmem>>, vector<2000x16xf32>
    %get3A_8 = arith.constant 0 : index
    %get3A_9 = arith.constant 0 : index
    %get3A_10 = vector.load %arg7[%get3A_8, %get3A_9] : memref<1x16xf32, #tpu.memory_space<vmem>>, vector<1x16xf32>
    %mul3A = vector.broadcast %get3A_10 : vector<1x16xf32> to vector<2000x16xf32>
    %mul3A_11 = arith.mulf %get3A_7, %mul3A : vector<2000x16xf32>
    %add3A_12 = arith.addf %add3A, %mul3A_11 : vector<2000x16xf32>
    %gt3A = arith.constant 0.000000e+00 : f32
    %gt3A_13 = vector.broadcast %gt3A : f32 to vector<2000x16xf32>
    %gt3A_14 = arith.cmpf ogt, %add3A_12, %gt3A_13 : vector<2000x16xf32>
    %mul3A_15 = arith.constant 2.000000e-01 : f32
    %mul3A_16 = vector.broadcast %mul3A_15 : f32 to vector<2000x16xf32>
    %mul3A_17 = arith.mulf %mul3A_16, %add3A_12 : vector<2000x16xf32>
    %select_n3A = arith.select %gt3A_14, %add3A_12, %mul3A_17 : vector<2000x16xi1>, vector<2000x16xf32>
    %min3A = arith.constant 6.000000e+01 : f32
    %min3A_18 = vector.broadcast %min3A : f32 to vector<2000x16xf32>
    %min3A_19 = arith.minimumf %select_n3A, %min3A_18 : vector<2000x16xf32>
    %exp3A = math.exp %min3A_19 : vector<2000x16xf32>
    %iota3A = tpu.iota {dimensions = array<i32: 1>} : vector<2000x16xi32>
    %lt3A = arith.constant 8 : i32
    %lt3A_20 = vector.broadcast %lt3A : i32 to vector<2000x16xi32>
    %lt3A_21 = arith.cmpi slt, %iota3A, %lt3A_20 : vector<2000x16xi32>
    %jit3A = arith.constant 0.000000e+00 : f32
    %broadcast_in_dim3A = vector.broadcast %jit3A : f32 to vector<2000x16xf32>
    %select_n3A_22 = arith.select %lt3A_21, %exp3A, %broadcast_in_dim3A : vector<2000x16xi1>, vector<2000x16xf32>
    %get3A_23 = arith.constant 0 : index
    %get3A_24 = arith.constant 0 : index
    %get3A_25 = arith.constant 0 : index
    %get3A_26 = vector.load %arg2[%get3A_23, %get3A_24, %get3A_25] : memref<2x2000x16xf32, #tpu.memory_space<vmem>>, vector<1x2000x16xf32>
    %get3A_27 = vector.shape_cast %get3A_26 : vector<1x2000x16xf32> to vector<2000x16xf32>
    %get3A_28 = arith.constant 1 : index
    %get3A_29 = arith.constant 0 : index
    %get3A_30 = arith.constant 0 : index
    %get3A_31 = vector.load %arg2[%get3A_28, %get3A_29, %get3A_30] : memref<2x2000x16xf32, #tpu.memory_space<vmem>>, vector<1x2000x16xf32>
    %get3A_32 = vector.shape_cast %get3A_31 : vector<1x2000x16xf32> to vector<2000x16xf32>
    %add3A_33 = arith.addf %get3A_27, %get3A_32 : vector<2000x16xf32>
    %add3A_34 = arith.addf %add3A_33, %select_n3A_22 : vector<2000x16xf32>
    %get3A_35 = arith.constant 0 : index
    %get3A_36 = arith.constant 0 : index
    %get3A_37 = vector.load %arg9[%get3A_35, %get3A_36] : memref<16x128xf32, #tpu.memory_space<vmem>>, vector<16x128xf32>
    %dot_general3A = arith.constant dense<0.000000e+00> : vector<2000x128xf32>
    %dot_general3A_38 = tpu.matmul %select_n3A_22, %get3A_37, %dot_general3A {dimension_numbers = #tpu.dot_dimension_numbers<[1], [0], [0], [1], [0, 0, 1, 1], [], []>, transpose_lhs_hint = false} : vector<2000x16xf32>, vector<16x128xf32>, vector<2000x128xf32> -> vector<2000x128xf32>
    %get3A_39 = arith.constant 0 : index
    %get3A_40 = arith.constant 0 : index
    %get3A_41 = arith.constant 0 : index
    %get3A_42 = vector.load %arg1[%get3A_39, %get3A_40, %get3A_41] : memref<2x2000x128xf32, #tpu.memory_space<vmem>>, vector<1x2000x128xf32>
    %get3A_43 = vector.shape_cast %get3A_42 : vector<1x2000x128xf32> to vector<2000x128xf32>
    %get3A_44 = arith.constant 1 : index
    %get3A_45 = arith.constant 0 : index
    %get3A_46 = arith.constant 0 : index
    %get3A_47 = vector.load %arg1[%get3A_44, %get3A_45, %get3A_46] : memref<2x2000x128xf32, #tpu.memory_space<vmem>>, vector<1x2000x128xf32>
    %get3A_48 = vector.shape_cast %get3A_47 : vector<1x2000x128xf32> to vector<2000x128xf32>
    %add3A_49 = arith.addf %get3A_43, %get3A_48 : vector<2000x128xf32>
    %get3A_50 = arith.constant 0 : index
    %get3A_51 = arith.constant 0 : index
    %get3A_52 = vector.load %arg3[%get3A_50, %get3A_51] : memref<2000x128xf32, #tpu.memory_space<vmem>>, vector<2000x128xf32>
    %mul3A_53 = arith.mulf %get3A_52, %dot_general3A_38 : vector<2000x128xf32>
    %add3A_54 = arith.addf %add3A_49, %mul3A_53 : vector<2000x128xf32>
    %add3A_55 = arith.constant 1.000000e-16 : f32
    %add3A_56 = vector.broadcast %add3A_55 : f32 to vector<2000x16xf32>
    %add3A_57 = arith.addf %add3A_34, %add3A_56 : vector<2000x16xf32>
    %div3A = arith.constant 1.000000e+00 : f32
    %div3A_58 = vector.broadcast %div3A : f32 to vector<2000x16xf32>
    %div3A_59 = arith.divf %div3A_58, %add3A_57 : vector<2000x16xf32>
    %get3A_60 = arith.constant 0 : index
    %get3A_61 = arith.constant 0 : index
    %get3A_62 = vector.load %arg9[%get3A_60, %get3A_61] : memref<16x128xf32, #tpu.memory_space<vmem>>, vector<16x128xf32>
    %dot_general3A_63 = arith.constant dense<0.000000e+00> : vector<2000x128xf32>
    %dot_general3A_64 = tpu.matmul %div3A_59, %get3A_62, %dot_general3A_63 {dimension_numbers = #tpu.dot_dimension_numbers<[1], [0], [0], [1], [0, 0, 1, 1], [], []>, transpose_lhs_hint = false} : vector<2000x16xf32>, vector<16x128xf32>, vector<2000x128xf32> -> vector<2000x128xf32>
    %mul3A_65 = arith.mulf %add3A_54, %dot_general3A_64 : vector<2000x128xf32>
    %get3A_66 = arith.constant 0 : index
    %get3A_67 = arith.constant 0 : index
    %get3A_68 = vector.load %arg8[%get3A_66, %get3A_67] : memref<1x128xf32, #tpu.memory_space<vmem>>, vector<1x128xf32>
    %add3A_69 = vector.broadcast %get3A_68 : vector<1x128xf32> to vector<2000x128xf32>
    %add3A_70 = arith.addf %mul3A_65, %add3A_69 : vector<2000x128xf32>
    %max3A = arith.constant 0.000000e+00 : f32
    %max3A_71 = vector.broadcast %max3A : f32 to vector<2000x128xf32>
    %max3A_72 = arith.maximumf %add3A_70, %max3A_71 : vector<2000x128xf32>
    %get3A_73 = arith.constant 0 : index
    %get3A_74 = arith.constant 0 : index
    %get3A_75 = vector.load %arg10[%get3A_73, %get3A_74] : memref<128x128xf32, #tpu.memory_space<vmem>>, vector<128x128xf32>
    %dot_general3A_76 = arith.constant dense<0.000000e+00> : vector<2000x128xf32>
    %dot_general3A_77 = tpu.matmul %max3A_72, %get3A_75, %dot_general3A_76 {dimension_numbers = #tpu.dot_dimension_numbers<[1], [0], [0], [1], [0, 0, 1, 1], [], []>, transpose_lhs_hint = false} : vector<2000x128xf32>, vector<128x128xf32>, vector<2000x128xf32> -> vector<2000x128xf32>
    %swap3A = arith.constant 0 : index
    %swap3A_78 = arith.constant 0 : index
    %swap3A_79 = vector.load %arg13[%swap3A, %swap3A_78] : memref<2000x128xf32, #tpu.memory_space<vmem>>, vector<2000x128xf32>
    tpu.vector_store %arg13[%swap3A, %swap3A_78], %dot_general3A_77 {strides = array<i32>} : memref<2000x128xf32, #tpu.memory_space<vmem>>, vector<2000x128xf32>,
    %get3A_80 = arith.constant 0 : index
    %get3A_81 = arith.constant 0 : index
    %get3A_82 = vector.load %arg11[%get3A_80, %get3A_81] : memref<128x16xf32, #tpu.memory_space<vmem>>, vector<128x16xf32>
    %dot_general3A_83 = arith.constant dense<0.000000e+00> : vector<2000x16xf32>
    %dot_general3A_84 = tpu.matmul %dot_general3A_77, %get3A_82, %dot_general3A_83 {dimension_numbers = #tpu.dot_dimension_numbers<[1], [0], [0], [1], [0, 0, 1, 1], [], []>, transpose_lhs_hint = false} : vector<2000x128xf32>, vector<128x16xf32>, vector<2000x16xf32> -> vector<2000x16xf32>
    %swap3A_85 = arith.constant 0 : index
    %swap3A_86 = arith.constant 0 : index
    %swap3A_87 = vector.load %arg14[%swap3A_85, %swap3A_86] : memref<2000x16xf32, #tpu.memory_space<vmem>>, vector<2000x16xf32>
    tpu.vector_store %arg14[%swap3A_85, %swap3A_86], %dot_general3A_84 {strides = array<i32>} : memref<2000x16xf32, #tpu.memory_space<vmem>>, vector<2000x16xf32>,
    %get3A_88 = arith.constant 0 : index
    %get3A_89 = arith.constant 0 : index
    %get3A_90 = vector.load %arg12[%get3A_88, %get3A_89] : memref<128x16xf32, #tpu.memory_space<vmem>>, vector<128x16xf32>
    %dot_general3A_91 = arith.constant dense<0.000000e+00> : vector<2000x16xf32>
    %dot_general3A_92 = tpu.matmul %dot_general3A_77, %get3A_90, %dot_general3A_91 {dimension_numbers = #tpu.dot_dimension_numbers<[1], [0], [0], [1], [0, 0, 1, 1], [], []>, transpose_lhs_hint = false} : vector<2000x128xf32>, vector<128x16xf32>, vector<2000x16xf32> -> vector<2000x16xf32>
    %swap3A_93 = arith.constant 0 : index
    %swap3A_94 = arith.constant 0 : index
    %swap3A_95 = vector.load %arg15[%swap3A_93, %swap3A_94] : memref<2000x16xf32, #tpu.memory_space<vmem>>, vector<2000x16xf32>
    tpu.vector_store %arg15[%swap3A_93, %swap3A_94], %dot_general3A_92 {strides = array<i32>} : memref<2000x16xf32, #tpu.memory_space<vmem>>, vector<2000x16xf32>,
    return
  }
  func.func @transform_0(%arg0: i32) -> (i32, i32, i32) {
    %c0_i32 = arith.constant 0 : i32
    %c0_i32_0 = arith.constant 0 : i32
    %c0_i32_1 = arith.constant 0 : i32
    return %c0_i32, %arg0, %c0_i32_0 : i32, i32, i32
  }
  func.func @transform_1(%arg0: i32) -> (i32, i32, i32) {
    %c0_i32 = arith.constant 0 : i32
    %c0_i32_0 = arith.constant 0 : i32
    %c0_i32_1 = arith.constant 0 : i32
    return %c0_i32, %arg0, %c0_i32_0 : i32, i32, i32
  }
  func.func @transform_2(%arg0: i32) -> (i32, i32) {
    %c0_i32 = arith.constant 0 : i32
    %c0_i32_0 = arith.constant 0 : i32
    return %arg0, %c0_i32 : i32, i32
  }
  func.func @transform_3(%arg0: i32) -> (i32, i32) {
    %c0_i32 = arith.constant 0 : i32
    %c0_i32_0 = arith.constant 0 : i32
    return %arg0, %c0_i32 : i32, i32
  }
  func.func @transform_4(%arg0: i32) -> (i32, i32) {
    %c0_i32 = arith.constant 0 : i32
    %c0_i32_0 = arith.constant 0 : i32
    return %arg0, %c0_i32 : i32, i32
  }
  func.func @transform_5(%arg0: i32) -> (i32, i32) {
    %c0_i32 = arith.constant 0 : i32
    %c0_i32_0 = arith.constant 0 : i32
    return %arg0, %c0_i32 : i32, i32
  }
  func.func @transform_6(%arg0: i32) -> (i32, i32) {
    %c0_i32 = arith.constant 0 : i32
    %c0_i32_0 = arith.constant 0 : i32
    %c0_i32_1 = arith.constant 0 : i32
    return %c0_i32, %c0_i32_0 : i32, i32
  }
  func.func @transform_7(%arg0: i32) -> (i32, i32) {
    %c0_i32 = arith.constant 0 : i32
    %c0_i32_0 = arith.constant 0 : i32
    %c0_i32_1 = arith.constant 0 : i32
    return %c0_i32, %c0_i32_0 : i32, i32
  }
  func.func @transform_8(%arg0: i32) -> (i32, i32) {
    %c0_i32 = arith.constant 0 : i32
    %c0_i32_0 = arith.constant 0 : i32
    %c0_i32_1 = arith.constant 0 : i32
    return %c0_i32, %c0_i32_0 : i32, i32
  }
  func.func @transform_9(%arg0: i32) -> (i32, i32) {
    %c0_i32 = arith.constant 0 : i32
    %c0_i32_0 = arith.constant 0 : i32
    %c0_i32_1 = arith.constant 0 : i32
    return %c0_i32, %c0_i32_0 : i32, i32
  }
  func.func @transform_10(%arg0: i32) -> (i32, i32) {
    %c0_i32 = arith.constant 0 : i32
    %c0_i32_0 = arith.constant 0 : i32
    %c0_i32_1 = arith.constant 0 : i32
    return %c0_i32, %c0_i32_0 : i32, i32
  }
  func.func @transform_11(%arg0: i32) -> (i32, i32) {
    %c0_i32 = arith.constant 0 : i32
    %c0_i32_0 = arith.constant 0 : i32
    %c0_i32_1 = arith.constant 0 : i32
    return %c0_i32, %c0_i32_0 : i32, i32
  }
  func.func @transform_12(%arg0: i32) -> (i32, i32) {
    %c0_i32 = arith.constant 0 : i32
    %c0_i32_0 = arith.constant 0 : i32
    return %arg0, %c0_i32 : i32, i32
  }
  func.func @transform_13(%arg0: i32) -> (i32, i32) {
    %c0_i32 = arith.constant 0 : i32
    %c0_i32_0 = arith.constant 0 : i32
    return %arg0, %c0_i32 : i32, i32
  }
  func.func @transform_14(%arg0: i32) -> (i32, i32) {
    %c0_i32 = arith.constant 0 : i32
    %c0_i32_0 = arith.constant 0 : i32
    return %arg0, %c0_i32 : i32, i32
  }
}

module attributes {stable_mosaic.version = 14 : i64} {
  func.func @_final_body(%arg0: i32, %arg1: memref<2x2000x128xf32, #tpu.memory_space<vmem>>, %arg2: memref<2x2000x16xf32, #tpu.memory_space<vmem>>, %arg3: memref<2000x128xf32, #tpu.memory_space<vmem>>, %arg4: memref<2000x16xf32, #tpu.memory_space<vmem>>, %arg5: memref<2000x16xf32, #tpu.memory_space<vmem>>, %arg6: memref<2000x16xf32, #tpu.memory_space<vmem>>, %arg7: memref<1x16xf32, #tpu.memory_space<vmem>>, %arg8: memref<1x128xf32, #tpu.memory_space<vmem>>, %arg9: memref<16x128xf32, #tpu.memory_space<vmem>>, %arg10: memref<1x1x2000xi32, #tpu.memory_space<vmem>>, %arg11: memref<128x64xf32, #tpu.memory_space<vmem>>, %arg12: memref<1x64xf32, #tpu.memory_space<vmem>>, %arg13: memref<64x8xf32, #tpu.memory_space<vmem>>, %arg14: memref<1x8xf32, #tpu.memory_space<vmem>>, %arg15: memref<64x128xf32, #tpu.memory_space<vmem>>, %arg16: memref<64x128xf32, #tpu.memory_space<vmem>>, %arg17: memref<64x8xf32, #tpu.memory_space<vmem>>) attributes {dimension_semantics = [#tpu.dimension_semantics<arbitrary>], iteration_bounds = array<i64: 5>, scalar_prefetch = 0 : i64, scratch_operands = 0 : i64, tpu.core_type = #tpu.core_type<tc>, window_params = [{transform_indices = @transform_0, window_bounds = array<i64: 2, 2000, 128>}, {transform_indices = @transform_1, window_bounds = array<i64: 2, 2000, 16>}, {transform_indices = @transform_2, window_bounds = array<i64: 2000, 128>}, {transform_indices = @transform_3, window_bounds = array<i64: 2000, 16>}, {transform_indices = @transform_4, window_bounds = array<i64: 2000, 16>}, {transform_indices = @transform_5, window_bounds = array<i64: 2000, 16>}, {pipeline_mode = #tpu.pipeline_mode<synchronous>, transform_indices = @transform_6, window_bounds = array<i64: 1, 16>}, {pipeline_mode = #tpu.pipeline_mode<synchronous>, transform_indices = @transform_7, window_bounds = array<i64: 1, 128>}, {pipeline_mode = #tpu.pipeline_mode<synchronous>, transform_indices = @transform_8, window_bounds = array<i64: 16, 128>}, {transform_indices = @transform_9, window_bounds = array<i64: 1, 1, 2000>}, {pipeline_mode = #tpu.pipeline_mode<synchronous>, transform_indices = @transform_10, window_bounds = array<i64: 128, 64>}, {pipeline_mode = #tpu.pipeline_mode<synchronous>, transform_indices = @transform_11, window_bounds = array<i64: 1, 64>}, {pipeline_mode = #tpu.pipeline_mode<synchronous>, transform_indices = @transform_12, window_bounds = array<i64: 64, 8>}, {pipeline_mode = #tpu.pipeline_mode<synchronous>, transform_indices = @transform_13, window_bounds = array<i64: 1, 8>}, {pipeline_mode = #tpu.pipeline_mode<synchronous>, transform_indices = @transform_14, window_bounds = array<i64: 64, 128>}, {pipeline_mode = #tpu.pipeline_mode<synchronous>, transform_indices = @transform_15, window_bounds = array<i64: 64, 128>}, {pipeline_mode = #tpu.pipeline_mode<synchronous>, transform_indices = @transform_16, window_bounds = array<i64: 64, 8>}]} {
    %get3A = arith.constant 0 : index
    %get3A_0 = arith.constant 0 : index
    %get3A_1 = vector.load %arg4[%get3A, %get3A_0] : memref<2000x16xf32, #tpu.memory_space<vmem>>, vector<2000x16xf32>
    %get3A_2 = arith.constant 0 : index
    %get3A_3 = arith.constant 0 : index
    %get3A_4 = vector.load %arg5[%get3A_2, %get3A_3] : memref<2000x16xf32, #tpu.memory_space<vmem>>, vector<2000x16xf32>
    %add3A = arith.addf %get3A_1, %get3A_4 : vector<2000x16xf32>
    %get3A_5 = arith.constant 0 : index
    %get3A_6 = arith.constant 0 : index
    %get3A_7 = vector.load %arg6[%get3A_5, %get3A_6] : memref<2000x16xf32, #tpu.memory_space<vmem>>, vector<2000x16xf32>
    %get3A_8 = arith.constant 0 : index
    %get3A_9 = arith.constant 0 : index
    %get3A_10 = vector.load %arg7[%get3A_8, %get3A_9] : memref<1x16xf32, #tpu.memory_space<vmem>>, vector<1x16xf32>
    %mul3A = vector.broadcast %get3A_10 : vector<1x16xf32> to vector<2000x16xf32>
    %mul3A_11 = arith.mulf %get3A_7, %mul3A : vector<2000x16xf32>
    %add3A_12 = arith.addf %add3A, %mul3A_11 : vector<2000x16xf32>
    %gt3A = arith.constant 0.000000e+00 : f32
    %gt3A_13 = vector.broadcast %gt3A : f32 to vector<2000x16xf32>
    %gt3A_14 = arith.cmpf ogt, %add3A_12, %gt3A_13 : vector<2000x16xf32>
    %mul3A_15 = arith.constant 2.000000e-01 : f32
    %mul3A_16 = vector.broadcast %mul3A_15 : f32 to vector<2000x16xf32>
    %mul3A_17 = arith.mulf %mul3A_16, %add3A_12 : vector<2000x16xf32>
    %select_n3A = arith.select %gt3A_14, %add3A_12, %mul3A_17 : vector<2000x16xi1>, vector<2000x16xf32>
    %min3A = arith.constant 6.000000e+01 : f32
    %min3A_18 = vector.broadcast %min3A : f32 to vector<2000x16xf32>
    %min3A_19 = arith.minimumf %select_n3A, %min3A_18 : vector<2000x16xf32>
    %exp3A = math.exp %min3A_19 : vector<2000x16xf32>
    %iota3A = tpu.iota {dimensions = array<i32: 1>} : vector<2000x16xi32>
    %lt3A = arith.constant 8 : i32
    %lt3A_20 = vector.broadcast %lt3A : i32 to vector<2000x16xi32>
    %lt3A_21 = arith.cmpi slt, %iota3A, %lt3A_20 : vector<2000x16xi32>
    %jit3A = arith.constant 0.000000e+00 : f32
    %broadcast_in_dim3A = vector.broadcast %jit3A : f32 to vector<2000x16xf32>
    %select_n3A_22 = arith.select %lt3A_21, %exp3A, %broadcast_in_dim3A : vector<2000x16xi1>, vector<2000x16xf32>
    %get3A_23 = arith.constant 0 : index
    %get3A_24 = arith.constant 0 : index
    %get3A_25 = arith.constant 0 : index
    %get3A_26 = vector.load %arg2[%get3A_23, %get3A_24, %get3A_25] : memref<2x2000x16xf32, #tpu.memory_space<vmem>>, vector<1x2000x16xf32>
    %get3A_27 = vector.shape_cast %get3A_26 : vector<1x2000x16xf32> to vector<2000x16xf32>
    %get3A_28 = arith.constant 1 : index
    %get3A_29 = arith.constant 0 : index
    %get3A_30 = arith.constant 0 : index
    %get3A_31 = vector.load %arg2[%get3A_28, %get3A_29, %get3A_30] : memref<2x2000x16xf32, #tpu.memory_space<vmem>>, vector<1x2000x16xf32>
    %get3A_32 = vector.shape_cast %get3A_31 : vector<1x2000x16xf32> to vector<2000x16xf32>
    %add3A_33 = arith.addf %get3A_27, %get3A_32 : vector<2000x16xf32>
    %add3A_34 = arith.addf %add3A_33, %select_n3A_22 : vector<2000x16xf32>
    %get3A_35 = arith.constant 0 : index
    %get3A_36 = arith.constant 0 : index
    %get3A_37 = vector.load %arg9[%get3A_35, %get3A_36] : memref<16x128xf32, #tpu.memory_space<vmem>>, vector<16x128xf32>
    %dot_general3A = arith.constant dense<0.000000e+00> : vector<2000x128xf32>
    %dot_general3A_38 = tpu.matmul %select_n3A_22, %get3A_37, %dot_general3A {dimension_numbers = #tpu.dot_dimension_numbers<[1], [0], [0], [1], [0, 0, 1, 1], [], []>, transpose_lhs_hint = false} : vector<2000x16xf32>, vector<16x128xf32>, vector<2000x128xf32> -> vector<2000x128xf32>
    %get3A_39 = arith.constant 0 : index
    %get3A_40 = arith.constant 0 : index
    %get3A_41 = arith.constant 0 : index
    %get3A_42 = vector.load %arg1[%get3A_39, %get3A_40, %get3A_41] : memref<2x2000x128xf32, #tpu.memory_space<vmem>>, vector<1x2000x128xf32>
    %get3A_43 = vector.shape_cast %get3A_42 : vector<1x2000x128xf32> to vector<2000x128xf32>
    %get3A_44 = arith.constant 1 : index
    %get3A_45 = arith.constant 0 : index
    %get3A_46 = arith.constant 0 : index
    %get3A_47 = vector.load %arg1[%get3A_44, %get3A_45, %get3A_46] : memref<2x2000x128xf32, #tpu.memory_space<vmem>>, vector<1x2000x128xf32>
    %get3A_48 = vector.shape_cast %get3A_47 : vector<1x2000x128xf32> to vector<2000x128xf32>
    %add3A_49 = arith.addf %get3A_43, %get3A_48 : vector<2000x128xf32>
    %get3A_50 = arith.constant 0 : index
    %get3A_51 = arith.constant 0 : index
    %get3A_52 = vector.load %arg3[%get3A_50, %get3A_51] : memref<2000x128xf32, #tpu.memory_space<vmem>>, vector<2000x128xf32>
    %mul3A_53 = arith.mulf %get3A_52, %dot_general3A_38 : vector<2000x128xf32>
    %add3A_54 = arith.addf %add3A_49, %mul3A_53 : vector<2000x128xf32>
    %add3A_55 = arith.constant 1.000000e-16 : f32
    %add3A_56 = vector.broadcast %add3A_55 : f32 to vector<2000x16xf32>
    %add3A_57 = arith.addf %add3A_34, %add3A_56 : vector<2000x16xf32>
    %div3A = arith.constant 1.000000e+00 : f32
    %div3A_58 = vector.broadcast %div3A : f32 to vector<2000x16xf32>
    %div3A_59 = arith.divf %div3A_58, %add3A_57 : vector<2000x16xf32>
    %get3A_60 = arith.constant 0 : index
    %get3A_61 = arith.constant 0 : index
    %get3A_62 = vector.load %arg9[%get3A_60, %get3A_61] : memref<16x128xf32, #tpu.memory_space<vmem>>, vector<16x128xf32>
    %dot_general3A_63 = arith.constant dense<0.000000e+00> : vector<2000x128xf32>
    %dot_general3A_64 = tpu.matmul %div3A_59, %get3A_62, %dot_general3A_63 {dimension_numbers = #tpu.dot_dimension_numbers<[1], [0], [0], [1], [0, 0, 1, 1], [], []>, transpose_lhs_hint = false} : vector<2000x16xf32>, vector<16x128xf32>, vector<2000x128xf32> -> vector<2000x128xf32>
    %mul3A_65 = arith.mulf %add3A_54, %dot_general3A_64 : vector<2000x128xf32>
    %get3A_66 = arith.constant 0 : index
    %get3A_67 = arith.constant 0 : index
    %get3A_68 = vector.load %arg8[%get3A_66, %get3A_67] : memref<1x128xf32, #tpu.memory_space<vmem>>, vector<1x128xf32>
    %add3A_69 = vector.broadcast %get3A_68 : vector<1x128xf32> to vector<2000x128xf32>
    %add3A_70 = arith.addf %mul3A_65, %add3A_69 : vector<2000x128xf32>
    %max3A = arith.constant 0.000000e+00 : f32
    %max3A_71 = vector.broadcast %max3A : f32 to vector<2000x128xf32>
    %max3A_72 = arith.maximumf %add3A_70, %max3A_71 : vector<2000x128xf32>
    %get3A_73 = arith.constant 0 : index
    %get3A_74 = arith.constant 0 : index
    %get3A_75 = arith.constant 0 : index
    %get3A_76 = vector.load %arg10[%get3A_73, %get3A_74, %get3A_75] : memref<1x1x2000xi32, #tpu.memory_space<vmem>>, vector<1x1x2000xi32>
    %get3A_77 = vector.shape_cast %get3A_76 : vector<1x1x2000xi32> to vector<1x2000xi32>
    %iota3A_78 = tpu.iota {dimensions = array<i32: 0>} : vector<64x2000xi32>
    %broadcast_in_dim3A_79 = vector.shape_cast %get3A_77 : vector<1x2000xi32> to vector<1x2000xi32>
    %broadcast_in_dim3A_80 = vector.broadcast %broadcast_in_dim3A_79 : vector<1x2000xi32> to vector<64x2000xi32>
    %eq3A = arith.cmpi eq, %iota3A_78, %broadcast_in_dim3A_80 : vector<64x2000xi32>
    %convert_element_type3A = arith.extui %eq3A : vector<64x2000xi1> to vector<64x2000xi32>
    %convert_element_type3A_81 = arith.sitofp %convert_element_type3A : vector<64x2000xi32> to vector<64x2000xf32>
    %dot_general3A_82 = arith.constant dense<0.000000e+00> : vector<64x128xf32>
    %dot_general3A_83 = tpu.matmul %convert_element_type3A_81, %max3A_72, %dot_general3A_82 {dimension_numbers = #tpu.dot_dimension_numbers<[1], [0], [0], [1], [0, 0, 1, 1], [], []>, transpose_lhs_hint = false} : vector<64x2000xf32>, vector<2000x128xf32>, vector<64x128xf32> -> vector<64x128xf32>
    %broadcast_in_dim3A_84 = arith.constant 1.000000e+00 : f32
    %broadcast_in_dim3A_85 = vector.broadcast %broadcast_in_dim3A_84 : f32 to vector<2000x128xf32>
    %dot_general3A_86 = arith.constant dense<0.000000e+00> : vector<64x128xf32>
    %dot_general3A_87 = tpu.matmul %convert_element_type3A_81, %broadcast_in_dim3A_85, %dot_general3A_86 {dimension_numbers = #tpu.dot_dimension_numbers<[1], [0], [0], [1], [0, 0, 1, 1], [], []>, transpose_lhs_hint = false} : vector<64x2000xf32>, vector<2000x128xf32>, vector<64x128xf32> -> vector<64x128xf32>
    %eq3A_88 = arith.constant 0 : i32
    %eq3A_89 = arith.cmpi eq, %arg0, %eq3A_88 : i32
    %convert_element_type3A_90 = arith.extui %eq3A_89 : i1 to i32
    %cond3A = arith.constant 0 : i32
    %cond3A_91 = arith.cmpi ne, %convert_element_type3A_90, %cond3A : i32
    scf.if %cond3A_91 {
      %swap3A_132 = arith.constant 0 : index
      %swap3A_133 = arith.constant 0 : index
      %swap3A_134 = vector.load %arg15[%swap3A_132, %swap3A_133] : memref<64x128xf32, #tpu.memory_space<vmem>>, vector<64x128xf32>
      tpu.vector_store %arg15[%swap3A_132, %swap3A_133], %dot_general3A_83 {strides = array<i32>} : memref<64x128xf32, #tpu.memory_space<vmem>>, vector<64x128xf32>,
      %swap3A_135 = arith.constant 0 : index
      %swap3A_136 = arith.constant 0 : index
      %swap3A_137 = vector.load %arg16[%swap3A_135, %swap3A_136] : memref<64x128xf32, #tpu.memory_space<vmem>>, vector<64x128xf32>
      tpu.vector_store %arg16[%swap3A_135, %swap3A_136], %dot_general3A_87 {strides = array<i32>} : memref<64x128xf32, #tpu.memory_space<vmem>>, vector<64x128xf32>,
    } else {
    }
    %gt3A_92 = arith.constant 0 : i32
    %gt3A_93 = arith.cmpi sgt, %arg0, %gt3A_92 : i32
    %convert_element_type3A_94 = arith.extui %gt3A_93 : i1 to i32
    %cond3A_95 = arith.constant 0 : i32
    %cond3A_96 = arith.cmpi ne, %convert_element_type3A_94, %cond3A_95 : i32
    scf.if %cond3A_96 {
      %get3A_132 = arith.constant 0 : index
      %get3A_133 = arith.constant 0 : index
      %get3A_134 = vector.load %arg15[%get3A_132, %get3A_133] : memref<64x128xf32, #tpu.memory_space<vmem>>, vector<64x128xf32>
      %add3A_135 = arith.addf %get3A_134, %dot_general3A_83 : vector<64x128xf32>
      %swap3A_136 = arith.constant 0 : index
      %swap3A_137 = arith.constant 0 : index
      %swap3A_138 = vector.load %arg15[%swap3A_136, %swap3A_137] : memref<64x128xf32, #tpu.memory_space<vmem>>, vector<64x128xf32>
      tpu.vector_store %arg15[%swap3A_136, %swap3A_137], %add3A_135 {strides = array<i32>} : memref<64x128xf32, #tpu.memory_space<vmem>>, vector<64x128xf32>,
      %get3A_139 = arith.constant 0 : index
      %get3A_140 = arith.constant 0 : index
      %get3A_141 = vector.load %arg16[%get3A_139, %get3A_140] : memref<64x128xf32, #tpu.memory_space<vmem>>, vector<64x128xf32>
      %add3A_142 = arith.addf %get3A_141, %dot_general3A_87 : vector<64x128xf32>
      %swap3A_143 = arith.constant 0 : index
      %swap3A_144 = arith.constant 0 : index
      %swap3A_145 = vector.load %arg16[%swap3A_143, %swap3A_144] : memref<64x128xf32, #tpu.memory_space<vmem>>, vector<64x128xf32>
      tpu.vector_store %arg16[%swap3A_143, %swap3A_144], %add3A_142 {strides = array<i32>} : memref<64x128xf32, #tpu.memory_space<vmem>>, vector<64x128xf32>,
    } else {
    }
    %get3A_97 = arith.constant 0 : index
    %get3A_98 = arith.constant 0 : index
    %get3A_99 = vector.load %arg15[%get3A_97, %get3A_98] : memref<64x128xf32, #tpu.memory_space<vmem>>, vector<64x128xf32>
    %get3A_100 = arith.constant 0 : index
    %get3A_101 = arith.constant 0 : index
    %get3A_102 = vector.load %arg16[%get3A_100, %get3A_101] : memref<64x128xf32, #tpu.memory_space<vmem>>, vector<64x128xf32>
    %max3A_103 = arith.constant 1.000000e+00 : f32
    %max3A_104 = vector.broadcast %max3A_103 : f32 to vector<64x128xf32>
    %max3A_105 = arith.maximumf %get3A_102, %max3A_104 : vector<64x128xf32>
    %div3A_106 = arith.divf %get3A_99, %max3A_105 : vector<64x128xf32>
    %get3A_107 = arith.constant 0 : index
    %get3A_108 = arith.constant 0 : index
    %get3A_109 = vector.load %arg11[%get3A_107, %get3A_108] : memref<128x64xf32, #tpu.memory_space<vmem>>, vector<128x64xf32>
    %dot_general3A_110 = arith.constant dense<0.000000e+00> : vector<64x64xf32>
    %dot_general3A_111 = tpu.matmul %div3A_106, %get3A_109, %dot_general3A_110 {dimension_numbers = #tpu.dot_dimension_numbers<[1], [0], [0], [1], [0, 0, 1, 1], [], []>, transpose_lhs_hint = false} : vector<64x128xf32>, vector<128x64xf32>, vector<64x64xf32> -> vector<64x64xf32>
    %get3A_112 = arith.constant 0 : index
    %get3A_113 = arith.constant 0 : index
    %get3A_114 = vector.load %arg12[%get3A_112, %get3A_113] : memref<1x64xf32, #tpu.memory_space<vmem>>, vector<1x64xf32>
    %add3A_115 = vector.broadcast %get3A_114 : vector<1x64xf32> to vector<64x64xf32>
    %add3A_116 = arith.addf %dot_general3A_111, %add3A_115 : vector<64x64xf32>
    %max3A_117 = arith.constant 0.000000e+00 : f32
    %max3A_118 = vector.broadcast %max3A_117 : f32 to vector<64x64xf32>
    %max3A_119 = arith.maximumf %add3A_116, %max3A_118 : vector<64x64xf32>
    %get3A_120 = arith.constant 0 : index
    %get3A_121 = arith.constant 0 : index
    %get3A_122 = vector.load %arg13[%get3A_120, %get3A_121] : memref<64x8xf32, #tpu.memory_space<vmem>>, vector<64x8xf32>
    %dot_general3A_123 = arith.constant dense<0.000000e+00> : vector<64x8xf32>
    %dot_general3A_124 = tpu.matmul %max3A_119, %get3A_122, %dot_general3A_123 {dimension_numbers = #tpu.dot_dimension_numbers<[1], [0], [0], [1], [0, 0, 1, 1], [], []>, transpose_lhs_hint = false} : vector<64x64xf32>, vector<64x8xf32>, vector<64x8xf32> -> vector<64x8xf32>
    %get3A_125 = arith.constant 0 : index
    %get3A_126 = arith.constant 0 : index
    %get3A_127 = vector.load %arg14[%get3A_125, %get3A_126] : memref<1x8xf32, #tpu.memory_space<vmem>>, vector<1x8xf32>
    %add3A_128 = vector.broadcast %get3A_127 : vector<1x8xf32> to vector<64x8xf32>
    %add3A_129 = arith.addf %dot_general3A_124, %add3A_128 : vector<64x8xf32>
    %swap3A = arith.constant 0 : index
    %swap3A_130 = arith.constant 0 : index
    %swap3A_131 = vector.load %arg17[%swap3A, %swap3A_130] : memref<64x8xf32, #tpu.memory_space<vmem>>, vector<64x8xf32>
    tpu.vector_store %arg17[%swap3A, %swap3A_130], %add3A_129 {strides = array<i32>} : memref<64x8xf32, #tpu.memory_space<vmem>>, vector<64x8xf32>,
    return
  }
  func.func @transform_0(%arg0: i32) -> (i32, i32, i32) {
    %c0_i32 = arith.constant 0 : i32
    %c0_i32_0 = arith.constant 0 : i32
    %c0_i32_1 = arith.constant 0 : i32
    return %c0_i32, %arg0, %c0_i32_0 : i32, i32, i32
  }
  func.func @transform_1(%arg0: i32) -> (i32, i32, i32) {
    %c0_i32 = arith.constant 0 : i32
    %c0_i32_0 = arith.constant 0 : i32
    %c0_i32_1 = arith.constant 0 : i32
    return %c0_i32, %arg0, %c0_i32_0 : i32, i32, i32
  }
  func.func @transform_2(%arg0: i32) -> (i32, i32) {
    %c0_i32 = arith.constant 0 : i32
    %c0_i32_0 = arith.constant 0 : i32
    return %arg0, %c0_i32 : i32, i32
  }
  func.func @transform_3(%arg0: i32) -> (i32, i32) {
    %c0_i32 = arith.constant 0 : i32
    %c0_i32_0 = arith.constant 0 : i32
    return %arg0, %c0_i32 : i32, i32
  }
  func.func @transform_4(%arg0: i32) -> (i32, i32) {
    %c0_i32 = arith.constant 0 : i32
    %c0_i32_0 = arith.constant 0 : i32
    return %arg0, %c0_i32 : i32, i32
  }
  func.func @transform_5(%arg0: i32) -> (i32, i32) {
    %c0_i32 = arith.constant 0 : i32
    %c0_i32_0 = arith.constant 0 : i32
    return %arg0, %c0_i32 : i32, i32
  }
  func.func @transform_6(%arg0: i32) -> (i32, i32) {
    %c0_i32 = arith.constant 0 : i32
    %c0_i32_0 = arith.constant 0 : i32
    %c0_i32_1 = arith.constant 0 : i32
    return %c0_i32, %c0_i32_0 : i32, i32
  }
  func.func @transform_7(%arg0: i32) -> (i32, i32) {
    %c0_i32 = arith.constant 0 : i32
    %c0_i32_0 = arith.constant 0 : i32
    %c0_i32_1 = arith.constant 0 : i32
    return %c0_i32, %c0_i32_0 : i32, i32
  }
  func.func @transform_8(%arg0: i32) -> (i32, i32) {
    %c0_i32 = arith.constant 0 : i32
    %c0_i32_0 = arith.constant 0 : i32
    %c0_i32_1 = arith.constant 0 : i32
    return %c0_i32, %c0_i32_0 : i32, i32
  }
  func.func @transform_9(%arg0: i32) -> (i32, i32, i32) {
    %c0_i32 = arith.constant 0 : i32
    %c0_i32_0 = arith.constant 0 : i32
    %c0_i32_1 = arith.constant 0 : i32
    return %arg0, %c0_i32, %c0_i32_0 : i32, i32, i32
  }
  func.func @transform_10(%arg0: i32) -> (i32, i32) {
    %c0_i32 = arith.constant 0 : i32
    %c0_i32_0 = arith.constant 0 : i32
    %c0_i32_1 = arith.constant 0 : i32
    return %c0_i32, %c0_i32_0 : i32, i32
  }
  func.func @transform_11(%arg0: i32) -> (i32, i32) {
    %c0_i32 = arith.constant 0 : i32
    %c0_i32_0 = arith.constant 0 : i32
    %c0_i32_1 = arith.constant 0 : i32
    return %c0_i32, %c0_i32_0 : i32, i32
  }
  func.func @transform_12(%arg0: i32) -> (i32, i32) {
    %c0_i32 = arith.constant 0 : i32
    %c0_i32_0 = arith.constant 0 : i32
    %c0_i32_1 = arith.constant 0 : i32
    return %c0_i32, %c0_i32_0 : i32, i32
  }
  func.func @transform_13(%arg0: i32) -> (i32, i32) {
    %c0_i32 = arith.constant 0 : i32
    %c0_i32_0 = arith.constant 0 : i32
    %c0_i32_1 = arith.constant 0 : i32
    return %c0_i32, %c0_i32_0 : i32, i32
  }
  func.func @transform_14(%arg0: i32) -> (i32, i32) {
    %c0_i32 = arith.constant 0 : i32
    %c0_i32_0 = arith.constant 0 : i32
    %c0_i32_1 = arith.constant 0 : i32
    return %c0_i32, %c0_i32_0 : i32, i32
  }
  func.func @transform_15(%arg0: i32) -> (i32, i32) {
    %c0_i32 = arith.constant 0 : i32
    %c0_i32_0 = arith.constant 0 : i32
    %c0_i32_1 = arith.constant 0 : i32
    return %c0_i32, %c0_i32_0 : i32, i32
  }
  func.func @transform_16(%arg0: i32) -> (i32, i32) {
    %c0_i32 = arith.constant 0 : i32
    %c0_i32_0 = arith.constant 0 : i32
    %c0_i32_1 = arith.constant 0 : i32
    return %c0_i32, %c0_i32_0 : i32, i32
  }
}

</mosaic_0001>

<sc_bundles>
// kernel: kernel.12.cloned.1.call-start
scs
__scs_entry_jumppad:
0x0: {  	(pc) =	sbr.rel $0x88, $3  }
0x1: {  	(tag) =	ssettag $0x0;
	lr =	simm.s32 $0x1  }
0x2: {  	[smem:$0x3F87] =	sst lr;
	_ =	strace $0xD0000000  }
0x3: {  	_ = 	snop  }
0x4: {  	_ = 	snop  }
0x5: {  	_ = 	snop  }
0x6: {  	_ = 	snop  }
0x7: {  	_ = 	snop  }
__scs_overlays_trampoline_lowered:
0x8: {  	[smem:$0x3F96] =	sst s0  }
0x9: {  	[smem:$0x3F97] =	sst s1  }
0xa: {  	[smem:$0x3F98] =	sst s2  }
0xb: {  	[smem:$0x3F99] =	sst s3  }
0xc: {  	[smem:$0x3F9A] =	sst s4  }
0xd: {  	[smem:$0x3F9B] =	sst s5  }
0xe: {  	[smem:$0x3F9C] =	sst s6  }
0xf: {  	[smem:$0x3F9D] =	sst s7  }
0x10: {  	[smem:$0x3F9E] =	sst s8  }
0x11: {  	[smem:$0x3F9F] =	sst s9;
	s0 =	simm.s32 @!p0 $0x0  }
0x12: {  	s1 =	sld [smem:$0x3F85];
	s0 =	simm.s32 @p0 $0x1  }
0x13: {  	[smem:$0x3FA0] =	sst s0;
	s0 =	simm.s32 @!p1 $0x0  }
0x14: {  	s2 =	sld [smem:$0x3F84];
	s0 =	simm.s32 @p1 $0x1  }
0x15: {  	[smem:$0x3FA1] =	sst s0;
	s0 =	simm.s32 @!p2 $0x0  }
0x16: {  	s3 =	sld [smem:$0x3FDB];
	s0 =	simm.s32 @p2 $0x1  }
0x17: {  	s4 =	simm.s32 $0x1BF5;
	[smem:$0x3FA3] =	sst s0  }
0x18: {  	s0 =	sld [smem:$0x3F86];
	_ =	swait.ge [sflag:s4], $0x0  }
0x19: {  	s7 =	sld [smem:$0x3F87]  }
0x1a: {  	s8 =	sadd.s32 $0xFFFFE003, lr  }
0x1b: {  	s9 =	sadd.s32 $0xFFFFFEF7, lr;
	s5 =	simm.s32 $0xFFFFFFFF;
	p2 =	slt.u32 s8, $0xFFFFF086  }
0x1c: {  	p1 =	slt.u32 s9, $0xF7A;
	s5 =	simm.s32 @!p2 $0x0  }
0x1d: {  	s5 =	simm.s32 @p1 $0x1;
	p0 =	seq.s32 s7, s2  }
0x1e: {  	s7 =	smul.u32 @!p0 $0xF7A, s2;
	p2 =	seq.s32 @!p0 s5, $0x0  }
0x1f: {  	s9 =	smul.u32 $0xF7A, s1;
	s8 =	simm.s32 @!p0 $0x1BF5;
	p2 =	por !p2, p0  }
0x20: {  	[sflag:s8] =	ssyncset.s32 @!p0 $0xFFFFF086;
	s6 =	sadd.s32 @!p0 s3, s7;
	s7 =	simm.s32 @!p0 $0x108  }
0x21: {  	s3 =	sadd.s32 s3, s9;
	s6 =	sadd.s32 @!p0 $0x88, s6;
	s7 =	simm.s32 @p2 $0x1082  }
0x22: {  	[simem:s7], [sflag:s8] =	dma.local @!p0 [hbm:s6], $0xF7A  }
0x23: {  	s9 =	sor.u32 $0xD0000000, s2;
	s6 =	simm.s32 $0x108;
	_ =	swait.ge @!p0 [sflag:s8], $0x0  }
0x24: {  	s3 =	sadd.s32 $0x88, s3;
	s6 =	simm.s32 @!p1 $0x1082;
	[sflag:s4] =	ssyncset.s32 $0xFFFFF086  }
0x25: {  	[simem:s6], [sflag:s4] =	dma.local [hbm:s3], $0xF7A  }
0x26: {  	[smem:$0x3F87] =	sst s1;
	(tag) =	ssettag s2;
	_ =	strace s9  }
0x27: {  	s1 =	sld [smem:$0x3F97]  }
0x28: {  	s2 =	sld [smem:$0x3F98]  }
0x29: {  	s4 =	sld [smem:$0x3F9A]  }
0x2a: {  	p0 =	seq.s32 s5, $0x0;
	s5 =	sld [smem:$0x3F9B]  }
0x2b: {  	s6 =	sld [smem:$0x3F9C]  }
0x2c: {  	s7 =	sld [smem:$0x3F9D]  }
0x2d: {  	s3 =	simm.s32 $0x108;
	s8 =	sld [smem:$0x3F9E]  }
0x2e: {  	s3 =	simm.s32 @!p0 $0x1082;
	s9 =	sld [smem:$0x3F9F]  }
0x2f: {  	lr =	sadd.s32 s0, s3;
	s0 =	sld [smem:$0x3F96]  }
0x30: {  	s3 =	sld [smem:$0x3F99]  }
0x31: {  	[smem:$0x3FA2] =	sst s10  }
0x32: {  	s10 =	sld [smem:$0x3FA0];
	_ =	sdelay $0x3  }
0x33: {  	p0 =	seq.s32 s10, $0x1;
	s10 =	sld [smem:$0x3FA2];
	_ =	sdelay $0x3  }
0x34: {  	[smem:$0x3FA2] =	sst s10  }
0x35: {  	s10 =	sld [smem:$0x3FA1];
	_ =	sdelay $0x3  }
0x36: {  	p1 =	seq.s32 s10, $0x1;
	s10 =	sld [smem:$0x3FA2];
	_ =	sdelay $0x3  }
0x37: {  	[smem:$0x3FA2] =	sst s10  }
0x38: {  	s10 =	sld [smem:$0x3FA3]  }
0x39: {  	_ = 	snop;
	(pc) =	sbr.ind lr, $3  }
0x3a: {  	_ = 	snop  }
0x3b: {  	_ = 	snop  }
0x3c: {  	p2 =	seq.s32 s10, $0x1;
	s10 =	sld [smem:$0x3FA2]  }
0x3d: {  	_ =	shalt  }
0x3e: {  	_ =	shalt  }
0x3f: {  	_ =	shalt  }
0x40: {  	_ =	shalt  }
0x41: {  	_ =	shalt  }
0x42: {  	_ =	shalt  }
0x43: {  	_ =	shalt  }
0x44: {  	_ =	shalt  }
0x45: {  	_ =	shalt  }
0x46: {  	_ =	shalt  }
0x47: {  	_ =	shalt  }
0x48: {  	_ =	shalt  }
0x49: {  	_ =	shalt  }
0x4a: {  	_ =	shalt  }
0x4b: {  	_ =	shalt  }
0x4c: {  	_ =	shalt  }
0x4d: {  	_ =	shalt  }
0x4e: {  	_ =	shalt  }
0x4f: {  	_ =	shalt  }
0x50: {  	_ =	shalt  }
0x51: {  	_ =	shalt  }
0x52: {  	_ =	shalt  }
0x53: {  	_ =	shalt  }
0x54: {  	_ =	shalt  }
0x55: {  	_ =	shalt  }
0x56: {  	_ =	shalt  }
0x57: {  	_ =	shalt  }
0x58: {  	_ =	shalt  }
0x59: {  	_ =	shalt  }
0x5a: {  	_ =	shalt  }
0x5b: {  	_ =	shalt  }
0x5c: {  	_ =	shalt  }
0x5d: {  	_ =	shalt  }
0x5e: {  	_ =	shalt  }
0x5f: {  	_ =	shalt  }
0x60: {  	_ =	shalt  }
0x61: {  	_ =	shalt  }
0x62: {  	_ =	shalt  }
0x63: {  	_ =	shalt  }
0x64: {  	_ =	shalt  }
0x65: {  	_ =	shalt  }
0x66: {  	_ =	shalt  }
0x67: {  	_ =	shalt  }
0x68: {  	_ =	shalt  }
0x69: {  	_ =	shalt  }
0x6a: {  	_ =	shalt  }
0x6b: {  	_ =	shalt  }
0x6c: {  	_ =	shalt  }
0x6d: {  	_ =	shalt  }
0x6e: {  	_ =	shalt  }
0x6f: {  	_ =	shalt  }
0x70: {  	_ =	shalt  }
0x71: {  	_ =	shalt  }
0x72: {  	_ =	shalt  }
0x73: {  	_ =	shalt  }
0x74: {  	_ =	shalt  }
0x75: {  	_ =	shalt  }
0x76: {  	_ =	shalt  }
0x77: {  	_ =	shalt  }
0x78: {  	_ =	shalt  }
0x79: {  	_ =	shalt  }
0x7a: {  	_ =	shalt  }
0x7b: {  	_ =	shalt  }
0x7c: {  	_ =	shalt  }
0x7d: {  	_ =	shalt  }
0x7e: {  	_ =	shalt  }
0x7f: {  	_ =	shalt  }
0x80: {  	_ =	shalt  }
0x81: {  	_ =	shalt  }
0x82: {  	_ =	shalt  }
0x83: {  	_ =	shalt  }
0x84: {  	_ =	shalt  }
0x85: {  	_ =	shalt  }
0x86: {  	_ =	shalt  }
0x87: {  	_ =	shalt  }
.Lfunc_end0:
.L_simem_size_0:
called_computation.1_lowered:
.L_overlay_start_0:
0x88: {  	s2 =	sld [smem:$0x3FD9]  }
0x89: {  	s3 =	sld [smem:$0x3FFE];
	_ =	sdelay $0x1  }
0x8a: {  	s1 =	srdreg.scid  }
0x8b: {  	s0 =	sand.u32 $0x1, s1  }
0x8c: {  	s16 =	sshll.u32 s0, $0xA;
	s2 =	sadd.s32 s3, s2  }
0x8d: {  	s2 =	sadd.s32 s2, s16  }
0x8e: {  	[smem:$0x3FAE] =	sst s2  }
0x8f: {  	_ = 	snop  }
0x90: {  	(tm) =	ssettm $0x1  }
0x91: {  	s17 =	sld [smem:$0x3FFB];
	_ =	sdelay $0x3  }
0x92: {  	_ =	strace s17  }
0x93: {  	s2 =	sld [smem:$0x3FFC];
	_ =	sdelay $0x3  }
0x94: {  	_ =	strace s2  }
0x95: {  	s2 =	sld [smem:$0x3FFD];
	_ =	sdelay $0x3  }
0x96: {  	_ =	strace s2  }
0x97: {  	_ =	strace $0x8FFFFFFF  }
0x98: {  	s18 =	sld [smem:$0x3FDB];
	_ =	sdelay $0x1  }
0x99: {  	s19 =	simm.s32 $_scs_section_size  }
0x9a: {  	s4 =	simm.s32 $_size__tile_overlayer_lowered;
	s5 =	simm.s32 $_tile_overlayer_lowered  }
0x9b: {  	s22 =	simm.s32 $0x1BFF;
	s21 =	sshll.u32 s5, $0x1;
	s2 =	sadd.s32 s19, s18  }
0x9c: {  	s6 =	simm.s32 $0x0;
	s20 =	sshll.u32 s4, $0x1;
	s4 =	sadd.s32 s21, s2  }
0x9d: {  	[timem:s6], [sflag:s22] =	dma.local [hbm:s4], s20  }
0x9e: {  	_ =	swait.ge [sflag:s22], s20  }
0x9f: {  	s3 =	ssub.s32 $0x0, s20;
	[sflag:s22] =	ssyncset.done $0x0  }
0xa0: {  	[sflag:s22] =	ssyncadd.s32 s3;
	_ =	sdelay $0x1  }
0xa1: {  	s23 =	simm.s32 $0x1B8B  }
0xa2: {  	_ =	swait.ge [sflag:s23], $0x1  }
0xa3: {  	[sflag:s23] =	ssyncset.done $0x0  }
0xa4: {  	s25 =	simm.s32 $0x1B8E;
	s24 =	sld [smem:$0x3FFE];
	[sflag:s23] =	ssyncadd.s32 $0xFFFFFFFF  }
0xa5: {  	s26 =	simm.s32 $execute0_lowered;
	[smem:$0x3FD2] =	sst s25  }
0xa6: {  	s4 =	sshll.u32 s26, $0x1;
	_ =	strace $0x80000049;
	[dreg:$0x1] =	wrdreg $0xFFFFFFFF  }
0xa7: {  	s28 =	simm.s32 $_size_execute0_lowered;
	s2 =	sadd.s32 s2, s4;
	[dreg:$0x0] =	wrdreg $0x0  }
0xa8: {  	s4 =	sshll.u32 s28, $0x1;
	[dreg:$0x2] =	wrdreg s2  }
0xa9: {  	[dreg:$0x3] =	wrdreg s4  }
0xaa: {  	[dreg:$0x4] =	wrdreg $0xC0  }
0xab: {  	_ =	task [dreg:s6], $0x5FFFF  }
0xac: {  	[dreg:$0x1] =	wrdreg $0xFFFFFFFF  }
0xad: {  	[dreg:$0x0] =	wrdreg $0x60  }
0xae: {  	[dreg:$0x2] =	wrdreg s24  }
0xaf: {  	[dreg:$0x3] =	wrdreg $0x61F80  }
0xb0: {  	[dreg:$0x4] =	wrdreg $0x1A1F80  }
0xb1: {  	[dreg:$0x5] =	wrdreg $0x9  }
0xb2: {  	_ =	task.clear_ibuf [dreg:s6], $0x6FFFF;
	_ =	strace $0x90000049  }
0xb3: {  	s29 =	simm.s32 $0x9;
	_ =	strace $0x8000004B  }
0xb4: {  	_ =	swait.ge [sflag:s29], $0x1  }
0xb5: {  	[sflag:s29] =	ssyncadd.s32 $0xFFFFFFFF  }
0xb6: {  	_ =	strace $0x9000004B  }
0xb7: {  	_ =	sfence  }
0xb8: {  	s30 =	sld [smem:$0x0];
	_ =	sdelay $0x2  }
0xb9: {  	s31 =	sshll.u32 s1, $0xD;
	s1 =	sshrl.u32 s1, $0x2  }
0xba: {  	s3 =	sand.u32 $0x4000, s31;
	s1 =	sadd.s32 s1, s30  }
0xbb: {  	s0 =	sor.u32 s3, s0;
	s1 =	sshll.u32 s1, $0x11  }
0xbc: {  	s0 =	sor.u32 s1, s0  }
0xbd: {  	s0 =	sadd.s32 $0x8F2B, s0  }
0xbe: {  	[sflag:s0] =	ssyncadd.remote.s32 $0x1  }
0xbf: {  	_ =	sfence.sel $0xFFFF  }
0xc0: {  	[dreg:$0x0] =	wrdreg $0xFFFFFFFF;
	(pc) =	sbr.abs _section_cstart, $3  }
0xc1: {  	[dreg:$0x1] =	wrdreg $0xFFFFFFFF  }
0xc2: {  	_ =	task.clear_ibuf [dreg:s6], $0x2FFFF;
	_ =	strace $0x9FFFFFFF  }
0xc3: {  	(tm) =	ssettm $0x7FFFFFFF  }
tec
execute0_lowered:
.L_overlay_start_1:
0x0: {  	(tag) =	ssettag $0x1  }
0x1: {  	s0 =	rddreg [dreg:$0x0]  }
0x2: {  	s1 =	rddreg [dreg:$0x1]  }
0x3: {  	s2 =	rddreg [dreg:$0x2];
	s3 =	simm.s32 $0x0  }
0x4: {  	s18 =	stileid.u32;
	s4 =	srdreg.scid;
	s20 =	simm.s32 $0x1  }
0x5: {  	s28 =	simm.s32 $0x13C8;
	s29 =	simm.s32 $0x1B98;
	s30 =	simm.s32 $0x5A18  }
0x6: {  	s31 =	simm.s32 $0x0;
	[smem:$0x7FF] =	sst s3;
	s5 =	sadd.s32 $0x3200, s0  }
0x7: {  	s6 =	sadd.s32 $0x2F400, s0;
	s7 =	sadd.s32 $0x2A400, s0;
	s22 =	smul.u32 $0x14000, s18  }
0x8: {  	s8 =	sadd.s32 $0x3E400, s0;
	s11 =	smul.u32 $0x2800, s18;
	s4 =	sand.u32 $0x1, s4  }
0x9: {  	s9 =	sadd.s32 $0x34400, s0;
	s10 =	sadd.s32 $0x48400, s0;
	s13 =	sadd.s32 $0xD9400, s0  }
0xa: {  	s17 =	sshll.u32 s18, $0x1;
	s25 =	sshll.u32 s18, $0x6;
	s12 =	smul.u32 $0x140000, s4  }
0xb: {  	_ =	strace $0x8000004A;
	[dreg:$0x4] =	wrdreg s13;
	s14 =	smul.u32 $0x28000, s4  }
0xc: {  	s16 =	ssub.s32 $0x2, s4;
	s4 =	sor.u32 s4, s17;
	s23 =	sshrl.u32 s22, $0x3  }
0xd: {  	s15 =	sshrl.u32 s11, $0x3;
	s24 =	sshrl.u32 s16, $0x1;
	s3 =	sadd.s32 s22, s1  }
0xe: {  	s13 =	sadd.s32 s23, s0;
	s12 =	sadd.s32 s22, s12;
	s15 =	sadd.s32 s15, s0  }
0xf: {  	s14 =	sadd.s32 s11, s14;
	s11 =	sadd.s32 s11, s2;
	s19 =	sshrl.u32 s3, $0x3  }
0x10: {  	s23 =	simm.s32 $0x400;
	s12 =	sshrl.u32 s12, $0x3;
	s14 =	sshrl.u32 s14, $0x3  }
0x11: {  	s13 =	sadd.s32 $0x52400, s13;
	s15 =	sadd.s32 $0x7A400, s15;
	s21 =	sshrl.u32 s11, $0x3  }
0x12: {  	s12 =	sadd.s32 s12, s0;
	s0 =	sadd.s32 s14, s0;
	[dreg:$0x5] =	wrdreg s13  }
0x13: {  	s14 =	ssub.s32 s16, s24;
	s13 =	sor.u32 $0x1C01, s25;
	[dreg:$0x6] =	wrdreg s15  }
0x14: {  	s15 =	smul.u32 $0x50, s4;
	s24 =	simm.s32 $0x800;
	s26 =	sadd.s32 $0x100800, s12  }
0x15: {  	vm0 =	vcmask $0x2320;
	v1 =	vimm.f32 $0.0e+00;
	vm1 =	vcmask $0x2724;
	s25 =	simm.s32 $0x7D;
	s0 =	sadd.s32 $0xCD800, s0;
	[dreg:$0x7] =	wrdreg s26  }
0x16: {  	v0 =	vsel vm0, $0x3F800000, v1;
	v1 =	vsel vm1, $0x3F800000, v1;
	vm0 =	vmmov $0xff;
	s18 =	smax.u32 s14, $0x1;
	[dreg:$0x8] =	wrdreg s0;
	s26 =	simm.s32 $0xBF8  }
.LBB2_1:
0x17: {  	s0 =	rddreg [dreg:$0x5]  }
0x18: {  	[spmem:s19], [sflag:s13] =	dma.local [hbm:s0], $0x2800  }
0x19: {  	_ =	swait.ge [sflag:s20], $0x2800  }
0x1a: {  	[sflag:s20] =	ssyncset.done $0x0  }
0x1b: {  	s17 =	rddreg [dreg:$0x6];
	[sflag:s20] =	ssyncadd.s32 $0xFFFFD800  }
0x1c: {  	[spmem:s21], [sflag:s13] =	dma.local [hbm:s17], $0x500  }
0x1d: {  	_ =	swait.ge [sflag:s20], $0x500  }
0x1e: {  	s22 =	simm.s32 $0x0;
	[sflag:s20] =	ssyncset.done $0x0  }
0x1f: {  	s4 =	simm.s32 $0x61E8;
	s3 =	rddreg [dreg:$0x4];
	[sflag:s20] =	ssyncadd.s32 $0xFFFFFB00  }
0x20: {  	[tilespmem:s4], [sflag:$0x1] =	stream.linear.gather [hbm4b:s3+s22], $0x10, $0x38;
	[tilespmem:$0x1C9F8] =	vst v63  }
0x21: {  	_ =	swait.ge [sflag:s20], $0x10  }
0x22: {  	[sflag:s20] =	ssyncset.done $0x0  }
0x23: {  	[sflag:s20] =	ssyncadd.s32 $0xFFFFFFF0  }
0x24: {  	[bflag:$0x0] =	sbarrier.arrive $0xFFFF  }
0x25: {  	s0 =	simm.s32 $0x0;
	v2 =	vld [tilespmem:$0x61E8]  }
.LBB2_2:
0x26: {  	s3 =	sshll.u32 s0, $0x3  }
0x27: {  	s3 =	sadd.s32 s15, s3  }
0x28: {  	s4 =	sshll.u32 s3, $0x4  }
0x29: {  	s14 =	simm.s32 $0x0;
	s11 =	sadd.s32 s8, s4  }
0x2a: {  	[tilespmem:s14], [sflag:$0x1] =	stream.linear.gather [hbm4b:s11+s14], $0x400, $0x38;
	[tilespmem:$0x1C9F8] =	vst v63  }
0x2b: {  	_ =	swait.ge [sflag:s20], $0x400  }
0x2c: {  	[sflag:s20] =	ssyncset.done $0x0  }
0x2d: {  	s3 =	smul.u32 $0x7D, s3;
	s4 =	sadd.s32 s9, s4;
	[sflag:s20] =	ssyncadd.s32 $0xFFFFFC00  }
0x2e: {  	[tilespmem:s23], [sflag:$0x1] =	stream.linear.gather [hbm4b:s4+s14], $0x400, $0x38;
	[tilespmem:$0x1C9F8] =	vst v63  }
0x2f: {  	_ =	swait.ge [sflag:s20], $0x400  }
0x30: {  	s3 =	sshrl.u32 s3, $0x3;
	[sflag:s20] =	ssyncset.done $0x0  }
0x31: {  	s3 =	sadd.s32 s10, s3;
	[sflag:s20] =	ssyncadd.s32 $0xFFFFFC00  }
0x32: {  	[tilespmem:s24], [sflag:$0x1] =	stream.linear.gather [hbm4b:s3+s14], $0x3E8, $0x38;
	[tilespmem:$0x1C9F8] =	vst v63  }
0x33: {  	_ =	swait.ge [sflag:s20], $0x3E8  }
0x34: {  	[sflag:s20] =	ssyncset.done $0x0  }
0x35: {  	s3 =	simm.s32 $0x0;
	[sflag:s20] =	ssyncadd.s32 $0xFFFFFC18  }
.LBB2_3:
0x36: {  	s4 =	sshll.u32 s3, $0x7  }
0x37: {  	[tilespmem:s26], [sflag:$0x1] =	stream.indirect.gather [hbm4b:s6+s25], $0x10, s4, s25, $0xb8;
	[tilespmem:$0x1C9F8] =	vst v63  }
0x38: {  	_ =	swait.ge [sflag:s20], $0x7D0  }
0x39: {  	[sflag:s20] =	ssyncset.done $0x0  }
0x3a: {  	s22 =	sadd.s32 $0x400, s4;
	[sflag:s20] =	ssyncadd.s32 $0xFFFFF830  }
0x3b: {  	[tilespmem:s28], [sflag:$0x1] =	stream.indirect.gather [hbm4b:s7+s25], $0x10, s22, s25, $0xb8;
	[tilespmem:$0x1C9F8] =	vst v63  }
0x3c: {  	_ =	swait.ge [sflag:s20], $0x7D0  }
0x3d: {  	[sflag:s20] =	ssyncset.done $0x0  }
0x3e: {  	[sflag:s20] =	ssyncadd.s32 $0xFFFFF830  }
0x3f: {  	v3 =	vmov s14;
	[tilespmem:s29], [sflag:$0x1] =	stream.indirect.gather [hbm4b:s5+s25], $0x80, s4, s25, $0xb8;
	[tilespmem:$0x1C9F8] =	vst v63  }
0x40: {  	_ =	swait.ge [sflag:s20], $0x3E80  }
0x41: {  	[sflag:s20] =	ssyncset.done $0x0  }
0x42: {  	s17 =	simm.s32 $0x0;
	[sflag:s20] =	ssyncadd.s32 $0xFFFFC180  }
0x43: {  	v4 =	vld [tilespmem:s17+$0x13C8]  }
0x44: {  	v3 =	vld.idx.msk [tilespmem:v3+s24+$0x0], $0xffff  }
0x45: {  	v5 =	vld [tilespmem:s17+$0xBF8];
	_ =	sdelay $0x4  }
0x46: {  	v4 =	vadd.f32 v4, v5;
	v5 =	vmul.f32 v3, v2;
	_ =	sdelay $0x1  }
0x47: {  	v4 =	vadd.f32 v4, v5;
	_ =	sdelay $0x1  }
0x48: {  	v5 =	vmul.f32 $2.000000030e-01, v4  }
0x49: {  	vm1 =	vgt.f32 v4, $0.0e+00  }
0x4a: {  	v4 =	vsel vm1, v4, v5  }
0x4b: {  	v4 =	vmin.f32 v4, $6.000000000e+01  }
0x4c: {  	v4 =	vmul.f32 $1.442695020e+00, v4;
	_ =	sdelay $0x1  }
0x4d: {  	(erf) = vpow2.f32 v4;
	_ =	sdelay $0x4  }
0x4e: {  	v3 =	vmul.f32 v0, v3;
	_ =	sdelay $0x2  }
0x4f: {  	v4 =	vadd.f32 v1, v3  }
0x50: {  	v3 =	vpop (erf)  }
0x51: {  	v4 =	vsel vm0, v3, v4  }
0x52: {  	s11 =	simm.s32 $0x1BD8;
	[tilespmem:s17+$0x5A18] =	vst v4  }
0x53: {  	v6 =	vld [tilespmem:s11+$0x30]  }
0x54: {  	v10 =	vld [tilespmem:s11+$0xFFFFFFE0]  }
0x55: {  	v9 =	vld [tilespmem:s11+$0x10]  }
0x56: {  	v11 =	vbroadcast v3, $0x7;
	v7 =	vld [tilespmem:s11+$0x20]  }
0x57: {  	v14 =	vbroadcast v3, $0x2;
	v12 =	vbroadcast v3, $0x5;
	v8 =	vld [tilespmem:s11+$0xFFFFFFD0]  }
0x58: {  	v4 =	vbroadcast v3, $0x1;
	v5 =	vld [tilespmem:s11+$0x0];
	v13 =	vmul.f32 v6, v11  }
0x59: {  	s12 =	simm.s32 $0x40;
	s16 =	simm.s32 $0x1BD8;
	s4 =	smov.u32 s14;
	v10 =	vmul.f32 v14, v10;
	v6 =	vld [tilespmem:s11+$0xFFFFFFF0];
	v11 =	vbroadcast v3, $0x6  }
.LBB2_4:
0x5a: {  	p0 =	sne.s32 s12, $0x1F00;
	v14 =	vld [tilespmem:s11+$0xFFFFFFC0];
	v9 =	vmul.f32 v9, v12;
	[tilespmem:s11+$0x30] =	vst v13;
	s4 =	sadd.s32 $0x1, s4;
	s16 =	sadd.s32 $0x80, s16  }
0x5b: {  	s17 =	smov.u32 s12;
	s12 =	sadd.s32 $0x40, s12;
	[tilespmem:s11+$0xFFFFFFE0] =	vst v10;
	v10 =	vbroadcast v3, $0x4;
	v7 =	vmul.f32 v7, v11  }
0x5c: {  	v4 =	vmul.f32 v4, v8;
	v8 =	vbroadcast v3, $0x3;
	[tilespmem:s11+$0x10] =	vst v9  }
0x5d: {  	v3 =	vbroadcast v3, $0x0;
	v5 =	vmul.f32 v5, v10;
	[tilespmem:s11+$0x20] =	vst v7  }
0x5e: {  	v7 =	vmov s4;
	[tilespmem:s11+$0xFFFFFFD0] =	vst v4;
	v4 =	vmul.f32 v8, v6  }
0x5f: {  	v3 =	vmul.f32 v3, v14;
	[tilespmem:s11+$0x0] =	vst v5  }
0x60: {  	[tilespmem:s11+$0xFFFFFFF0] =	vst v4  }
0x61: {  	s17 =	sshra.s32 s17, $0x2;
	[tilespmem:s11+$0xFFFFFFC0] =	vst v3;
	s11 =	smov.u32 s16  }
0x62: {  	v3 =	vld [tilespmem:s17+$0x13C8]  }
0x63: {  	v4 =	vld.idx.msk [tilespmem:v7+s24+$0x0], $0xffff  }
0x64: {  	v5 =	vld [tilespmem:s17+$0xBF8];
	_ =	sdelay $0x4  }
0x65: {  	v3 =	vadd.f32 v3, v5;
	v5 =	vmul.f32 v4, v2;
	v4 =	vmul.f32 v0, v4;
	_ =	sdelay $0x1  }
0x66: {  	v3 =	vadd.f32 v3, v5;
	_ =	sdelay $0x1  }
0x67: {  	v5 =	vmul.f32 $2.000000030e-01, v3  }
0x68: {  	vm1 =	vgt.f32 v3, $0.0e+00  }
0x69: {  	v3 =	vsel vm1, v3, v5  }
0x6a: {  	v3 =	vmin.f32 v3, $6.000000000e+01  }
0x6b: {  	v3 =	vmul.f32 $1.442695020e+00, v3;
	_ =	sdelay $0x1  }
0x6c: {  	(erf) = vpow2.f32 v3;
	_ =	sdelay $0x7  }
0x6d: {  	v4 =	vadd.f32 v1, v4  }
0x6e: {  	v3 =	vpop (erf)  }
0x6f: {  	v5 =	vsel vm0, v3, v4;
	v4 =	vbroadcast v3, $0x1  }
0x70: {  	[tilespmem:s17+$0x5A18] =	vst v5  }
0x71: {  	v6 =	vld [tilespmem:s16+$0x30]  }
0x72: {  	v10 =	vld [tilespmem:s16+$0xFFFFFFE0]  }
.Ltmp0:
0x73: {  	v9 =	vld [tilespmem:s16+$0x10];
	(pc) =	sbr.rel @p0 .LBB2_4-.Ltmp0, $4  }
0x74: {  	v11 =	vbroadcast v3, $0x7;
	v7 =	vld [tilespmem:s16+$0x20]  }
0x75: {  	v14 =	vbroadcast v3, $0x2;
	v8 =	vld [tilespmem:s16+$0xFFFFFFD0]  }
0x76: {  	v12 =	vbroadcast v3, $0x5;
	v5 =	vld [tilespmem:s16+$0x0];
	v13 =	vmul.f32 v6, v11  }
0x77: {  	v11 =	vbroadcast v3, $0x6;
	v10 =	vmul.f32 v14, v10;
	v6 =	vld [tilespmem:s16+$0xFFFFFFF0]  }
0x78: {  	v14 =	vld [tilespmem:s11+$0xFFFFFFC0];
	v9 =	vmul.f32 v9, v12;
	[tilespmem:s11+$0x30] =	vst v13  }
0x79: {  	v61 =	vbroadcast v3, $0x4;
	[tilespmem:s11+$0xFFFFFFE0] =	vst v10;
	v7 =	vmul.f32 v7, v11  }
0x7a: {  	v62 =	vbroadcast v3, $0x3;
	v4 =	vmul.f32 v4, v8;
	[tilespmem:s11+$0x10] =	vst v9  }
0x7b: {  	v3 =	vbroadcast v3, $0x0;
	v5 =	vmul.f32 v5, v61;
	[tilespmem:s11+$0x20] =	vst v7  }
0x7c: {  	[tilespmem:s11+$0xFFFFFFD0] =	vst v4;
	v63 =	vmul.f32 v62, v6  }
0x7d: {  	v3 =	vmul.f32 v3, v14;
	[tilespmem:s11+$0x0] =	vst v5  }
0x7e: {  	[tilespmem:s11+$0xFFFFFFF0] =	vst v63  }
0x7f: {  	[tilespmem:s11+$0xFFFFFFC0] =	vst v3  }
0x80: {  	[spmem:s2] =	stream.indirect.scatter.add.f32 [tilespmem:s30], [sflag:$0x1], $0x10, s22, s25, $0xb8;
	[tilespmem:$0x1C9F8] =	vst v63  }
0x81: {  	s3 =	sadd.s32 $0x1, s3;
	_ =	swait.ge [sflag:s20], $0x7D0  }
0x82: {  	p0 =	sne.s32 s3, $0x8;
	[sflag:s20] =	ssyncset.done $0x0  }
.Ltmp1:
0x83: {  	[sflag:s20] =	ssyncadd.s32 $0xFFFFF830;
	(pc) =	sbr.rel @p0 .LBB2_3-.Ltmp1, $4  }
0x84: {  	[spmem:s1] =	stream.indirect.scatter.add.f32 [tilespmem:s29], [sflag:$0x1], $0x80, s22, s25, $0xb8;
	[tilespmem:$0x1C9F8] =	vst v63  }
0x85: {  	_ =	swait.ge [sflag:s20], $0x3E80  }
0x86: {  	[sflag:s20] =	ssyncset.done $0x0  }
0x87: {  	s14 =	sadd.s32 $0x7D, s14;
	[sflag:s20] =	ssyncadd.s32 $0xFFFFC180  }
0x88: {  	s0 =	sadd.s32 $0x1, s0  }
0x89: {  	p0 =	sne.s32 s0, $0xA  }
.Ltmp2:
0x8a: {  	_ = 	snop;
	(pc) =	sbr.rel @p0 .LBB2_2-.Ltmp2, $1  }
0x8b: {  	_ =	sdelay $0x3  }
0x8c: {  	[bflag:$0x0] =	sbarrier.arrive $0xFFFF  }
0x8d: {  	s0 =	rddreg [dreg:$0x7]  }
0x8e: {  	[hbm:s0], [sflag:s13] =	dma.local [spmem:s19], $0x2800  }
0x8f: {  	s31 =	sadd.s32 $0x1, s31;
	_ =	swait.ge [sflag:s20], $0x2800  }
0x90: {  	p0 =	sne.s32 s31, s18;
	[sflag:s20] =	ssyncset.done $0x0  }
.Ltmp3:
0x91: {  	s22 =	rddreg [dreg:$0x8];
	[sflag:s20] =	ssyncadd.s32 $0xFFFFD800;
	(pc) =	sbr.rel @p0 .LBB2_1-.Ltmp3, $4  }
0x92: {  	[hbm:s22], [sflag:s13] =	dma.local [spmem:s21], $0x500  }
0x93: {  	_ =	swait.ge [sflag:s20], $0x500  }
0x94: {  	[sflag:s20] =	ssyncset.done $0x0  }
0x95: {  	[sflag:s20] =	ssyncadd.s32 $0xFFFFFB00  }
0x96: {  	_ =	sfence.sel $0x180000  }
0x97: {  	[bflag:$0x0] =	sbarrier.arrive $0xFFFF  }
0x98: {  	_ =	strace $0x9000004A  }
0x99: {  	s0 =	stileid.u32;
	[bflag:$0x2] =	sbarrier.arrive $0xFFFF  }
0x9a: {  	p0 =	sne.s32 s0, $0x0;
	s0 =	rddreg [dreg:$0x3]  }
0x9b: {  	s0 =	sadd.s32 @!p0 $0x100000, s0  }
0x9c: {  	[sflag:s0] =	ssyncadd.tile.s32 @!p0 $0x1;
	_ =	shalt  }
.Lfunc_end2:
_tile_overlayer_lowered:
.L_overlay_start_2:
0x9d: {  	(tag) =	ssettag $0x2  }
0x9e: {  	s0 =	rddreg [dreg:$0x0];
	s2 =	stileid.u32  }
0x9f: {  	s1 =	rddreg [dreg:$0x1];
	p0 =	sne.s32 s2, $0x0  }
0xa0: {  	s3 =	rddreg [dreg:$0x2];
	[bflag:$0x3] =	sbarrier.arrive $0xFFFF;
	s2 =	simm.s32 @!p0 $0x1C01  }
0xa1: {  	[timem:s3], [sflag:s2] =	dma.local @!p0 [hbm:s0], s1  }
0xa2: {  	s0 =	simm.s32 @!p0 $0x1  }
0xa3: {  	_ =	swait.ge @!p0 [sflag:s0], s1  }
0xa4: {  	s1 =	ssub.s32 @!p0 $0x0, s1;
	[sflag:s0] =	ssyncset.done @!p0 $0x0  }
0xa5: {  	[sflag:s0] =	ssyncadd.s32 @!p0 s1  }
0xa6: {  	[bflag:$0x3] =	sbarrier.arrive $0xFFFF  }
0xa7: {  	_ =	shalt  }

// kernel: kernel.15.cloned.1.call-start
scs
__scs_entry_jumppad:
0x0: {  	(pc) =	sbr.rel $0x88, $3  }
0x1: {  	(tag) =	ssettag $0x0;
	lr =	simm.s32 $0x1  }
0x2: {  	[smem:$0x3F87] =	sst lr;
	_ =	strace $0xD0000000  }
0x3: {  	_ = 	snop  }
0x4: {  	_ = 	snop  }
0x5: {  	_ = 	snop  }
0x6: {  	_ = 	snop  }
0x7: {  	_ = 	snop  }
__scs_overlays_trampoline_lowered:
0x8: {  	[smem:$0x3F96] =	sst s0  }
0x9: {  	[smem:$0x3F97] =	sst s1  }
0xa: {  	[smem:$0x3F98] =	sst s2  }
0xb: {  	[smem:$0x3F99] =	sst s3  }
0xc: {  	[smem:$0x3F9A] =	sst s4  }
0xd: {  	[smem:$0x3F9B] =	sst s5  }
0xe: {  	[smem:$0x3F9C] =	sst s6  }
0xf: {  	[smem:$0x3F9D] =	sst s7  }
0x10: {  	[smem:$0x3F9E] =	sst s8  }
0x11: {  	[smem:$0x3F9F] =	sst s9;
	s0 =	simm.s32 @!p0 $0x0  }
0x12: {  	s1 =	sld [smem:$0x3F85];
	s0 =	simm.s32 @p0 $0x1  }
0x13: {  	[smem:$0x3FA0] =	sst s0;
	s0 =	simm.s32 @!p1 $0x0  }
0x14: {  	s2 =	sld [smem:$0x3F84];
	s0 =	simm.s32 @p1 $0x1  }
0x15: {  	[smem:$0x3FA1] =	sst s0;
	s0 =	simm.s32 @!p2 $0x0  }
0x16: {  	s3 =	sld [smem:$0x3FDB];
	s0 =	simm.s32 @p2 $0x1  }
0x17: {  	s4 =	simm.s32 $0x1BF5;
	[smem:$0x3FA3] =	sst s0  }
0x18: {  	s0 =	sld [smem:$0x3F86];
	_ =	swait.ge [sflag:s4], $0x0  }
0x19: {  	s7 =	sld [smem:$0x3F87]  }
0x1a: {  	s8 =	sadd.s32 $0xFFFFE003, lr  }
0x1b: {  	s9 =	sadd.s32 $0xFFFFFEF7, lr;
	s5 =	simm.s32 $0xFFFFFFFF;
	p2 =	slt.u32 s8, $0xFFFFF086  }
0x1c: {  	p1 =	slt.u32 s9, $0xF7A;
	s5 =	simm.s32 @!p2 $0x0  }
0x1d: {  	s5 =	simm.s32 @p1 $0x1;
	p0 =	seq.s32 s7, s2  }
0x1e: {  	s7 =	smul.u32 @!p0 $0xF7A, s2;
	p2 =	seq.s32 @!p0 s5, $0x0  }
0x1f: {  	s9 =	smul.u32 $0xF7A, s1;
	s8 =	simm.s32 @!p0 $0x1BF5;
	p2 =	por !p2, p0  }
0x20: {  	[sflag:s8] =	ssyncset.s32 @!p0 $0xFFFFF086;
	s6 =	sadd.s32 @!p0 s3, s7;
	s7 =	simm.s32 @!p0 $0x108  }
0x21: {  	s3 =	sadd.s32 s3, s9;
	s6 =	sadd.s32 @!p0 $0x88, s6;
	s7 =	simm.s32 @p2 $0x1082  }
0x22: {  	[simem:s7], [sflag:s8] =	dma.local @!p0 [hbm:s6], $0xF7A  }
0x23: {  	s9 =	sor.u32 $0xD0000000, s2;
	s6 =	simm.s32 $0x108;
	_ =	swait.ge @!p0 [sflag:s8], $0x0  }
0x24: {  	s3 =	sadd.s32 $0x88, s3;
	s6 =	simm.s32 @!p1 $0x1082;
	[sflag:s4] =	ssyncset.s32 $0xFFFFF086  }
0x25: {  	[simem:s6], [sflag:s4] =	dma.local [hbm:s3], $0xF7A  }
0x26: {  	[smem:$0x3F87] =	sst s1;
	(tag) =	ssettag s2;
	_ =	strace s9  }
0x27: {  	s1 =	sld [smem:$0x3F97]  }
0x28: {  	s2 =	sld [smem:$0x3F98]  }
0x29: {  	s4 =	sld [smem:$0x3F9A]  }
0x2a: {  	p0 =	seq.s32 s5, $0x0;
	s5 =	sld [smem:$0x3F9B]  }
0x2b: {  	s6 =	sld [smem:$0x3F9C]  }
0x2c: {  	s7 =	sld [smem:$0x3F9D]  }
0x2d: {  	s3 =	simm.s32 $0x108;
	s8 =	sld [smem:$0x3F9E]  }
0x2e: {  	s3 =	simm.s32 @!p0 $0x1082;
	s9 =	sld [smem:$0x3F9F]  }
0x2f: {  	lr =	sadd.s32 s0, s3;
	s0 =	sld [smem:$0x3F96]  }
0x30: {  	s3 =	sld [smem:$0x3F99]  }
0x31: {  	[smem:$0x3FA2] =	sst s10  }
0x32: {  	s10 =	sld [smem:$0x3FA0];
	_ =	sdelay $0x3  }
0x33: {  	p0 =	seq.s32 s10, $0x1;
	s10 =	sld [smem:$0x3FA2];
	_ =	sdelay $0x3  }
0x34: {  	[smem:$0x3FA2] =	sst s10  }
0x35: {  	s10 =	sld [smem:$0x3FA1];
	_ =	sdelay $0x3  }
0x36: {  	p1 =	seq.s32 s10, $0x1;
	s10 =	sld [smem:$0x3FA2];
	_ =	sdelay $0x3  }
0x37: {  	[smem:$0x3FA2] =	sst s10  }
0x38: {  	s10 =	sld [smem:$0x3FA3]  }
0x39: {  	_ = 	snop;
	(pc) =	sbr.ind lr, $3  }
0x3a: {  	_ = 	snop  }
0x3b: {  	_ = 	snop  }
0x3c: {  	p2 =	seq.s32 s10, $0x1;
	s10 =	sld [smem:$0x3FA2]  }
0x3d: {  	_ =	shalt  }
0x3e: {  	_ =	shalt  }
0x3f: {  	_ =	shalt  }
0x40: {  	_ =	shalt  }
0x41: {  	_ =	shalt  }
0x42: {  	_ =	shalt  }
0x43: {  	_ =	shalt  }
0x44: {  	_ =	shalt  }
0x45: {  	_ =	shalt  }
0x46: {  	_ =	shalt  }
0x47: {  	_ =	shalt  }
0x48: {  	_ =	shalt  }
0x49: {  	_ =	shalt  }
0x4a: {  	_ =	shalt  }
0x4b: {  	_ =	shalt  }
0x4c: {  	_ =	shalt  }
0x4d: {  	_ =	shalt  }
0x4e: {  	_ =	shalt  }
0x4f: {  	_ =	shalt  }
0x50: {  	_ =	shalt  }
0x51: {  	_ =	shalt  }
0x52: {  	_ =	shalt  }
0x53: {  	_ =	shalt  }
0x54: {  	_ =	shalt  }
0x55: {  	_ =	shalt  }
0x56: {  	_ =	shalt  }
0x57: {  	_ =	shalt  }
0x58: {  	_ =	shalt  }
0x59: {  	_ =	shalt  }
0x5a: {  	_ =	shalt  }
0x5b: {  	_ =	shalt  }
0x5c: {  	_ =	shalt  }
0x5d: {  	_ =	shalt  }
0x5e: {  	_ =	shalt  }
0x5f: {  	_ =	shalt  }
0x60: {  	_ =	shalt  }
0x61: {  	_ =	shalt  }
0x62: {  	_ =	shalt  }
0x63: {  	_ =	shalt  }
0x64: {  	_ =	shalt  }
0x65: {  	_ =	shalt  }
0x66: {  	_ =	shalt  }
0x67: {  	_ =	shalt  }
0x68: {  	_ =	shalt  }
0x69: {  	_ =	shalt  }
0x6a: {  	_ =	shalt  }
0x6b: {  	_ =	shalt  }
0x6c: {  	_ =	shalt  }
0x6d: {  	_ =	shalt  }
0x6e: {  	_ =	shalt  }
0x6f: {  	_ =	shalt  }
0x70: {  	_ =	shalt  }
0x71: {  	_ =	shalt  }
0x72: {  	_ =	shalt  }
0x73: {  	_ =	shalt  }
0x74: {  	_ =	shalt  }
0x75: {  	_ =	shalt  }
0x76: {  	_ =	shalt  }
0x77: {  	_ =	shalt  }
0x78: {  	_ =	shalt  }
0x79: {  	_ =	shalt  }
0x7a: {  	_ =	shalt  }
0x7b: {  	_ =	shalt  }
0x7c: {  	_ =	shalt  }
0x7d: {  	_ =	shalt  }
0x7e: {  	_ =	shalt  }
0x7f: {  	_ =	shalt  }
0x80: {  	_ =	shalt  }
0x81: {  	_ =	shalt  }
0x82: {  	_ =	shalt  }
0x83: {  	_ =	shalt  }
0x84: {  	_ =	shalt  }
0x85: {  	_ =	shalt  }
0x86: {  	_ =	shalt  }
0x87: {  	_ =	shalt  }
.Lfunc_end0:
.L_simem_size_0:
called_computation.2_lowered:
.L_overlay_start_0:
0x88: {  	s2 =	sld [smem:$0x3FD9]  }
0x89: {  	s3 =	sld [smem:$0x3FFE];
	_ =	sdelay $0x1  }
0x8a: {  	s1 =	srdreg.scid  }
0x8b: {  	s0 =	sand.u32 $0x1, s1  }
0x8c: {  	s17 =	sshll.u32 s0, $0xA;
	s2 =	sadd.s32 s3, s2  }
0x8d: {  	s2 =	sadd.s32 s2, s17  }
0x8e: {  	[smem:$0x3FAE] =	sst s2  }
0x8f: {  	_ = 	snop  }
0x90: {  	s2 =	sld [smem:$0x3FD0];
	(tm) =	ssettm $0x1  }
0x91: {  	s18 =	sld [smem:$0x3FFB];
	_ =	sdelay $0x3  }
0x92: {  	_ =	strace s18  }
0x93: {  	s3 =	sld [smem:$0x3FFC];
	_ =	sdelay $0x3  }
0x94: {  	_ =	strace s3  }
0x95: {  	s3 =	sld [smem:$0x3FFD];
	_ =	sdelay $0x3  }
0x96: {  	_ =	strace s3  }
0x97: {  	_ =	strace $0x8FFFFFFF  }
0x98: {  	s19 =	sld [smem:$0x3FDB];
	_ =	sdelay $0x1  }
0x99: {  	s4 =	simm.s32 $_scs_section_size  }
0x9a: {  	s5 =	simm.s32 $_size__tile_overlayer_lowered;
	s6 =	simm.s32 $_tile_overlayer_lowered  }
0x9b: {  	s22 =	simm.s32 $0x1BFF;
	s21 =	sshll.u32 s6, $0x1;
	s3 =	sadd.s32 s4, s19  }
0x9c: {  	s7 =	simm.s32 $0x0;
	s20 =	sshll.u32 s5, $0x1;
	s5 =	sadd.s32 s21, s3  }
0x9d: {  	[timem:s7], [sflag:s22] =	dma.local [hbm:s5], s20  }
0x9e: {  	_ =	swait.ge [sflag:s22], s20  }
0x9f: {  	s4 =	ssub.s32 $0x0, s20;
	[sflag:s22] =	ssyncset.done $0x0  }
0xa0: {  	[sflag:s22] =	ssyncadd.s32 s4;
	_ =	sdelay $0x1  }
0xa1: {  	s23 =	simm.s32 $0x1B8B  }
0xa2: {  	_ =	swait.ge [sflag:s23], $0x1  }
0xa3: {  	[sflag:s23] =	ssyncset.done $0x0  }
0xa4: {  	s25 =	simm.s32 $0x1B8E;
	s24 =	sld [smem:$0x3FFE];
	[sflag:s23] =	ssyncadd.s32 $0xFFFFFFFF  }
0xa5: {  	s26 =	simm.s32 $execute0_lowered;
	[smem:$0x3FD2] =	sst s25  }
0xa6: {  	s5 =	sshll.u32 s26, $0x1;
	_ =	strace $0x8000004C;
	[dreg:$0x1] =	wrdreg $0xFFFFFFFF  }
0xa7: {  	s28 =	simm.s32 $_size_execute0_lowered;
	s3 =	sadd.s32 s3, s5;
	[dreg:$0x0] =	wrdreg $0x0  }
0xa8: {  	s5 =	sshll.u32 s28, $0x1;
	[dreg:$0x2] =	wrdreg s3  }
0xa9: {  	[dreg:$0x3] =	wrdreg s5  }
0xaa: {  	[dreg:$0x4] =	wrdreg $0xC0  }
0xab: {  	_ =	task [dreg:s7], $0x5FFFF  }
0xac: {  	[dreg:$0x1] =	wrdreg $0xFFFFFFFF  }
0xad: {  	[dreg:$0x0] =	wrdreg $0x60  }
0xae: {  	[dreg:$0x2] =	wrdreg s24  }
0xaf: {  	[dreg:$0x3] =	wrdreg s2  }
0xb0: {  	[dreg:$0x4] =	wrdreg $0x61F80  }
0xb1: {  	[dreg:$0x5] =	wrdreg $0x1A1F80  }
0xb2: {  	[dreg:$0x6] =	wrdreg $0x9  }
0xb3: {  	_ =	task.clear_ibuf [dreg:s7], $0x7FFFF;
	_ =	strace $0x9000004C  }
0xb4: {  	s29 =	simm.s32 $0x9;
	_ =	strace $0x8000004E  }
0xb5: {  	_ =	swait.ge [sflag:s29], $0x1  }
0xb6: {  	[sflag:s29] =	ssyncadd.s32 $0xFFFFFFFF  }
0xb7: {  	_ =	strace $0x9000004E  }
0xb8: {  	_ =	sfence  }
0xb9: {  	s30 =	sld [smem:$0x0];
	_ =	sdelay $0x2  }
0xba: {  	s31 =	sshll.u32 s1, $0xD;
	s1 =	sshrl.u32 s1, $0x2  }
0xbb: {  	s3 =	sand.u32 $0x4000, s31;
	s1 =	sadd.s32 s1, s30  }
0xbc: {  	s0 =	sor.u32 s3, s0;
	s1 =	sshll.u32 s1, $0x11  }
0xbd: {  	s0 =	sor.u32 s1, s0  }
0xbe: {  	s0 =	sadd.s32 $0x8F2B, s0  }
0xbf: {  	[sflag:s0] =	ssyncadd.remote.s32 $0x1  }
0xc0: {  	_ =	sfence.sel $0xFFFF  }
0xc1: {  	[dreg:$0x0] =	wrdreg $0xFFFFFFFF;
	(pc) =	sbr.abs _section_cstart, $3  }
0xc2: {  	[dreg:$0x1] =	wrdreg $0xFFFFFFFF  }
0xc3: {  	_ =	task.clear_ibuf [dreg:s7], $0x2FFFF;
	_ =	strace $0x9FFFFFFF  }
0xc4: {  	(tm) =	ssettm $0x7FFFFFFF  }
0xc5: {  	_ =	shalt  }
tec
execute0_lowered:
.L_overlay_start_1:
0x0: {  	(tag) =	ssettag $0x1  }
0x1: {  	s0 =	rddreg [dreg:$0x0]  }
0x2: {  	s2 =	rddreg [dreg:$0x2]  }
0x3: {  	s3 =	rddreg [dreg:$0x3];
	s1 =	simm.s32 $0x0;
	s18 =	stileid.u32  }
0x4: {  	s4 =	srdreg.scid;
	s20 =	simm.s32 $0x1;
	s28 =	simm.s32 $0x13C8  }
0x5: {  	s29 =	simm.s32 $0x1B98;
	s30 =	simm.s32 $0x5A18;
	s31 =	simm.s32 $0x0  }
0x6: {  	[smem:$0x7FF] =	sst s1;
	s6 =	sadd.s32 $0x3200, s0;
	s23 =	smul.u32 $0x14000, s18  }
0x7: {  	s7 =	sadd.s32 $0x2F400, s0;
	s8 =	sadd.s32 $0x2A400, s0;
	s5 =	smul.u32 $0x2800, s18  }
0x8: {  	s4 =	sand.u32 $0x1, s4;
	s9 =	sadd.s32 $0x3E400, s0;
	s10 =	sadd.s32 $0x34400, s0  }
0x9: {  	s11 =	sadd.s32 $0x48400, s0;
	s17 =	sshll.u32 s18, $0x1;
	s12 =	smul.u32 $0x140000, s4  }
0xa: {  	s25 =	sshll.u32 s18, $0x6;
	_ =	strace $0x8000004D;
	s14 =	smul.u32 $0x28000, s4  }
0xb: {  	s16 =	ssub.s32 $0x2, s4;
	s4 =	sor.u32 s4, s17;
	s13 =	sshrl.u32 s23, $0x3  }
0xc: {  	s15 =	sshrl.u32 s5, $0x3;
	s24 =	sshrl.u32 s16, $0x1;
	s1 =	sadd.s32 s23, s2  }
0xd: {  	s13 =	sadd.s32 s13, s0;
	s12 =	sadd.s32 s23, s12;
	s15 =	sadd.s32 s15, s0  }
0xe: {  	s14 =	sadd.s32 s5, s14;
	s5 =	sadd.s32 s5, s3;
	s19 =	sshrl.u32 s1, $0x3  }
0xf: {  	s23 =	simm.s32 $0x400;
	s12 =	sshrl.u32 s12, $0x3;
	s14 =	sshrl.u32 s14, $0x3  }
0x10: {  	s13 =	sadd.s32 $0x52400, s13;
	s15 =	sadd.s32 $0x7A400, s15;
	s21 =	sshrl.u32 s5, $0x3  }
0x11: {  	s12 =	sadd.s32 s12, s0;
	s0 =	sadd.s32 s14, s0;
	[dreg:$0x5] =	wrdreg s13  }
0x12: {  	s14 =	ssub.s32 s16, s24;
	s13 =	sor.u32 $0x1C01, s25;
	[dreg:$0x6] =	wrdreg s15  }
0x13: {  	s15 =	smul.u32 $0x50, s4;
	s24 =	simm.s32 $0x800;
	s26 =	sadd.s32 $0xB0600, s12  }
0x14: {  	vm0 =	vcmask $0x2320;
	v1 =	vimm.f32 $0.0e+00;
	vm1 =	vcmask $0x2724;
	s25 =	simm.s32 $0x7D;
	s0 =	sadd.s32 $0xA6600, s0;
	[dreg:$0x7] =	wrdreg s26  }
0x15: {  	v0 =	vsel vm0, $0x3F800000, v1;
	v1 =	vsel vm1, $0x3F800000, v1;
	vm0 =	vmmov $0xff;
	s18 =	smax.u32 s14, $0x1;
	[dreg:$0x8] =	wrdreg s0;
	s26 =	simm.s32 $0xBF8  }
.LBB2_1:
0x16: {  	s0 =	rddreg [dreg:$0x5]  }
0x17: {  	[spmem:s19], [sflag:s13] =	dma.local [hbm:s0], $0x2800  }
0x18: {  	_ =	swait.ge [sflag:s20], $0x2800  }
0x19: {  	[sflag:s20] =	ssyncset.done $0x0  }
0x1a: {  	s17 =	rddreg [dreg:$0x6];
	[sflag:s20] =	ssyncadd.s32 $0xFFFFD800  }
0x1b: {  	[spmem:s21], [sflag:s13] =	dma.local [hbm:s17], $0x500  }
0x1c: {  	_ =	swait.ge [sflag:s20], $0x500  }
0x1d: {  	[sflag:s20] =	ssyncset.done $0x0  }
0x1e: {  	[sflag:s20] =	ssyncadd.s32 $0xFFFFFB00  }
0x1f: {  	s1 =	simm.s32 $0x0;
	s4 =	simm.s32 $0x61E8;
	s22 =	rddreg [dreg:$0x1]  }
0x20: {  	[tilespmem:s4], [sflag:$0x1] =	stream.linear.gather [hbm4b:s22+s1], $0x10, $0x38;
	[tilespmem:$0x1C9F8] =	vst v63  }
0x21: {  	_ =	swait.ge [sflag:s20], $0x10  }
0x22: {  	[sflag:s20] =	ssyncset.done $0x0  }
0x23: {  	[sflag:s20] =	ssyncadd.s32 $0xFFFFFFF0  }
0x24: {  	[bflag:$0x0] =	sbarrier.arrive $0xFFFF  }
0x25: {  	s0 =	simm.s32 $0x0;
	v2 =	vld [tilespmem:$0x61E8]  }
.LBB2_2:
0x26: {  	s1 =	sshll.u32 s0, $0x3  }
0x27: {  	s1 =	sadd.s32 s15, s1  }
0x28: {  	s4 =	sshll.u32 s1, $0x4  }
0x29: {  	s14 =	simm.s32 $0x0;
	s5 =	sadd.s32 s9, s4  }
0x2a: {  	[tilespmem:s14], [sflag:$0x1] =	stream.linear.gather [hbm4b:s5+s14], $0x400, $0x38;
	[tilespmem:$0x1C9F8] =	vst v63  }
0x2b: {  	_ =	swait.ge [sflag:s20], $0x400  }
0x2c: {  	[sflag:s20] =	ssyncset.done $0x0  }
0x2d: {  	s1 =	smul.u32 $0x7D, s1;
	s4 =	sadd.s32 s10, s4;
	[sflag:s20] =	ssyncadd.s32 $0xFFFFFC00  }
0x2e: {  	[tilespmem:s23], [sflag:$0x1] =	stream.linear.gather [hbm4b:s4+s14], $0x400, $0x38;
	[tilespmem:$0x1C9F8] =	vst v63  }
0x2f: {  	_ =	swait.ge [sflag:s20], $0x400  }
0x30: {  	s1 =	sshrl.u32 s1, $0x3;
	[sflag:s20] =	ssyncset.done $0x0  }
0x31: {  	s1 =	sadd.s32 s11, s1;
	[sflag:s20] =	ssyncadd.s32 $0xFFFFFC00  }
0x32: {  	[tilespmem:s24], [sflag:$0x1] =	stream.linear.gather [hbm4b:s1+s14], $0x3E8, $0x38;
	[tilespmem:$0x1C9F8] =	vst v63  }
0x33: {  	_ =	swait.ge [sflag:s20], $0x3E8  }
0x34: {  	[sflag:s20] =	ssyncset.done $0x0  }
0x35: {  	s1 =	simm.s32 $0x0;
	[sflag:s20] =	ssyncadd.s32 $0xFFFFFC18  }
.LBB2_3:
0x36: {  	s4 =	sshll.u32 s1, $0x7  }
0x37: {  	[tilespmem:s26], [sflag:$0x1] =	stream.indirect.gather [hbm4b:s7+s25], $0x10, s4, s25, $0xb8;
	[tilespmem:$0x1C9F8] =	vst v63  }
0x38: {  	_ =	swait.ge [sflag:s20], $0x7D0  }
0x39: {  	[sflag:s20] =	ssyncset.done $0x0  }
0x3a: {  	s5 =	sadd.s32 $0x400, s4;
	[sflag:s20] =	ssyncadd.s32 $0xFFFFF830  }
0x3b: {  	[tilespmem:s28], [sflag:$0x1] =	stream.indirect.gather [hbm4b:s8+s25], $0x10, s5, s25, $0xb8;
	[tilespmem:$0x1C9F8] =	vst v63  }
0x3c: {  	_ =	swait.ge [sflag:s20], $0x7D0  }
0x3d: {  	[sflag:s20] =	ssyncset.done $0x0  }
0x3e: {  	[sflag:s20] =	ssyncadd.s32 $0xFFFFF830  }
0x3f: {  	v3 =	vmov s14;
	[tilespmem:s29], [sflag:$0x1] =	stream.indirect.gather [hbm4b:s6+s25], $0x80, s4, s25, $0xb8;
	[tilespmem:$0x1C9F8] =	vst v63  }
0x40: {  	_ =	swait.ge [sflag:s20], $0x3E80  }
0x41: {  	[sflag:s20] =	ssyncset.done $0x0  }
0x42: {  	s17 =	simm.s32 $0x0;
	[sflag:s20] =	ssyncadd.s32 $0xFFFFC180  }
0x43: {  	v4 =	vld [tilespmem:s17+$0x13C8]  }
0x44: {  	v3 =	vld.idx.msk [tilespmem:v3+s24+$0x0], $0xffff  }
0x45: {  	v5 =	vld [tilespmem:s17+$0xBF8];
	_ =	sdelay $0x4  }
0x46: {  	v4 =	vadd.f32 v4, v5;
	v5 =	vmul.f32 v3, v2;
	_ =	sdelay $0x1  }
0x47: {  	v4 =	vadd.f32 v4, v5;
	_ =	sdelay $0x1  }
0x48: {  	v5 =	vmul.f32 $2.000000030e-01, v4  }
0x49: {  	vm1 =	vgt.f32 v4, $0.0e+00  }
0x4a: {  	v4 =	vsel vm1, v4, v5  }
0x4b: {  	v4 =	vmin.f32 v4, $6.000000000e+01  }
0x4c: {  	v4 =	vmul.f32 $1.442695020e+00, v4;
	_ =	sdelay $0x1  }
0x4d: {  	(erf) = vpow2.f32 v4;
	_ =	sdelay $0x4  }
0x4e: {  	v3 =	vmul.f32 v0, v3;
	_ =	sdelay $0x2  }
0x4f: {  	v4 =	vadd.f32 v1, v3  }
0x50: {  	v3 =	vpop (erf)  }
0x51: {  	v4 =	vsel vm0, v3, v4  }
0x52: {  	s22 =	simm.s32 $0x1BD8;
	[tilespmem:s17+$0x5A18] =	vst v4  }
0x53: {  	v6 =	vld [tilespmem:s22+$0x30]  }
0x54: {  	v10 =	vld [tilespmem:s22+$0xFFFFFFE0]  }
0x55: {  	v9 =	vld [tilespmem:s22+$0x10]  }
0x56: {  	v11 =	vbroadcast v3, $0x7;
	v7 =	vld [tilespmem:s22+$0x20]  }
0x57: {  	v14 =	vbroadcast v3, $0x2;
	v12 =	vbroadcast v3, $0x5;
	v8 =	vld [tilespmem:s22+$0xFFFFFFD0]  }
0x58: {  	v4 =	vbroadcast v3, $0x1;
	v5 =	vld [tilespmem:s22+$0x0];
	v13 =	vmul.f32 v6, v11  }
0x59: {  	s12 =	simm.s32 $0x40;
	s16 =	simm.s32 $0x1BD8;
	s4 =	smov.u32 s14;
	v10 =	vmul.f32 v14, v10;
	v6 =	vld [tilespmem:s22+$0xFFFFFFF0];
	v11 =	vbroadcast v3, $0x6  }
.LBB2_4:
0x5a: {  	p0 =	sne.s32 s12, $0x1F00;
	v14 =	vld [tilespmem:s22+$0xFFFFFFC0];
	v9 =	vmul.f32 v9, v12;
	[tilespmem:s22+$0x30] =	vst v13;
	s4 =	sadd.s32 $0x1, s4;
	s16 =	sadd.s32 $0x80, s16  }
0x5b: {  	s17 =	smov.u32 s12;
	s12 =	sadd.s32 $0x40, s12;
	[tilespmem:s22+$0xFFFFFFE0] =	vst v10;
	v10 =	vbroadcast v3, $0x4;
	v7 =	vmul.f32 v7, v11  }
0x5c: {  	v4 =	vmul.f32 v4, v8;
	v8 =	vbroadcast v3, $0x3;
	[tilespmem:s22+$0x10] =	vst v9  }
0x5d: {  	v3 =	vbroadcast v3, $0x0;
	v5 =	vmul.f32 v5, v10;
	[tilespmem:s22+$0x20] =	vst v7  }
0x5e: {  	v7 =	vmov s4;
	[tilespmem:s22+$0xFFFFFFD0] =	vst v4;
	v4 =	vmul.f32 v8, v6  }
0x5f: {  	v3 =	vmul.f32 v3, v14;
	[tilespmem:s22+$0x0] =	vst v5  }
0x60: {  	[tilespmem:s22+$0xFFFFFFF0] =	vst v4  }
0x61: {  	s17 =	sshra.s32 s17, $0x2;
	[tilespmem:s22+$0xFFFFFFC0] =	vst v3;
	s22 =	smov.u32 s16  }
0x62: {  	v3 =	vld [tilespmem:s17+$0x13C8]  }
0x63: {  	v4 =	vld.idx.msk [tilespmem:v7+s24+$0x0], $0xffff  }
0x64: {  	v5 =	vld [tilespmem:s17+$0xBF8];
	_ =	sdelay $0x4  }
0x65: {  	v3 =	vadd.f32 v3, v5;
	v5 =	vmul.f32 v4, v2;
	v4 =	vmul.f32 v0, v4;
	_ =	sdelay $0x1  }
0x66: {  	v3 =	vadd.f32 v3, v5;
	_ =	sdelay $0x1  }
0x67: {  	v5 =	vmul.f32 $2.000000030e-01, v3  }
0x68: {  	vm1 =	vgt.f32 v3, $0.0e+00  }
0x69: {  	v3 =	vsel vm1, v3, v5  }
0x6a: {  	v3 =	vmin.f32 v3, $6.000000000e+01  }
0x6b: {  	v3 =	vmul.f32 $1.442695020e+00, v3;
	_ =	sdelay $0x1  }
0x6c: {  	(erf) = vpow2.f32 v3;
	_ =	sdelay $0x7  }
0x6d: {  	v4 =	vadd.f32 v1, v4  }
0x6e: {  	v3 =	vpop (erf)  }
0x6f: {  	v5 =	vsel vm0, v3, v4;
	v4 =	vbroadcast v3, $0x1  }
0x70: {  	[tilespmem:s17+$0x5A18] =	vst v5  }
0x71: {  	v6 =	vld [tilespmem:s16+$0x30]  }
0x72: {  	v10 =	vld [tilespmem:s16+$0xFFFFFFE0]  }
.Ltmp0:
0x73: {  	v9 =	vld [tilespmem:s16+$0x10];
	(pc) =	sbr.rel @p0 .LBB2_4-.Ltmp0, $4  }
0x74: {  	v11 =	vbroadcast v3, $0x7;
	v7 =	vld [tilespmem:s16+$0x20]  }
0x75: {  	v14 =	vbroadcast v3, $0x2;
	v8 =	vld [tilespmem:s16+$0xFFFFFFD0]  }
0x76: {  	v12 =	vbroadcast v3, $0x5;
	v5 =	vld [tilespmem:s16+$0x0];
	v13 =	vmul.f32 v6, v11  }
0x77: {  	v11 =	vbroadcast v3, $0x6;
	v10 =	vmul.f32 v14, v10;
	v6 =	vld [tilespmem:s16+$0xFFFFFFF0]  }
0x78: {  	v14 =	vld [tilespmem:s22+$0xFFFFFFC0];
	v9 =	vmul.f32 v9, v12;
	[tilespmem:s22+$0x30] =	vst v13  }
0x79: {  	v61 =	vbroadcast v3, $0x4;
	[tilespmem:s22+$0xFFFFFFE0] =	vst v10;
	v7 =	vmul.f32 v7, v11  }
0x7a: {  	v62 =	vbroadcast v3, $0x3;
	v4 =	vmul.f32 v4, v8;
	[tilespmem:s22+$0x10] =	vst v9  }
0x7b: {  	v3 =	vbroadcast v3, $0x0;
	v5 =	vmul.f32 v5, v61;
	[tilespmem:s22+$0x20] =	vst v7  }
0x7c: {  	[tilespmem:s22+$0xFFFFFFD0] =	vst v4;
	v63 =	vmul.f32 v62, v6  }
0x7d: {  	v3 =	vmul.f32 v3, v14;
	[tilespmem:s22+$0x0] =	vst v5  }
0x7e: {  	[tilespmem:s22+$0xFFFFFFF0] =	vst v63  }
0x7f: {  	[tilespmem:s22+$0xFFFFFFC0] =	vst v3  }
0x80: {  	[spmem:s3] =	stream.indirect.scatter.add.f32 [tilespmem:s30], [sflag:$0x1], $0x10, s5, s25, $0xb8;
	[tilespmem:$0x1C9F8] =	vst v63  }
0x81: {  	s1 =	sadd.s32 $0x1, s1;
	_ =	swait.ge [sflag:s20], $0x7D0  }
0x82: {  	p0 =	sne.s32 s1, $0x8;
	[sflag:s20] =	ssyncset.done $0x0  }
.Ltmp1:
0x83: {  	[sflag:s20] =	ssyncadd.s32 $0xFFFFF830;
	(pc) =	sbr.rel @p0 .LBB2_3-.Ltmp1, $4  }
0x84: {  	[spmem:s2] =	stream.indirect.scatter.add.f32 [tilespmem:s29], [sflag:$0x1], $0x80, s5, s25, $0xb8;
	[tilespmem:$0x1C9F8] =	vst v63  }
0x85: {  	_ =	swait.ge [sflag:s20], $0x3E80  }
0x86: {  	[sflag:s20] =	ssyncset.done $0x0  }
0x87: {  	s14 =	sadd.s32 $0x7D, s14;
	[sflag:s20] =	ssyncadd.s32 $0xFFFFC180  }
0x88: {  	s0 =	sadd.s32 $0x1, s0  }
0x89: {  	p0 =	sne.s32 s0, $0xA  }
.Ltmp2:
0x8a: {  	_ = 	snop;
	(pc) =	sbr.rel @p0 .LBB2_2-.Ltmp2, $1  }
0x8b: {  	_ =	sdelay $0x3  }
0x8c: {  	[bflag:$0x0] =	sbarrier.arrive $0xFFFF  }
0x8d: {  	s0 =	rddreg [dreg:$0x7]  }
0x8e: {  	[hbm:s0], [sflag:s13] =	dma.local [spmem:s19], $0x2800  }
0x8f: {  	s31 =	sadd.s32 $0x1, s31;
	_ =	swait.ge [sflag:s20], $0x2800  }
0x90: {  	p0 =	sne.s32 s31, s18;
	[sflag:s20] =	ssyncset.done $0x0  }
.Ltmp3:
0x91: {  	s22 =	rddreg [dreg:$0x8];
	[sflag:s20] =	ssyncadd.s32 $0xFFFFD800;
	(pc) =	sbr.rel @p0 .LBB2_1-.Ltmp3, $4  }
0x92: {  	[hbm:s22], [sflag:s13] =	dma.local [spmem:s21], $0x500  }
0x93: {  	_ =	swait.ge [sflag:s20], $0x500  }
0x94: {  	[sflag:s20] =	ssyncset.done $0x0  }
0x95: {  	[sflag:s20] =	ssyncadd.s32 $0xFFFFFB00  }
0x96: {  	_ =	sfence.sel $0x180000  }
0x97: {  	[bflag:$0x0] =	sbarrier.arrive $0xFFFF  }
0x98: {  	_ =	strace $0x9000004D  }
0x99: {  	s0 =	stileid.u32;
	[bflag:$0x2] =	sbarrier.arrive $0xFFFF  }
0x9a: {  	p0 =	sne.s32 s0, $0x0;
	s0 =	rddreg [dreg:$0x4]  }
0x9b: {  	s0 =	sadd.s32 @!p0 $0x100000, s0  }
0x9c: {  	[sflag:s0] =	ssyncadd.tile.s32 @!p0 $0x1;
	_ =	shalt  }
.Lfunc_end2:
_tile_overlayer_lowered:
.L_overlay_start_2:
0x9d: {  	(tag) =	ssettag $0x2  }
0x9e: {  	s0 =	rddreg [dreg:$0x0];
	s2 =	stileid.u32  }
0x9f: {  	s1 =	rddreg [dreg:$0x1];
	p0 =	sne.s32 s2, $0x0  }
0xa0: {  	s3 =	rddreg [dreg:$0x2];
	[bflag:$0x3] =	sbarrier.arrive $0xFFFF;
	s2 =	simm.s32 @!p0 $0x1C01  }
0xa1: {  	[timem:s3], [sflag:s2] =	dma.local @!p0 [hbm:s0], s1  }
0xa2: {  	s0 =	simm.s32 @!p0 $0x1  }
0xa3: {  	_ =	swait.ge @!p0 [sflag:s0], s1  }
0xa4: {  	s1 =	ssub.s32 @!p0 $0x0, s1;
	[sflag:s0] =	ssyncset.done @!p0 $0x0  }
0xa5: {  	[sflag:s0] =	ssyncadd.s32 @!p0 s1  }
0xa6: {  	[bflag:$0x3] =	sbarrier.arrive $0xFFFF  }
0xa7: {  	_ =	shalt  }

// kernel: kernel.9.cloned.1.call-start
scs
__scs_entry_jumppad:
0x0: {  	(pc) =	sbr.rel $0x88, $3  }
0x1: {  	(tag) =	ssettag $0x0;
	lr =	simm.s32 $0x1  }
0x2: {  	[smem:$0x3F87] =	sst lr;
	_ =	strace $0xD0000000  }
0x3: {  	_ = 	snop  }
0x4: {  	_ = 	snop  }
0x5: {  	_ = 	snop  }
0x6: {  	_ = 	snop  }
0x7: {  	_ = 	snop  }
__scs_overlays_trampoline_lowered:
0x8: {  	[smem:$0x3F96] =	sst s0  }
0x9: {  	[smem:$0x3F97] =	sst s1  }
0xa: {  	[smem:$0x3F98] =	sst s2  }
0xb: {  	[smem:$0x3F99] =	sst s3  }
0xc: {  	[smem:$0x3F9A] =	sst s4  }
0xd: {  	[smem:$0x3F9B] =	sst s5  }
0xe: {  	[smem:$0x3F9C] =	sst s6  }
0xf: {  	[smem:$0x3F9D] =	sst s7  }
0x10: {  	[smem:$0x3F9E] =	sst s8  }
0x11: {  	[smem:$0x3F9F] =	sst s9;
	s0 =	simm.s32 @!p0 $0x0  }
0x12: {  	s1 =	sld [smem:$0x3F85];
	s0 =	simm.s32 @p0 $0x1  }
0x13: {  	[smem:$0x3FA0] =	sst s0;
	s0 =	simm.s32 @!p1 $0x0  }
0x14: {  	s2 =	sld [smem:$0x3F84];
	s0 =	simm.s32 @p1 $0x1  }
0x15: {  	[smem:$0x3FA1] =	sst s0;
	s0 =	simm.s32 @!p2 $0x0  }
0x16: {  	s3 =	sld [smem:$0x3FDB];
	s0 =	simm.s32 @p2 $0x1  }
0x17: {  	s4 =	simm.s32 $0x1BF5;
	[smem:$0x3FA3] =	sst s0  }
0x18: {  	s0 =	sld [smem:$0x3F86];
	_ =	swait.ge [sflag:s4], $0x0  }
0x19: {  	s7 =	sld [smem:$0x3F87]  }
0x1a: {  	s8 =	sadd.s32 $0xFFFFE003, lr  }
0x1b: {  	s9 =	sadd.s32 $0xFFFFFEF7, lr;
	s5 =	simm.s32 $0xFFFFFFFF;
	p2 =	slt.u32 s8, $0xFFFFF086  }
0x1c: {  	p1 =	slt.u32 s9, $0xF7A;
	s5 =	simm.s32 @!p2 $0x0  }
0x1d: {  	s5 =	simm.s32 @p1 $0x1;
	p0 =	seq.s32 s7, s2  }
0x1e: {  	s7 =	smul.u32 @!p0 $0xF7A, s2;
	p2 =	seq.s32 @!p0 s5, $0x0  }
0x1f: {  	s9 =	smul.u32 $0xF7A, s1;
	s8 =	simm.s32 @!p0 $0x1BF5;
	p2 =	por !p2, p0  }
0x20: {  	[sflag:s8] =	ssyncset.s32 @!p0 $0xFFFFF086;
	s6 =	sadd.s32 @!p0 s3, s7;
	s7 =	simm.s32 @!p0 $0x108  }
0x21: {  	s3 =	sadd.s32 s3, s9;
	s6 =	sadd.s32 @!p0 $0x88, s6;
	s7 =	simm.s32 @p2 $0x1082  }
0x22: {  	[simem:s7], [sflag:s8] =	dma.local @!p0 [hbm:s6], $0xF7A  }
0x23: {  	s9 =	sor.u32 $0xD0000000, s2;
	s6 =	simm.s32 $0x108;
	_ =	swait.ge @!p0 [sflag:s8], $0x0  }
0x24: {  	s3 =	sadd.s32 $0x88, s3;
	s6 =	simm.s32 @!p1 $0x1082;
	[sflag:s4] =	ssyncset.s32 $0xFFFFF086  }
0x25: {  	[simem:s6], [sflag:s4] =	dma.local [hbm:s3], $0xF7A  }
0x26: {  	[smem:$0x3F87] =	sst s1;
	(tag) =	ssettag s2;
	_ =	strace s9  }
0x27: {  	s1 =	sld [smem:$0x3F97]  }
0x28: {  	s2 =	sld [smem:$0x3F98]  }
0x29: {  	s4 =	sld [smem:$0x3F9A]  }
0x2a: {  	p0 =	seq.s32 s5, $0x0;
	s5 =	sld [smem:$0x3F9B]  }
0x2b: {  	s6 =	sld [smem:$0x3F9C]  }
0x2c: {  	s7 =	sld [smem:$0x3F9D]  }
0x2d: {  	s3 =	simm.s32 $0x108;
	s8 =	sld [smem:$0x3F9E]  }
0x2e: {  	s3 =	simm.s32 @!p0 $0x1082;
	s9 =	sld [smem:$0x3F9F]  }
0x2f: {  	lr =	sadd.s32 s0, s3;
	s0 =	sld [smem:$0x3F96]  }
0x30: {  	s3 =	sld [smem:$0x3F99]  }
0x31: {  	[smem:$0x3FA2] =	sst s10  }
0x32: {  	s10 =	sld [smem:$0x3FA0];
	_ =	sdelay $0x3  }
0x33: {  	p0 =	seq.s32 s10, $0x1;
	s10 =	sld [smem:$0x3FA2];
	_ =	sdelay $0x3  }
0x34: {  	[smem:$0x3FA2] =	sst s10  }
0x35: {  	s10 =	sld [smem:$0x3FA1];
	_ =	sdelay $0x3  }
0x36: {  	p1 =	seq.s32 s10, $0x1;
	s10 =	sld [smem:$0x3FA2];
	_ =	sdelay $0x3  }
0x37: {  	[smem:$0x3FA2] =	sst s10  }
0x38: {  	s10 =	sld [smem:$0x3FA3]  }
0x39: {  	_ = 	snop;
	(pc) =	sbr.ind lr, $3  }
0x3a: {  	_ = 	snop  }
0x3b: {  	_ = 	snop  }
0x3c: {  	p2 =	seq.s32 s10, $0x1;
	s10 =	sld [smem:$0x3FA2]  }
0x3d: {  	_ =	shalt  }
0x3e: {  	_ =	shalt  }
0x3f: {  	_ =	shalt  }
0x40: {  	_ =	shalt  }
0x41: {  	_ =	shalt  }
0x42: {  	_ =	shalt  }
0x43: {  	_ =	shalt  }
0x44: {  	_ =	shalt  }
0x45: {  	_ =	shalt  }
0x46: {  	_ =	shalt  }
0x47: {  	_ =	shalt  }
0x48: {  	_ =	shalt  }
0x49: {  	_ =	shalt  }
0x4a: {  	_ =	shalt  }
0x4b: {  	_ =	shalt  }
0x4c: {  	_ =	shalt  }
0x4d: {  	_ =	shalt  }
0x4e: {  	_ =	shalt  }
0x4f: {  	_ =	shalt  }
0x50: {  	_ =	shalt  }
0x51: {  	_ =	shalt  }
0x52: {  	_ =	shalt  }
0x53: {  	_ =	shalt  }
0x54: {  	_ =	shalt  }
0x55: {  	_ =	shalt  }
0x56: {  	_ =	shalt  }
0x57: {  	_ =	shalt  }
0x58: {  	_ =	shalt  }
0x59: {  	_ =	shalt  }
0x5a: {  	_ =	shalt  }
0x5b: {  	_ =	shalt  }
0x5c: {  	_ =	shalt  }
0x5d: {  	_ =	shalt  }
0x5e: {  	_ =	shalt  }
0x5f: {  	_ =	shalt  }
0x60: {  	_ =	shalt  }
0x61: {  	_ =	shalt  }
0x62: {  	_ =	shalt  }
0x63: {  	_ =	shalt  }
0x64: {  	_ =	shalt  }
0x65: {  	_ =	shalt  }
0x66: {  	_ =	shalt  }
0x67: {  	_ =	shalt  }
0x68: {  	_ =	shalt  }
0x69: {  	_ =	shalt  }
0x6a: {  	_ =	shalt  }
0x6b: {  	_ =	shalt  }
0x6c: {  	_ =	shalt  }
0x6d: {  	_ =	shalt  }
0x6e: {  	_ =	shalt  }
0x6f: {  	_ =	shalt  }
0x70: {  	_ =	shalt  }
0x71: {  	_ =	shalt  }
0x72: {  	_ =	shalt  }
0x73: {  	_ =	shalt  }
0x74: {  	_ =	shalt  }
0x75: {  	_ =	shalt  }
0x76: {  	_ =	shalt  }
0x77: {  	_ =	shalt  }
0x78: {  	_ =	shalt  }
0x79: {  	_ =	shalt  }
0x7a: {  	_ =	shalt  }
0x7b: {  	_ =	shalt  }
0x7c: {  	_ =	shalt  }
0x7d: {  	_ =	shalt  }
0x7e: {  	_ =	shalt  }
0x7f: {  	_ =	shalt  }
0x80: {  	_ =	shalt  }
0x81: {  	_ =	shalt  }
0x82: {  	_ =	shalt  }
0x83: {  	_ =	shalt  }
0x84: {  	_ =	shalt  }
0x85: {  	_ =	shalt  }
0x86: {  	_ =	shalt  }
0x87: {  	_ =	shalt  }
.Lfunc_end0:
.L_simem_size_0:
called_computation_lowered:
.L_overlay_start_0:
0x88: {  	s2 =	sld [smem:$0x3FD9]  }
0x89: {  	s3 =	sld [smem:$0x3FFE];
	_ =	sdelay $0x1  }
0x8a: {  	s1 =	srdreg.scid  }
0x8b: {  	s0 =	sand.u32 $0x1, s1  }
0x8c: {  	s16 =	sshll.u32 s0, $0xA;
	s2 =	sadd.s32 s3, s2  }
0x8d: {  	s2 =	sadd.s32 s2, s16  }
0x8e: {  	[smem:$0x3FAE] =	sst s2  }
0x8f: {  	_ = 	snop  }
0x90: {  	(tm) =	ssettm $0x1  }
0x91: {  	s17 =	sld [smem:$0x3FFB];
	_ =	sdelay $0x3  }
0x92: {  	_ =	strace s17  }
0x93: {  	s2 =	sld [smem:$0x3FFC];
	_ =	sdelay $0x3  }
0x94: {  	_ =	strace s2  }
0x95: {  	s2 =	sld [smem:$0x3FFD];
	_ =	sdelay $0x3  }
0x96: {  	_ =	strace s2  }
0x97: {  	_ =	strace $0x8FFFFFFF  }
0x98: {  	s18 =	sld [smem:$0x3FDB];
	_ =	sdelay $0x1  }
0x99: {  	s19 =	simm.s32 $_scs_section_size  }
0x9a: {  	s4 =	simm.s32 $_size__tile_overlayer_lowered;
	s5 =	simm.s32 $_tile_overlayer_lowered  }
0x9b: {  	s22 =	simm.s32 $0x1BFF;
	s21 =	sshll.u32 s5, $0x1;
	s2 =	sadd.s32 s19, s18  }
0x9c: {  	s6 =	simm.s32 $0x0;
	s20 =	sshll.u32 s4, $0x1;
	s4 =	sadd.s32 s21, s2  }
0x9d: {  	[timem:s6], [sflag:s22] =	dma.local [hbm:s4], s20  }
0x9e: {  	_ =	swait.ge [sflag:s22], s20  }
0x9f: {  	s3 =	ssub.s32 $0x0, s20;
	[sflag:s22] =	ssyncset.done $0x0  }
0xa0: {  	[sflag:s22] =	ssyncadd.s32 s3;
	_ =	sdelay $0x1  }
0xa1: {  	s23 =	simm.s32 $0x1B8B  }
0xa2: {  	_ =	swait.ge [sflag:s23], $0x1  }
0xa3: {  	[sflag:s23] =	ssyncset.done $0x0  }
0xa4: {  	s25 =	simm.s32 $0x1B8E;
	s24 =	sld [smem:$0x3FFE];
	[sflag:s23] =	ssyncadd.s32 $0xFFFFFFFF  }
0xa5: {  	s26 =	simm.s32 $execute0_lowered;
	[smem:$0x3FD2] =	sst s25  }
0xa6: {  	s4 =	sshll.u32 s26, $0x1;
	_ =	strace $0x80000046;
	[dreg:$0x1] =	wrdreg $0xFFFFFFFF  }
0xa7: {  	s28 =	simm.s32 $_size_execute0_lowered;
	s2 =	sadd.s32 s2, s4;
	[dreg:$0x0] =	wrdreg $0x0  }
0xa8: {  	s4 =	sshll.u32 s28, $0x1;
	[dreg:$0x2] =	wrdreg s2  }
0xa9: {  	[dreg:$0x3] =	wrdreg s4  }
0xaa: {  	[dreg:$0x4] =	wrdreg $0xC0  }
0xab: {  	_ =	task [dreg:s6], $0x5FFFF  }
0xac: {  	[dreg:$0x1] =	wrdreg $0xFFFFFFFF  }
0xad: {  	[dreg:$0x0] =	wrdreg $0x60  }
0xae: {  	[dreg:$0x2] =	wrdreg s24  }
0xaf: {  	[dreg:$0x3] =	wrdreg $0x61F80  }
0xb0: {  	[dreg:$0x4] =	wrdreg $0x1A1F80  }
0xb1: {  	[dreg:$0x5] =	wrdreg $0x9  }
0xb2: {  	_ =	task.clear_ibuf [dreg:s6], $0x6FFFF;
	_ =	strace $0x90000046  }
0xb3: {  	s29 =	simm.s32 $0x9;
	_ =	strace $0x80000048  }
0xb4: {  	_ =	swait.ge [sflag:s29], $0x1  }
0xb5: {  	[sflag:s29] =	ssyncadd.s32 $0xFFFFFFFF  }
0xb6: {  	_ =	strace $0x90000048  }
0xb7: {  	_ =	sfence  }
0xb8: {  	s30 =	sld [smem:$0x0];
	_ =	sdelay $0x2  }
0xb9: {  	s31 =	sshll.u32 s1, $0xD;
	s1 =	sshrl.u32 s1, $0x2  }
0xba: {  	s3 =	sand.u32 $0x4000, s31;
	s1 =	sadd.s32 s1, s30  }
0xbb: {  	s0 =	sor.u32 s3, s0;
	s1 =	sshll.u32 s1, $0x11  }
0xbc: {  	s0 =	sor.u32 s1, s0  }
0xbd: {  	s0 =	sadd.s32 $0x8F2B, s0  }
0xbe: {  	[sflag:s0] =	ssyncadd.remote.s32 $0x1  }
0xbf: {  	_ =	sfence.sel $0xFFFF  }
0xc0: {  	[dreg:$0x0] =	wrdreg $0xFFFFFFFF;
	(pc) =	sbr.abs _section_cstart, $3  }
0xc1: {  	[dreg:$0x1] =	wrdreg $0xFFFFFFFF  }
0xc2: {  	_ =	task.clear_ibuf [dreg:s6], $0x2FFFF;
	_ =	strace $0x9FFFFFFF  }
0xc3: {  	(tm) =	ssettm $0x7FFFFFFF  }
tec
execute0_lowered:
.L_overlay_start_1:
0x0: {  	(tag) =	ssettag $0x1  }
0x1: {  	s0 =	rddreg [dreg:$0x0]  }
0x2: {  	s1 =	rddreg [dreg:$0x1]  }
0x3: {  	s2 =	rddreg [dreg:$0x2];
	s3 =	simm.s32 $0x0  }
0x4: {  	s18 =	stileid.u32;
	s4 =	srdreg.scid;
	s20 =	simm.s32 $0x1  }
0x5: {  	s28 =	simm.s32 $0x13C8;
	s29 =	simm.s32 $0x1B98;
	s30 =	simm.s32 $0x5A18  }
0x6: {  	s31 =	simm.s32 $0x0;
	[smem:$0x7FF] =	sst s3;
	s5 =	sadd.s32 $0x3200, s0  }
0x7: {  	s6 =	sadd.s32 $0x2F400, s0;
	s7 =	sadd.s32 $0x2A400, s0;
	s22 =	smul.u32 $0x14000, s18  }
0x8: {  	s8 =	sadd.s32 $0x3E400, s0;
	s11 =	smul.u32 $0x2800, s18;
	s4 =	sand.u32 $0x1, s4  }
0x9: {  	s9 =	sadd.s32 $0x34400, s0;
	s10 =	sadd.s32 $0x48400, s0;
	s13 =	sadd.s32 $0x52200, s0  }
0xa: {  	s17 =	sshll.u32 s18, $0x1;
	s25 =	sshll.u32 s18, $0x6;
	s12 =	smul.u32 $0x140000, s4  }
0xb: {  	_ =	strace $0x80000047;
	[dreg:$0x4] =	wrdreg s13;
	s14 =	smul.u32 $0x28000, s4  }
0xc: {  	s16 =	ssub.s32 $0x2, s4;
	s4 =	sor.u32 s4, s17;
	s23 =	sshrl.u32 s22, $0x3  }
0xd: {  	s15 =	sshrl.u32 s11, $0x3;
	s24 =	sshrl.u32 s16, $0x1;
	s3 =	sadd.s32 s22, s1  }
0xe: {  	s13 =	sadd.s32 s23, s0;
	s12 =	sadd.s32 s22, s12;
	s15 =	sadd.s32 s15, s0  }
0xf: {  	s14 =	sadd.s32 s11, s14;
	s11 =	sadd.s32 s11, s2;
	s19 =	sshrl.u32 s3, $0x3  }
0x10: {  	s23 =	simm.s32 $0x400;
	s12 =	sshrl.u32 s12, $0x3;
	s14 =	sshrl.u32 s14, $0x3  }
0x11: {  	s13 =	sadd.s32 $0x52400, s13;
	s15 =	sadd.s32 $0x7A400, s15;
	s21 =	sshrl.u32 s11, $0x3  }
0x12: {  	s12 =	sadd.s32 s12, s0;
	s0 =	sadd.s32 s14, s0;
	[dreg:$0x5] =	wrdreg s13  }
0x13: {  	s14 =	ssub.s32 s16, s24;
	s13 =	sor.u32 $0x1C01, s25;
	[dreg:$0x6] =	wrdreg s15  }
0x14: {  	s15 =	smul.u32 $0x50, s4;
	s24 =	simm.s32 $0x800;
	s26 =	sadd.s32 $0x89400, s12  }
0x15: {  	vm0 =	vcmask $0x2320;
	v1 =	vimm.f32 $0.0e+00;
	vm1 =	vcmask $0x2724;
	s25 =	simm.s32 $0x7D;
	s0 =	sadd.s32 $0x7F400, s0;
	[dreg:$0x7] =	wrdreg s26  }
0x16: {  	v0 =	vsel vm0, $0x3F800000, v1;
	v1 =	vsel vm1, $0x3F800000, v1;
	vm0 =	vmmov $0xff;
	s18 =	smax.u32 s14, $0x1;
	[dreg:$0x8] =	wrdreg s0;
	s26 =	simm.s32 $0xBF8  }
.LBB2_1:
0x17: {  	s0 =	rddreg [dreg:$0x5]  }
0x18: {  	[spmem:s19], [sflag:s13] =	dma.local [hbm:s0], $0x2800  }
0x19: {  	_ =	swait.ge [sflag:s20], $0x2800  }
0x1a: {  	[sflag:s20] =	ssyncset.done $0x0  }
0x1b: {  	s17 =	rddreg [dreg:$0x6];
	[sflag:s20] =	ssyncadd.s32 $0xFFFFD800  }
0x1c: {  	[spmem:s21], [sflag:s13] =	dma.local [hbm:s17], $0x500  }
0x1d: {  	_ =	swait.ge [sflag:s20], $0x500  }
0x1e: {  	s22 =	simm.s32 $0x0;
	[sflag:s20] =	ssyncset.done $0x0  }
0x1f: {  	s4 =	simm.s32 $0x61E8;
	s3 =	rddreg [dreg:$0x4];
	[sflag:s20] =	ssyncadd.s32 $0xFFFFFB00  }
0x20: {  	[tilespmem:s4], [sflag:$0x1] =	stream.linear.gather [hbm4b:s3+s22], $0x10, $0x38;
	[tilespmem:$0x1C9F8] =	vst v63  }
0x21: {  	_ =	swait.ge [sflag:s20], $0x10  }
0x22: {  	[sflag:s20] =	ssyncset.done $0x0  }
0x23: {  	[sflag:s20] =	ssyncadd.s32 $0xFFFFFFF0  }
0x24: {  	[bflag:$0x0] =	sbarrier.arrive $0xFFFF  }
0x25: {  	s0 =	simm.s32 $0x0;
	v2 =	vld [tilespmem:$0x61E8]  }
.LBB2_2:
0x26: {  	s3 =	sshll.u32 s0, $0x3  }
0x27: {  	s3 =	sadd.s32 s15, s3  }
0x28: {  	s4 =	sshll.u32 s3, $0x4  }
0x29: {  	s14 =	simm.s32 $0x0;
	s11 =	sadd.s32 s8, s4  }
0x2a: {  	[tilespmem:s14], [sflag:$0x1] =	stream.linear.gather [hbm4b:s11+s14], $0x400, $0x38;
	[tilespmem:$0x1C9F8] =	vst v63  }
0x2b: {  	_ =	swait.ge [sflag:s20], $0x400  }
0x2c: {  	[sflag:s20] =	ssyncset.done $0x0  }
0x2d: {  	s3 =	smul.u32 $0x7D, s3;
	s4 =	sadd.s32 s9, s4;
	[sflag:s20] =	ssyncadd.s32 $0xFFFFFC00  }
0x2e: {  	[tilespmem:s23], [sflag:$0x1] =	stream.linear.gather [hbm4b:s4+s14], $0x400, $0x38;
	[tilespmem:$0x1C9F8] =	vst v63  }
0x2f: {  	_ =	swait.ge [sflag:s20], $0x400  }
0x30: {  	s3 =	sshrl.u32 s3, $0x3;
	[sflag:s20] =	ssyncset.done $0x0  }
0x31: {  	s3 =	sadd.s32 s10, s3;
	[sflag:s20] =	ssyncadd.s32 $0xFFFFFC00  }
0x32: {  	[tilespmem:s24], [sflag:$0x1] =	stream.linear.gather [hbm4b:s3+s14], $0x3E8, $0x38;
	[tilespmem:$0x1C9F8] =	vst v63  }
0x33: {  	_ =	swait.ge [sflag:s20], $0x3E8  }
0x34: {  	[sflag:s20] =	ssyncset.done $0x0  }
0x35: {  	s3 =	simm.s32 $0x0;
	[sflag:s20] =	ssyncadd.s32 $0xFFFFFC18  }
.LBB2_3:
0x36: {  	s4 =	sshll.u32 s3, $0x7  }
0x37: {  	[tilespmem:s26], [sflag:$0x1] =	stream.indirect.gather [hbm4b:s6+s25], $0x10, s4, s25, $0xb8;
	[tilespmem:$0x1C9F8] =	vst v63  }
0x38: {  	_ =	swait.ge [sflag:s20], $0x7D0  }
0x39: {  	[sflag:s20] =	ssyncset.done $0x0  }
0x3a: {  	s22 =	sadd.s32 $0x400, s4;
	[sflag:s20] =	ssyncadd.s32 $0xFFFFF830  }
0x3b: {  	[tilespmem:s28], [sflag:$0x1] =	stream.indirect.gather [hbm4b:s7+s25], $0x10, s22, s25, $0xb8;
	[tilespmem:$0x1C9F8] =	vst v63  }
0x3c: {  	_ =	swait.ge [sflag:s20], $0x7D0  }
0x3d: {  	[sflag:s20] =	ssyncset.done $0x0  }
0x3e: {  	[sflag:s20] =	ssyncadd.s32 $0xFFFFF830  }
0x3f: {  	v3 =	vmov s14;
	[tilespmem:s29], [sflag:$0x1] =	stream.indirect.gather [hbm4b:s5+s25], $0x80, s4, s25, $0xb8;
	[tilespmem:$0x1C9F8] =	vst v63  }
0x40: {  	_ =	swait.ge [sflag:s20], $0x3E80  }
0x41: {  	[sflag:s20] =	ssyncset.done $0x0  }
0x42: {  	s17 =	simm.s32 $0x0;
	[sflag:s20] =	ssyncadd.s32 $0xFFFFC180  }
0x43: {  	v4 =	vld [tilespmem:s17+$0x13C8]  }
0x44: {  	v3 =	vld.idx.msk [tilespmem:v3+s24+$0x0], $0xffff  }
0x45: {  	v5 =	vld [tilespmem:s17+$0xBF8];
	_ =	sdelay $0x4  }
0x46: {  	v4 =	vadd.f32 v4, v5;
	v5 =	vmul.f32 v3, v2;
	_ =	sdelay $0x1  }
0x47: {  	v4 =	vadd.f32 v4, v5;
	_ =	sdelay $0x1  }
0x48: {  	v5 =	vmul.f32 $2.000000030e-01, v4  }
0x49: {  	vm1 =	vgt.f32 v4, $0.0e+00  }
0x4a: {  	v4 =	vsel vm1, v4, v5  }
0x4b: {  	v4 =	vmin.f32 v4, $6.000000000e+01  }
0x4c: {  	v4 =	vmul.f32 $1.442695020e+00, v4;
	_ =	sdelay $0x1  }
0x4d: {  	(erf) = vpow2.f32 v4;
	_ =	sdelay $0x4  }
0x4e: {  	v3 =	vmul.f32 v0, v3;
	_ =	sdelay $0x2  }
0x4f: {  	v4 =	vadd.f32 v1, v3  }
0x50: {  	v3 =	vpop (erf)  }
0x51: {  	v4 =	vsel vm0, v3, v4  }
0x52: {  	s11 =	simm.s32 $0x1BD8;
	[tilespmem:s17+$0x5A18] =	vst v4  }
0x53: {  	v6 =	vld [tilespmem:s11+$0x30]  }
0x54: {  	v10 =	vld [tilespmem:s11+$0xFFFFFFE0]  }
0x55: {  	v9 =	vld [tilespmem:s11+$0x10]  }
0x56: {  	v11 =	vbroadcast v3, $0x7;
	v7 =	vld [tilespmem:s11+$0x20]  }
0x57: {  	v14 =	vbroadcast v3, $0x2;
	v12 =	vbroadcast v3, $0x5;
	v8 =	vld [tilespmem:s11+$0xFFFFFFD0]  }
0x58: {  	v4 =	vbroadcast v3, $0x1;
	v5 =	vld [tilespmem:s11+$0x0];
	v13 =	vmul.f32 v6, v11  }
0x59: {  	s12 =	simm.s32 $0x40;
	s16 =	simm.s32 $0x1BD8;
	s4 =	smov.u32 s14;
	v10 =	vmul.f32 v14, v10;
	v6 =	vld [tilespmem:s11+$0xFFFFFFF0];
	v11 =	vbroadcast v3, $0x6  }
.LBB2_4:
0x5a: {  	p0 =	sne.s32 s12, $0x1F00;
	v14 =	vld [tilespmem:s11+$0xFFFFFFC0];
	v9 =	vmul.f32 v9, v12;
	[tilespmem:s11+$0x30] =	vst v13;
	s4 =	sadd.s32 $0x1, s4;
	s16 =	sadd.s32 $0x80, s16  }
0x5b: {  	s17 =	smov.u32 s12;
	s12 =	sadd.s32 $0x40, s12;
	[tilespmem:s11+$0xFFFFFFE0] =	vst v10;
	v10 =	vbroadcast v3, $0x4;
	v7 =	vmul.f32 v7, v11  }
0x5c: {  	v4 =	vmul.f32 v4, v8;
	v8 =	vbroadcast v3, $0x3;
	[tilespmem:s11+$0x10] =	vst v9  }
0x5d: {  	v3 =	vbroadcast v3, $0x0;
	v5 =	vmul.f32 v5, v10;
	[tilespmem:s11+$0x20] =	vst v7  }
0x5e: {  	v7 =	vmov s4;
	[tilespmem:s11+$0xFFFFFFD0] =	vst v4;
	v4 =	vmul.f32 v8, v6  }
0x5f: {  	v3 =	vmul.f32 v3, v14;
	[tilespmem:s11+$0x0] =	vst v5  }
0x60: {  	[tilespmem:s11+$0xFFFFFFF0] =	vst v4  }
0x61: {  	s17 =	sshra.s32 s17, $0x2;
	[tilespmem:s11+$0xFFFFFFC0] =	vst v3;
	s11 =	smov.u32 s16  }
0x62: {  	v3 =	vld [tilespmem:s17+$0x13C8]  }
0x63: {  	v4 =	vld.idx.msk [tilespmem:v7+s24+$0x0], $0xffff  }
0x64: {  	v5 =	vld [tilespmem:s17+$0xBF8];
	_ =	sdelay $0x4  }
0x65: {  	v3 =	vadd.f32 v3, v5;
	v5 =	vmul.f32 v4, v2;
	v4 =	vmul.f32 v0, v4;
	_ =	sdelay $0x1  }
0x66: {  	v3 =	vadd.f32 v3, v5;
	_ =	sdelay $0x1  }
0x67: {  	v5 =	vmul.f32 $2.000000030e-01, v3  }
0x68: {  	vm1 =	vgt.f32 v3, $0.0e+00  }
0x69: {  	v3 =	vsel vm1, v3, v5  }
0x6a: {  	v3 =	vmin.f32 v3, $6.000000000e+01  }
0x6b: {  	v3 =	vmul.f32 $1.442695020e+00, v3;
	_ =	sdelay $0x1  }
0x6c: {  	(erf) = vpow2.f32 v3;
	_ =	sdelay $0x7  }
0x6d: {  	v4 =	vadd.f32 v1, v4  }
0x6e: {  	v3 =	vpop (erf)  }
0x6f: {  	v5 =	vsel vm0, v3, v4;
	v4 =	vbroadcast v3, $0x1  }
0x70: {  	[tilespmem:s17+$0x5A18] =	vst v5  }
0x71: {  	v6 =	vld [tilespmem:s16+$0x30]  }
0x72: {  	v10 =	vld [tilespmem:s16+$0xFFFFFFE0]  }
.Ltmp0:
0x73: {  	v9 =	vld [tilespmem:s16+$0x10];
	(pc) =	sbr.rel @p0 .LBB2_4-.Ltmp0, $4  }
0x74: {  	v11 =	vbroadcast v3, $0x7;
	v7 =	vld [tilespmem:s16+$0x20]  }
0x75: {  	v14 =	vbroadcast v3, $0x2;
	v8 =	vld [tilespmem:s16+$0xFFFFFFD0]  }
0x76: {  	v12 =	vbroadcast v3, $0x5;
	v5 =	vld [tilespmem:s16+$0x0];
	v13 =	vmul.f32 v6, v11  }
0x77: {  	v11 =	vbroadcast v3, $0x6;
	v10 =	vmul.f32 v14, v10;
	v6 =	vld [tilespmem:s16+$0xFFFFFFF0]  }
0x78: {  	v14 =	vld [tilespmem:s11+$0xFFFFFFC0];
	v9 =	vmul.f32 v9, v12;
	[tilespmem:s11+$0x30] =	vst v13  }
0x79: {  	v61 =	vbroadcast v3, $0x4;
	[tilespmem:s11+$0xFFFFFFE0] =	vst v10;
	v7 =	vmul.f32 v7, v11  }
0x7a: {  	v62 =	vbroadcast v3, $0x3;
	v4 =	vmul.f32 v4, v8;
	[tilespmem:s11+$0x10] =	vst v9  }
0x7b: {  	v3 =	vbroadcast v3, $0x0;
	v5 =	vmul.f32 v5, v61;
	[tilespmem:s11+$0x20] =	vst v7  }
0x7c: {  	[tilespmem:s11+$0xFFFFFFD0] =	vst v4;
	v63 =	vmul.f32 v62, v6  }
0x7d: {  	v3 =	vmul.f32 v3, v14;
	[tilespmem:s11+$0x0] =	vst v5  }
0x7e: {  	[tilespmem:s11+$0xFFFFFFF0] =	vst v63  }
0x7f: {  	[tilespmem:s11+$0xFFFFFFC0] =	vst v3  }
0x80: {  	[spmem:s2] =	stream.indirect.scatter.add.f32 [tilespmem:s30], [sflag:$0x1], $0x10, s22, s25, $0xb8;
	[tilespmem:$0x1C9F8] =	vst v63  }
0x81: {  	s3 =	sadd.s32 $0x1, s3;
	_ =	swait.ge [sflag:s20], $0x7D0  }
0x82: {  	p0 =	sne.s32 s3, $0x8;
	[sflag:s20] =	ssyncset.done $0x0  }
.Ltmp1:
0x83: {  	[sflag:s20] =	ssyncadd.s32 $0xFFFFF830;
	(pc) =	sbr.rel @p0 .LBB2_3-.Ltmp1, $4  }
0x84: {  	[spmem:s1] =	stream.indirect.scatter.add.f32 [tilespmem:s29], [sflag:$0x1], $0x80, s22, s25, $0xb8;
	[tilespmem:$0x1C9F8] =	vst v63  }
0x85: {  	_ =	swait.ge [sflag:s20], $0x3E80  }
0x86: {  	[sflag:s20] =	ssyncset.done $0x0  }
0x87: {  	s14 =	sadd.s32 $0x7D, s14;
	[sflag:s20] =	ssyncadd.s32 $0xFFFFC180  }
0x88: {  	s0 =	sadd.s32 $0x1, s0  }
0x89: {  	p0 =	sne.s32 s0, $0xA  }
.Ltmp2:
0x8a: {  	_ = 	snop;
	(pc) =	sbr.rel @p0 .LBB2_2-.Ltmp2, $1  }
0x8b: {  	_ =	sdelay $0x3  }
0x8c: {  	[bflag:$0x0] =	sbarrier.arrive $0xFFFF  }
0x8d: {  	s0 =	rddreg [dreg:$0x7]  }
0x8e: {  	[hbm:s0], [sflag:s13] =	dma.local [spmem:s19], $0x2800  }
0x8f: {  	s31 =	sadd.s32 $0x1, s31;
	_ =	swait.ge [sflag:s20], $0x2800  }
0x90: {  	p0 =	sne.s32 s31, s18;
	[sflag:s20] =	ssyncset.done $0x0  }
.Ltmp3:
0x91: {  	s22 =	rddreg [dreg:$0x8];
	[sflag:s20] =	ssyncadd.s32 $0xFFFFD800;
	(pc) =	sbr.rel @p0 .LBB2_1-.Ltmp3, $4  }
0x92: {  	[hbm:s22], [sflag:s13] =	dma.local [spmem:s21], $0x500  }
0x93: {  	_ =	swait.ge [sflag:s20], $0x500  }
0x94: {  	[sflag:s20] =	ssyncset.done $0x0  }
0x95: {  	[sflag:s20] =	ssyncadd.s32 $0xFFFFFB00  }
0x96: {  	_ =	sfence.sel $0x180000  }
0x97: {  	[bflag:$0x0] =	sbarrier.arrive $0xFFFF  }
0x98: {  	_ =	strace $0x90000047  }
0x99: {  	s0 =	stileid.u32;
	[bflag:$0x2] =	sbarrier.arrive $0xFFFF  }
0x9a: {  	p0 =	sne.s32 s0, $0x0;
	s0 =	rddreg [dreg:$0x3]  }
0x9b: {  	s0 =	sadd.s32 @!p0 $0x100000, s0  }
0x9c: {  	[sflag:s0] =	ssyncadd.tile.s32 @!p0 $0x1;
	_ =	shalt  }
.Lfunc_end2:
_tile_overlayer_lowered:
.L_overlay_start_2:
0x9d: {  	(tag) =	ssettag $0x2  }
0x9e: {  	s0 =	rddreg [dreg:$0x0];
	s2 =	stileid.u32  }
0x9f: {  	s1 =	rddreg [dreg:$0x1];
	p0 =	sne.s32 s2, $0x0  }
0xa0: {  	s3 =	rddreg [dreg:$0x2];
	[bflag:$0x3] =	sbarrier.arrive $0xFFFF;
	s2 =	simm.s32 @!p0 $0x1C01  }
0xa1: {  	[timem:s3], [sflag:s2] =	dma.local @!p0 [hbm:s0], s1  }
0xa2: {  	s0 =	simm.s32 @!p0 $0x1  }
0xa3: {  	_ =	swait.ge @!p0 [sflag:s0], s1  }
0xa4: {  	s1 =	ssub.s32 @!p0 $0x0, s1;
	[sflag:s0] =	ssyncset.done @!p0 $0x0  }
0xa5: {  	[sflag:s0] =	ssyncadd.s32 @!p0 s1  }
0xa6: {  	[bflag:$0x3] =	sbarrier.arrive $0xFFFF  }
0xa7: {  	_ =	shalt  }

</sc_bundles>
